<compile_context>
chip_gen: v7x
topology: tpu7x:2x2x1
jax: 0.10.2.dev20260603
libtpu: 0.0.44.dev20260713+nightly
codegen_flags: <defaults>
</compile_context>

<pallas_src>
import functools

import jax
import jax.numpy as jnp
from jax import lax
from jax.experimental import pallas as pl
from jax.experimental.pallas import tpu as pltpu
from jax.experimental.pallas import tpu_sc as plsc

N = 10000
E = 320000
D = 128
H = 256

NC = 2
NS = 16
NW = NC * NS
C = 128
SBC = 20
EPT = -(-(E // NW) // (C * SBC)) * (C * SBC)
NCHUNK = EPT // C
NSB = NCHUNK // SBC
ZROWS = 632
NSH = ZROWS * NS
NPAD_ROWS = NSH - N
ORECS = 624
OREM = N - ORECS * NS
BR = 1000
NBLK = N // BR


def _sc_body(x_hbm, srcp_hbm, dstp_hbm, zeros_hbm, out_hbm,
             sidx_a, didx_a, sidx_b, didx_b, rows_v, rows1_v, agg_sh,
             gsem, gsem1, isem_a, isem_b, zsem):
    cid = lax.axis_index("c")
    sid = lax.axis_index("s")
    wid = cid * NS + sid

    pltpu.async_copy(srcp_hbm.at[wid, 0], sidx_a, isem_a)
    pltpu.async_copy(dstp_hbm.at[wid, 0], didx_a, isem_a)
    pltpu.async_copy(srcp_hbm.at[wid, 1], sidx_b, isem_b)
    pltpu.async_copy(dstp_hbm.at[wid, 1], didx_b, isem_b)

    base = sid * ZROWS
    zcopies = []
    pltpu.sync_copy(zeros_hbm.at[sid], rows1_v)
    for k in range(ZROWS // C):
        zcopies.append((rows1_v, agg_sh.at[pl.ds(base + k * C, C)]))
    rem = ZROWS % C
    if rem:
        zcopies.append((rows1_v.at[pl.ds(0, rem)],
                        agg_sh.at[pl.ds(base + (ZROWS // C) * C, rem)]))
    for s, d in zcopies:
        pltpu.async_copy(s, d, zsem)
    for s, d in zcopies:
        pltpu.make_async_copy(s, d, zsem).wait()
    plsc.subcore_barrier()

    def process(sidx_v, didx_v, isem, sb, restage, nsb):
        pltpu.make_async_copy(srcp_hbm.at[wid, sb], sidx_v, isem).wait()
        pltpu.make_async_copy(dstp_hbm.at[wid, sb], didx_v, isem).wait()
        pltpu.async_copy(x_hbm.at[sidx_v.at[0]], rows_v, gsem)
        if restage is not None:
            nsidx, ndidx, nisem = restage
            pltpu.async_copy(srcp_hbm.at[wid, nsb], nsidx, nisem)
            pltpu.async_copy(dstp_hbm.at[wid, nsb], ndidx, nisem)

        def chunk_pair(i, _):
            j = 2 * i
            pltpu.async_copy(x_hbm.at[sidx_v.at[j + 1]], rows1_v, gsem1)
            pltpu.make_async_copy(x_hbm.at[sidx_v.at[j]], rows_v, gsem).wait()
            pltpu.sync_copy(rows_v, agg_sh.at[didx_v.at[j]], add=True)

            @pl.when(j + 2 < SBC)
            def _next():
                pltpu.async_copy(x_hbm.at[sidx_v.at[j + 2]], rows_v, gsem)

            pltpu.make_async_copy(
                x_hbm.at[sidx_v.at[j + 1]], rows1_v, gsem1).wait()
            pltpu.sync_copy(rows1_v, agg_sh.at[didx_v.at[j + 1]], add=True)
            return _

        lax.fori_loop(0, SBC // 2, chunk_pair, None)

    banks = [(sidx_a, didx_a, isem_a), (sidx_b, didx_b, isem_b)]
    for sb in range(NSB):
        sidx_v, didx_v, isem = banks[sb % 2]
        if 1 <= sb <= NSB - 2:
            restage, nsb = banks[(sb + 1) % 2], sb + 1
        else:
            restage, nsb = None, None
        process(sidx_v, didx_v, isem, sb, restage, nsb)
    plsc.subcore_barrier()

    pltpu.sync_copy(agg_sh.at[pl.ds(sid * ORECS, ORECS)],
                    out_hbm.at[cid, pl.ds(sid * ORECS, ORECS)])

    @pl.when(sid == NS - 1)
    def _tail():
        pltpu.sync_copy(agg_sh.at[pl.ds(ORECS * NS, OREM)],
                        out_hbm.at[cid, pl.ds(ORECS * NS, OREM)])


_sc_aggregate = functools.partial(
    pl.kernel,
    out_type=jax.ShapeDtypeStruct((NC, N, D), jnp.float32),
    mesh=plsc.VectorSubcoreMesh(core_axis_name="c", subcore_axis_name="s"),
    scratch_types=[
        pltpu.VMEM((SBC, C), jnp.int32),
        pltpu.VMEM((SBC, C), jnp.int32),
        pltpu.VMEM((SBC, C), jnp.int32),
        pltpu.VMEM((SBC, C), jnp.int32),
        pltpu.VMEM((C, D), jnp.float32),
        pltpu.VMEM((C, D), jnp.float32),
        pltpu.VMEM_SHARED((NSH, D), jnp.float32),
        pltpu.SemaphoreType.DMA,
        pltpu.SemaphoreType.DMA,
        pltpu.SemaphoreType.DMA,
        pltpu.SemaphoreType.DMA,
        pltpu.SemaphoreType.DMA,
    ],
)(_sc_body)


def _tc_body(agg_ref, x_ref, eps_ref, w1_ref, b1_ref, w2_ref, b2_ref,
             gamma_ref, beta_ref, out_ref, h_sc, s_sc):
    p = pl.program_id(0)
    j = pl.program_id(1)

    @pl.when(p == 0)
    def _pass0():
        @pl.when(j == 0)
        def _init():
            s_sc[...] = jnp.zeros_like(s_sc)

        a = agg_ref[0] + agg_ref[1] + eps_ref[0, 0] * x_ref[...]
        h1 = jnp.maximum(
            jnp.dot(a, w1_ref[...], preferred_element_type=jnp.float32)
            + b1_ref[...], 0.0)
        h2 = jnp.maximum(
            jnp.dot(h1, w2_ref[...], preferred_element_type=jnp.float32)
            + b2_ref[...], 0.0)
        h_sc[pl.ds(j * BR, BR), :] = h2
        s_sc[0:1, :] += jnp.sum(h2, axis=0, keepdims=True)
        s_sc[1:2, :] += jnp.sum(h2 * h2, axis=0, keepdims=True)

    @pl.when(p == 1)
    def _pass1():
        mean = s_sc[0:1, :] * (1.0 / N)
        var = s_sc[1:2, :] * (1.0 / N) - mean * mean
        inv = lax.rsqrt(var + 1e-5)
        hb = h_sc[pl.ds(j * BR, BR), :]
        out_ref[...] = gamma_ref[...] * ((hb - mean) * inv) + beta_ref[...]


def kernel(x, edge_index, eps, W1, b1, W2, b2, gamma, beta):
    src = edge_index[0].reshape(NW, E // NW)
    dst = edge_index[1].reshape(NW, E // NW)
    ppw = EPT - E // NW
    pad_ids = jnp.arange(NW * ppw, dtype=jnp.int32).reshape(NW, ppw)
    srcp = jnp.concatenate(
        [src, pad_ids % N], axis=1).reshape(NW, NSB, SBC, C)
    dstp = jnp.concatenate(
        [dst, N + pad_ids % NPAD_ROWS], axis=1).reshape(NW, NSB, SBC, C)
    zeros = jnp.zeros((NS, C, D), jnp.float32)

    agg2 = _sc_aggregate(x, srcp, dstp, zeros)

    def bsel(p, j):
        return jnp.where(p == 0, j, 0)

    out = pl.pallas_call(
        _tc_body,
        grid=(2, NBLK),
        in_specs=[
            pl.BlockSpec((NC, BR, D), lambda p, j: (0, bsel(p, j), 0)),
            pl.BlockSpec((BR, D), lambda p, j: (bsel(p, j), 0)),
            pl.BlockSpec(memory_space=pltpu.SMEM),
            pl.BlockSpec((D, H), lambda p, j: (0, 0)),
            pl.BlockSpec((1, H), lambda p, j: (0, 0)),
            pl.BlockSpec((H, D), lambda p, j: (0, 0)),
            pl.BlockSpec((1, D), lambda p, j: (0, 0)),
            pl.BlockSpec((1, D), lambda p, j: (0, 0)),
            pl.BlockSpec((1, D), lambda p, j: (0, 0)),
        ],
        out_specs=pl.BlockSpec((BR, D), lambda p, j: (jnp.where(p == 0, 0, j), 0)),
        out_shape=jax.ShapeDtypeStruct((N, D), jnp.float32),
        scratch_shapes=[
            pltpu.VMEM((N, D), jnp.float32),
            pltpu.VMEM((8, D), jnp.float32),
        ],
    )(agg2, x, eps.reshape(1, 1), W1, b1.reshape(1, H), W2,
      b2.reshape(1, D), gamma.reshape(1, D), beta.reshape(1, D))
    return out

# --- scband reference (transcript-rebuilt; emitter-appended) ---
"""Pipeline reference for scband-graph-conv-v3-22067541967340 (READ-ONLY COPY).

The authoritative reference and input builder live on the scoring server;
editing this copy changes nothing except your own understanding.
"""

import jax, jax.numpy as jnp
import numpy as np

N = 10000
E = 320000
D = 128
H = 256  # hidden_dim = min(2*input_dim, 256)


def setup_inputs(seed: int = 0) -> dict:
    key = jax.random.key(seed)
    k1, k2, k3, k4 = jax.random.split(key, 4)
    x = jax.random.normal(k1, (N, D), dtype=jnp.float32)
    # int32 indices (jax default int without x64); values in [0, N)
    edge_index = jax.random.randint(k2, (2, E), 0, N)
    # learned parameters
    eps = jnp.array(1.0, dtype=jnp.float32)
    W1 = jax.random.normal(k3, (D, H), dtype=jnp.float32) * (1.0 / np.sqrt(D))
    b1 = jnp.zeros((H,), dtype=jnp.float32)
    W2 = jax.random.normal(k4, (H, D), dtype=jnp.float32) * (1.0 / np.sqrt(H))
    b2 = jnp.zeros((D,), dtype=jnp.float32)
    gamma = jnp.ones((D,), dtype=jnp.float32)
    beta = jnp.zeros((D,), dtype=jnp.float32)
    return {"x": x, "edge_index": edge_index, "eps": eps, "W1": W1, "b1": b1,
            "W2": W2, "b2": b2, "gamma": gamma, "beta": beta}


def reference(x, edge_index, eps, W1, b1, W2, b2, gamma, beta):
    # --- scatter-based 'sum' neighborhood aggregation ---
    src = edge_index[0]
    dst = edge_index[1]
    msgs = jnp.take(x, src, axis=0)                       # gather neighbor feats (E, D)
    agg = jax.ops.segment_sum(msgs, dst, num_segments=N)  # scatter-add to centers (N, D)
    # single aggregation method -> alpha = [1.0]; learnable eps self-connection
    h = agg + eps * x
    # --- default backbone: Linear -> ReLU -> Linear -> ReLU -> BatchNorm1d (training stats) ---
    h = jax.nn.relu(h @ W1 + b1)
    h = jax.nn.relu(h @ W2 + b2)
    mean = jnp.mean(h, axis=0)
    var = jnp.var(h, axis=0)
    hn = (h - mean) / jnp.sqrt(var + 1e-5)
    return gamma * hn + beta

if __name__ == "__main__":
    import jax
    _d = setup_inputs()
    print(jax.jit(kernel)(*tuple(_d.values())))

</pallas_src>

<mosaic_0001>
#map = affine_map<(d0, d1) -> (0, 0)>
#map1 = affine_map<(d0, d1) -> (0, 0, 0, 0)>
#map2 = affine_map<(d0, d1) -> (0, 0, 0)>
module attributes {stable_mosaic.version = 14 : i64} {
  func.func @_sc_body(%arg0: i32, %arg1: i32, %arg2: memref<10000x128xf32, #tpu.memory_space<hbm>>, %arg3: memref<32x4x20x128xi32, #tpu.memory_space<hbm>>, %arg4: memref<32x4x20x128xi32, #tpu.memory_space<hbm>>, %arg5: memref<16x128x128xf32, #tpu.memory_space<hbm>>, %arg6: memref<2x10000x128xf32, #tpu.memory_space<hbm>>, %arg7: memref<20x128xi32, #tpu.memory_space<vmem>>, %arg8: memref<20x128xi32, #tpu.memory_space<vmem>>, %arg9: memref<20x128xi32, #tpu.memory_space<vmem>>, %arg10: memref<20x128xi32, #tpu.memory_space<vmem>>, %arg11: memref<128x128xf32, #tpu.memory_space<vmem>>, %arg12: memref<128x128xf32, #tpu.memory_space<vmem>>, %arg13: memref<10112x128xf32, #tpu.memory_space<vmem_shared>>, %arg14: memref<!tpu.dma_semaphore, #tpu.memory_space<semaphore_mem>>, %arg15: memref<!tpu.dma_semaphore, #tpu.memory_space<semaphore_mem>>, %arg16: memref<!tpu.dma_semaphore, #tpu.memory_space<semaphore_mem>>, %arg17: memref<!tpu.dma_semaphore, #tpu.memory_space<semaphore_mem>>, %arg18: memref<!tpu.dma_semaphore, #tpu.memory_space<semaphore_mem>>) attributes {dimension_semantics = [#tpu.dimension_semantics<core_parallel>, #tpu.dimension_semantics<subcore_parallel>], iteration_bounds = array<i64: 2, 16>, scalar_prefetch = 0 : i64, scratch_operands = 12 : i64, tpu.core_type = #tpu.core_type<sc_vector_subcore>, window_params = [{transform_indices = #map}, {transform_indices = #map1}, {transform_indices = #map1}, {transform_indices = #map2}, {transform_indices = #map2}]} {
    %mul3A = arith.constant 16 : i32
    %mul3A_0 = arith.muli %arg0, %mul3A : i32
    %add3A = arith.addi %mul3A_0, %arg1 : i32
    %dma_start3A = arith.constant 0 : i32
    %dma_start3A_1 = arith.constant 0 : i32
    %dma_start3A_2 = arith.constant 0 : i32
    %dma_start3A_3 = tpu.memref_slice %arg3[%add3A, %dma_start3A, %dma_start3A_1, %dma_start3A_2] : memref<32x4x20x128xi32, #tpu.memory_space<hbm>> -> memref<1x1x20x128xi32, #tpu.memory_space<hbm>>
    %dma_start3A_4 = tpu.memref_squeeze %dma_start3A_3 : memref<1x1x20x128xi32, #tpu.memory_space<hbm>> -> memref<20x128xi32, #tpu.memory_space<hbm>>
    %dma_start3A_5 = arith.constant 0 : i32
    %dma_start3A_6 = arith.constant 0 : i32
    %dma_start3A_7 = tpu.memref_slice %arg3[%add3A, %dma_start3A, %dma_start3A_5, %dma_start3A_6] : memref<32x4x20x128xi32, #tpu.memory_space<hbm>> -> memref<1x1x20x128xi32, #tpu.memory_space<hbm>>
    %dma_start3A_8 = tpu.memref_squeeze %dma_start3A_7 : memref<1x1x20x128xi32, #tpu.memory_space<hbm>> -> memref<20x128xi32, #tpu.memory_space<hbm>>
    tpu.enqueue_dma source(%dma_start3A_8 : memref<20x128xi32, #tpu.memory_space<hbm>>) target(%arg7 : memref<20x128xi32, #tpu.memory_space<vmem>>) target_semaphore(%arg16 : memref<!tpu.dma_semaphore, #tpu.memory_space<semaphore_mem>>)
    %dma_start3A_9 = arith.constant 0 : i32
    %dma_start3A_10 = arith.constant 0 : i32
    %dma_start3A_11 = arith.constant 0 : i32
    %dma_start3A_12 = tpu.memref_slice %arg4[%add3A, %dma_start3A_9, %dma_start3A_10, %dma_start3A_11] : memref<32x4x20x128xi32, #tpu.memory_space<hbm>> -> memref<1x1x20x128xi32, #tpu.memory_space<hbm>>
    %dma_start3A_13 = tpu.memref_squeeze %dma_start3A_12 : memref<1x1x20x128xi32, #tpu.memory_space<hbm>> -> memref<20x128xi32, #tpu.memory_space<hbm>>
    %dma_start3A_14 = arith.constant 0 : i32
    %dma_start3A_15 = arith.constant 0 : i32
    %dma_start3A_16 = tpu.memref_slice %arg4[%add3A, %dma_start3A_9, %dma_start3A_14, %dma_start3A_15] : memref<32x4x20x128xi32, #tpu.memory_space<hbm>> -> memref<1x1x20x128xi32, #tpu.memory_space<hbm>>
    %dma_start3A_17 = tpu.memref_squeeze %dma_start3A_16 : memref<1x1x20x128xi32, #tpu.memory_space<hbm>> -> memref<20x128xi32, #tpu.memory_space<hbm>>
    tpu.enqueue_dma source(%dma_start3A_17 : memref<20x128xi32, #tpu.memory_space<hbm>>) target(%arg8 : memref<20x128xi32, #tpu.memory_space<vmem>>) target_semaphore(%arg16 : memref<!tpu.dma_semaphore, #tpu.memory_space<semaphore_mem>>)
    %dma_start3A_18 = arith.constant 1 : i32
    %dma_start3A_19 = arith.constant 0 : i32
    %dma_start3A_20 = arith.constant 0 : i32
    %dma_start3A_21 = tpu.memref_slice %arg3[%add3A, %dma_start3A_18, %dma_start3A_19, %dma_start3A_20] : memref<32x4x20x128xi32, #tpu.memory_space<hbm>> -> memref<1x1x20x128xi32, #tpu.memory_space<hbm>>
    %dma_start3A_22 = tpu.memref_squeeze %dma_start3A_21 : memref<1x1x20x128xi32, #tpu.memory_space<hbm>> -> memref<20x128xi32, #tpu.memory_space<hbm>>
    %dma_start3A_23 = arith.constant 0 : i32
    %dma_start3A_24 = arith.constant 0 : i32
    %dma_start3A_25 = tpu.memref_slice %arg3[%add3A, %dma_start3A_18, %dma_start3A_23, %dma_start3A_24] : memref<32x4x20x128xi32, #tpu.memory_space<hbm>> -> memref<1x1x20x128xi32, #tpu.memory_space<hbm>>
    %dma_start3A_26 = tpu.memref_squeeze %dma_start3A_25 : memref<1x1x20x128xi32, #tpu.memory_space<hbm>> -> memref<20x128xi32, #tpu.memory_space<hbm>>
    tpu.enqueue_dma source(%dma_start3A_26 : memref<20x128xi32, #tpu.memory_space<hbm>>) target(%arg9 : memref<20x128xi32, #tpu.memory_space<vmem>>) target_semaphore(%arg17 : memref<!tpu.dma_semaphore, #tpu.memory_space<semaphore_mem>>)
    %dma_start3A_27 = arith.constant 1 : i32
    %dma_start3A_28 = arith.constant 0 : i32
    %dma_start3A_29 = arith.constant 0 : i32
    %dma_start3A_30 = tpu.memref_slice %arg4[%add3A, %dma_start3A_27, %dma_start3A_28, %dma_start3A_29] : memref<32x4x20x128xi32, #tpu.memory_space<hbm>> -> memref<1x1x20x128xi32, #tpu.memory_space<hbm>>
    %dma_start3A_31 = tpu.memref_squeeze %dma_start3A_30 : memref<1x1x20x128xi32, #tpu.memory_space<hbm>> -> memref<20x128xi32, #tpu.memory_space<hbm>>
    %dma_start3A_32 = arith.constant 0 : i32
    %dma_start3A_33 = arith.constant 0 : i32
    %dma_start3A_34 = tpu.memref_slice %arg4[%add3A, %dma_start3A_27, %dma_start3A_32, %dma_start3A_33] : memref<32x4x20x128xi32, #tpu.memory_space<hbm>> -> memref<1x1x20x128xi32, #tpu.memory_space<hbm>>
    %dma_start3A_35 = tpu.memref_squeeze %dma_start3A_34 : memref<1x1x20x128xi32, #tpu.memory_space<hbm>> -> memref<20x128xi32, #tpu.memory_space<hbm>>
    tpu.enqueue_dma source(%dma_start3A_35 : memref<20x128xi32, #tpu.memory_space<hbm>>) target(%arg10 : memref<20x128xi32, #tpu.memory_space<vmem>>) target_semaphore(%arg17 : memref<!tpu.dma_semaphore, #tpu.memory_space<semaphore_mem>>)
    %mul3A_36 = arith.constant 632 : i32
    %mul3A_37 = arith.muli %arg1, %mul3A_36 : i32
    "tpu.region"() ({
      %run_scoped3A = tpu.sem_alloc : memref<!tpu.dma_semaphore, #tpu.memory_space<semaphore_mem>>
      %dma_start3A_261 = arith.constant 0 : i32
      %dma_start3A_262 = arith.constant 0 : i32
      %dma_start3A_263 = tpu.memref_slice %arg5[%arg1, %dma_start3A_261, %dma_start3A_262] : memref<16x128x128xf32, #tpu.memory_space<hbm>> -> memref<1x128x128xf32, #tpu.memory_space<hbm>>
      %dma_start3A_264 = tpu.memref_squeeze %dma_start3A_263 : memref<1x128x128xf32, #tpu.memory_space<hbm>> -> memref<128x128xf32, #tpu.memory_space<hbm>>
      %dma_start3A_265 = arith.constant 0 : i32
      %dma_start3A_266 = arith.constant 0 : i32
      %dma_start3A_267 = tpu.memref_slice %arg5[%arg1, %dma_start3A_265, %dma_start3A_266] : memref<16x128x128xf32, #tpu.memory_space<hbm>> -> memref<1x128x128xf32, #tpu.memory_space<hbm>>
      %dma_start3A_268 = tpu.memref_squeeze %dma_start3A_267 : memref<1x128x128xf32, #tpu.memory_space<hbm>> -> memref<128x128xf32, #tpu.memory_space<hbm>>
      tpu.enqueue_dma source(%dma_start3A_268 : memref<128x128xf32, #tpu.memory_space<hbm>>) target(%arg12 : memref<128x128xf32, #tpu.memory_space<vmem>>) target_semaphore(%run_scoped3A : memref<!tpu.dma_semaphore, #tpu.memory_space<semaphore_mem>>)
      %dma_wait3A_269 = arith.constant 0 : i32
      %dma_wait3A_270 = arith.constant 0 : i32
      %dma_wait3A_271 = tpu.memref_slice %arg5[%arg1, %dma_wait3A_269, %dma_wait3A_270] : memref<16x128x128xf32, #tpu.memory_space<hbm>> -> memref<1x128x128xf32, #tpu.memory_space<hbm>>
      %dma_wait3A_272 = tpu.memref_squeeze %dma_wait3A_271 : memref<1x128x128xf32, #tpu.memory_space<hbm>> -> memref<128x128xf32, #tpu.memory_space<hbm>>
      %dma_wait3A_273 = arith.constant 0 : i32
      %dma_wait3A_274 = arith.constant 0 : i32
      %dma_wait3A_275 = tpu.memref_slice %arg5[%arg1, %dma_wait3A_273, %dma_wait3A_274] : memref<16x128x128xf32, #tpu.memory_space<hbm>> -> memref<1x128x128xf32, #tpu.memory_space<hbm>>
      %dma_wait3A_276 = tpu.memref_squeeze %dma_wait3A_275 : memref<1x128x128xf32, #tpu.memory_space<hbm>> -> memref<128x128xf32, #tpu.memory_space<hbm>>
      tpu.wait_dma2 semaphore(%run_scoped3A : memref<!tpu.dma_semaphore, #tpu.memory_space<semaphore_mem>>) src(%dma_wait3A_276 : memref<128x128xf32, #tpu.memory_space<hbm>>) dst(%arg12 : memref<128x128xf32, #tpu.memory_space<vmem>>)
      tpu.yield
    }) : () -> ()
    %add3A_38 = arith.constant 0 : i32
    %add3A_39 = arith.addi %mul3A_37, %add3A_38 : i32
    %add3A_40 = arith.constant 128 : i32
    %add3A_41 = arith.addi %mul3A_37, %add3A_40 : i32
    %add3A_42 = arith.constant 256 : i32
    %add3A_43 = arith.addi %mul3A_37, %add3A_42 : i32
    %add3A_44 = arith.constant 384 : i32
    %add3A_45 = arith.addi %mul3A_37, %add3A_44 : i32
    %add3A_46 = arith.constant 512 : i32
    %add3A_47 = arith.addi %mul3A_37, %add3A_46 : i32
    %dma_start3A_48 = arith.constant 0 : i32
    %dma_start3A_49 = tpu.memref_slice %arg13[%add3A_39, %dma_start3A_48] : memref<10112x128xf32, #tpu.memory_space<vmem_shared>> -> memref<128x128xf32, #tpu.memory_space<vmem_shared>>
    %dma_start3A_50 = arith.constant 0 : i32
    %dma_start3A_51 = tpu.memref_slice %arg13[%add3A_39, %dma_start3A_50] : memref<10112x128xf32, #tpu.memory_space<vmem_shared>> -> memref<128x128xf32, #tpu.memory_space<vmem_shared>>
    tpu.enqueue_dma source(%arg12 : memref<128x128xf32, #tpu.memory_space<vmem>>) target(%dma_start3A_51 : memref<128x128xf32, #tpu.memory_space<vmem_shared>>) target_semaphore(%arg18 : memref<!tpu.dma_semaphore, #tpu.memory_space<semaphore_mem>>)
    %dma_start3A_52 = arith.constant 0 : i32
    %dma_start3A_53 = tpu.memref_slice %arg13[%add3A_41, %dma_start3A_52] : memref<10112x128xf32, #tpu.memory_space<vmem_shared>> -> memref<128x128xf32, #tpu.memory_space<vmem_shared>>
    %dma_start3A_54 = arith.constant 0 : i32
    %dma_start3A_55 = tpu.memref_slice %arg13[%add3A_41, %dma_start3A_54] : memref<10112x128xf32, #tpu.memory_space<vmem_shared>> -> memref<128x128xf32, #tpu.memory_space<vmem_shared>>
    tpu.enqueue_dma source(%arg12 : memref<128x128xf32, #tpu.memory_space<vmem>>) target(%dma_start3A_55 : memref<128x128xf32, #tpu.memory_space<vmem_shared>>) target_semaphore(%arg18 : memref<!tpu.dma_semaphore, #tpu.memory_space<semaphore_mem>>)
    %dma_start3A_56 = arith.constant 0 : i32
    %dma_start3A_57 = tpu.memref_slice %arg13[%add3A_43, %dma_start3A_56] : memref<10112x128xf32, #tpu.memory_space<vmem_shared>> -> memref<128x128xf32, #tpu.memory_space<vmem_shared>>
    %dma_start3A_58 = arith.constant 0 : i32
    %dma_start3A_59 = tpu.memref_slice %arg13[%add3A_43, %dma_start3A_58] : memref<10112x128xf32, #tpu.memory_space<vmem_shared>> -> memref<128x128xf32, #tpu.memory_space<vmem_shared>>
    tpu.enqueue_dma source(%arg12 : memref<128x128xf32, #tpu.memory_space<vmem>>) target(%dma_start3A_59 : memref<128x128xf32, #tpu.memory_space<vmem_shared>>) target_semaphore(%arg18 : memref<!tpu.dma_semaphore, #tpu.memory_space<semaphore_mem>>)
    %dma_start3A_60 = arith.constant 0 : i32
    %dma_start3A_61 = tpu.memref_slice %arg13[%add3A_45, %dma_start3A_60] : memref<10112x128xf32, #tpu.memory_space<vmem_shared>> -> memref<128x128xf32, #tpu.memory_space<vmem_shared>>
    %dma_start3A_62 = arith.constant 0 : i32
    %dma_start3A_63 = tpu.memref_slice %arg13[%add3A_45, %dma_start3A_62] : memref<10112x128xf32, #tpu.memory_space<vmem_shared>> -> memref<128x128xf32, #tpu.memory_space<vmem_shared>>
    tpu.enqueue_dma source(%arg12 : memref<128x128xf32, #tpu.memory_space<vmem>>) target(%dma_start3A_63 : memref<128x128xf32, #tpu.memory_space<vmem_shared>>) target_semaphore(%arg18 : memref<!tpu.dma_semaphore, #tpu.memory_space<semaphore_mem>>)
    %dma_start3A_64 = arith.constant 0 : i32
    %dma_start3A_65 = arith.constant 0 : i32
    %dma_start3A_66 = tpu.memref_slice %arg12[%dma_start3A_64, %dma_start3A_65] : memref<128x128xf32, #tpu.memory_space<vmem>> -> memref<120x128xf32, #tpu.memory_space<vmem>>
    %dma_start3A_67 = arith.constant 0 : i32
    %dma_start3A_68 = tpu.memref_slice %arg13[%add3A_47, %dma_start3A_67] : memref<10112x128xf32, #tpu.memory_space<vmem_shared>> -> memref<120x128xf32, #tpu.memory_space<vmem_shared>>
    %dma_start3A_69 = arith.constant 0 : i32
    %dma_start3A_70 = tpu.memref_slice %arg13[%add3A_47, %dma_start3A_69] : memref<10112x128xf32, #tpu.memory_space<vmem_shared>> -> memref<120x128xf32, #tpu.memory_space<vmem_shared>>
    %dma_start3A_71 = arith.constant 0 : i32
    %dma_start3A_72 = arith.constant 0 : i32
    %dma_start3A_73 = tpu.memref_slice %arg12[%dma_start3A_71, %dma_start3A_72] : memref<128x128xf32, #tpu.memory_space<vmem>> -> memref<120x128xf32, #tpu.memory_space<vmem>>
    tpu.enqueue_dma source(%dma_start3A_73 : memref<120x128xf32, #tpu.memory_space<vmem>>) target(%dma_start3A_70 : memref<120x128xf32, #tpu.memory_space<vmem_shared>>) target_semaphore(%arg18 : memref<!tpu.dma_semaphore, #tpu.memory_space<semaphore_mem>>)
    %dma_wait3A = arith.constant 0 : i32
    %dma_wait3A_74 = tpu.memref_slice %arg13[%add3A_39, %dma_wait3A] : memref<10112x128xf32, #tpu.memory_space<vmem_shared>> -> memref<128x128xf32, #tpu.memory_space<vmem_shared>>
    %dma_wait3A_75 = arith.constant 0 : i32
    %dma_wait3A_76 = tpu.memref_slice %arg13[%add3A_39, %dma_wait3A_75] : memref<10112x128xf32, #tpu.memory_space<vmem_shared>> -> memref<128x128xf32, #tpu.memory_space<vmem_shared>>
    tpu.wait_dma2 semaphore(%arg18 : memref<!tpu.dma_semaphore, #tpu.memory_space<semaphore_mem>>) src(%arg12 : memref<128x128xf32, #tpu.memory_space<vmem>>) dst(%dma_wait3A_76 : memref<128x128xf32, #tpu.memory_space<vmem_shared>>)
    %dma_wait3A_77 = arith.constant 0 : i32
    %dma_wait3A_78 = tpu.memref_slice %arg13[%add3A_41, %dma_wait3A_77] : memref<10112x128xf32, #tpu.memory_space<vmem_shared>> -> memref<128x128xf32, #tpu.memory_space<vmem_shared>>
    %dma_wait3A_79 = arith.constant 0 : i32
    %dma_wait3A_80 = tpu.memref_slice %arg13[%add3A_41, %dma_wait3A_79] : memref<10112x128xf32, #tpu.memory_space<vmem_shared>> -> memref<128x128xf32, #tpu.memory_space<vmem_shared>>
    tpu.wait_dma2 semaphore(%arg18 : memref<!tpu.dma_semaphore, #tpu.memory_space<semaphore_mem>>) src(%arg12 : memref<128x128xf32, #tpu.memory_space<vmem>>) dst(%dma_wait3A_80 : memref<128x128xf32, #tpu.memory_space<vmem_shared>>)
    %dma_wait3A_81 = arith.constant 0 : i32
    %dma_wait3A_82 = tpu.memref_slice %arg13[%add3A_43, %dma_wait3A_81] : memref<10112x128xf32, #tpu.memory_space<vmem_shared>> -> memref<128x128xf32, #tpu.memory_space<vmem_shared>>
    %dma_wait3A_83 = arith.constant 0 : i32
    %dma_wait3A_84 = tpu.memref_slice %arg13[%add3A_43, %dma_wait3A_83] : memref<10112x128xf32, #tpu.memory_space<vmem_shared>> -> memref<128x128xf32, #tpu.memory_space<vmem_shared>>
    tpu.wait_dma2 semaphore(%arg18 : memref<!tpu.dma_semaphore, #tpu.memory_space<semaphore_mem>>) src(%arg12 : memref<128x128xf32, #tpu.memory_space<vmem>>) dst(%dma_wait3A_84 : memref<128x128xf32, #tpu.memory_space<vmem_shared>>)
    %dma_wait3A_85 = arith.constant 0 : i32
    %dma_wait3A_86 = tpu.memref_slice %arg13[%add3A_45, %dma_wait3A_85] : memref<10112x128xf32, #tpu.memory_space<vmem_shared>> -> memref<128x128xf32, #tpu.memory_space<vmem_shared>>
    %dma_wait3A_87 = arith.constant 0 : i32
    %dma_wait3A_88 = tpu.memref_slice %arg13[%add3A_45, %dma_wait3A_87] : memref<10112x128xf32, #tpu.memory_space<vmem_shared>> -> memref<128x128xf32, #tpu.memory_space<vmem_shared>>
    tpu.wait_dma2 semaphore(%arg18 : memref<!tpu.dma_semaphore, #tpu.memory_space<semaphore_mem>>) src(%arg12 : memref<128x128xf32, #tpu.memory_space<vmem>>) dst(%dma_wait3A_88 : memref<128x128xf32, #tpu.memory_space<vmem_shared>>)
    %dma_wait3A_89 = arith.constant 0 : i32
    %dma_wait3A_90 = arith.constant 0 : i32
    %dma_wait3A_91 = tpu.memref_slice %arg12[%dma_wait3A_89, %dma_wait3A_90] : memref<128x128xf32, #tpu.memory_space<vmem>> -> memref<120x128xf32, #tpu.memory_space<vmem>>
    %dma_wait3A_92 = arith.constant 0 : i32
    %dma_wait3A_93 = tpu.memref_slice %arg13[%add3A_47, %dma_wait3A_92] : memref<10112x128xf32, #tpu.memory_space<vmem_shared>> -> memref<120x128xf32, #tpu.memory_space<vmem_shared>>
    %dma_wait3A_94 = arith.constant 0 : i32
    %dma_wait3A_95 = tpu.memref_slice %arg13[%add3A_47, %dma_wait3A_94] : memref<10112x128xf32, #tpu.memory_space<vmem_shared>> -> memref<120x128xf32, #tpu.memory_space<vmem_shared>>
    %dma_wait3A_96 = arith.constant 0 : i32
    %dma_wait3A_97 = arith.constant 0 : i32
    %dma_wait3A_98 = tpu.memref_slice %arg12[%dma_wait3A_96, %dma_wait3A_97] : memref<128x128xf32, #tpu.memory_space<vmem>> -> memref<120x128xf32, #tpu.memory_space<vmem>>
    tpu.wait_dma2 semaphore(%arg18 : memref<!tpu.dma_semaphore, #tpu.memory_space<semaphore_mem>>) src(%dma_wait3A_98 : memref<120x128xf32, #tpu.memory_space<vmem>>) dst(%dma_wait3A_95 : memref<120x128xf32, #tpu.memory_space<vmem_shared>>)
    %barrier3A = arith.constant 0 : index
    tpu.barrier barrier_id(%barrier3A)
    %dma_wait3A_99 = arith.constant 0 : i32
    %dma_wait3A_100 = arith.constant 0 : i32
    %dma_wait3A_101 = arith.constant 0 : i32
    %dma_wait3A_102 = tpu.memref_slice %arg3[%add3A, %dma_wait3A_99, %dma_wait3A_100, %dma_wait3A_101] : memref<32x4x20x128xi32, #tpu.memory_space<hbm>> -> memref<1x1x20x128xi32, #tpu.memory_space<hbm>>
    %dma_wait3A_103 = tpu.memref_squeeze %dma_wait3A_102 : memref<1x1x20x128xi32, #tpu.memory_space<hbm>> -> memref<20x128xi32, #tpu.memory_space<hbm>>
    %dma_wait3A_104 = arith.constant 0 : i32
    %dma_wait3A_105 = arith.constant 0 : i32
    %dma_wait3A_106 = tpu.memref_slice %arg3[%add3A, %dma_wait3A_99, %dma_wait3A_104, %dma_wait3A_105] : memref<32x4x20x128xi32, #tpu.memory_space<hbm>> -> memref<1x1x20x128xi32, #tpu.memory_space<hbm>>
    %dma_wait3A_107 = tpu.memref_squeeze %dma_wait3A_106 : memref<1x1x20x128xi32, #tpu.memory_space<hbm>> -> memref<20x128xi32, #tpu.memory_space<hbm>>
    tpu.wait_dma2 semaphore(%arg16 : memref<!tpu.dma_semaphore, #tpu.memory_space<semaphore_mem>>) src(%dma_wait3A_107 : memref<20x128xi32, #tpu.memory_space<hbm>>) dst(%arg7 : memref<20x128xi32, #tpu.memory_space<vmem>>)
    %dma_wait3A_108 = arith.constant 0 : i32
    %dma_wait3A_109 = arith.constant 0 : i32
    %dma_wait3A_110 = arith.constant 0 : i32
    %dma_wait3A_111 = tpu.memref_slice %arg4[%add3A, %dma_wait3A_108, %dma_wait3A_109, %dma_wait3A_110] : memref<32x4x20x128xi32, #tpu.memory_space<hbm>> -> memref<1x1x20x128xi32, #tpu.memory_space<hbm>>
    %dma_wait3A_112 = tpu.memref_squeeze %dma_wait3A_111 : memref<1x1x20x128xi32, #tpu.memory_space<hbm>> -> memref<20x128xi32, #tpu.memory_space<hbm>>
    %dma_wait3A_113 = arith.constant 0 : i32
    %dma_wait3A_114 = arith.constant 0 : i32
    %dma_wait3A_115 = tpu.memref_slice %arg4[%add3A, %dma_wait3A_108, %dma_wait3A_113, %dma_wait3A_114] : memref<32x4x20x128xi32, #tpu.memory_space<hbm>> -> memref<1x1x20x128xi32, #tpu.memory_space<hbm>>
    %dma_wait3A_116 = tpu.memref_squeeze %dma_wait3A_115 : memref<1x1x20x128xi32, #tpu.memory_space<hbm>> -> memref<20x128xi32, #tpu.memory_space<hbm>>
    tpu.wait_dma2 semaphore(%arg16 : memref<!tpu.dma_semaphore, #tpu.memory_space<semaphore_mem>>) src(%dma_wait3A_116 : memref<20x128xi32, #tpu.memory_space<hbm>>) dst(%arg8 : memref<20x128xi32, #tpu.memory_space<vmem>>)
    %dma_start3A_117 = arith.constant 0 : i32
    %dma_start3A_118 = arith.constant 0 : i32
    %dma_start3A_119 = tpu.memref_slice %arg7[%dma_start3A_117, %dma_start3A_118] : memref<20x128xi32, #tpu.memory_space<vmem>> -> memref<1x128xi32, #tpu.memory_space<vmem>>
    %dma_start3A_120 = tpu.memref_squeeze %dma_start3A_119 : memref<1x128xi32, #tpu.memory_space<vmem>> -> memref<128xi32, #tpu.memory_space<vmem>>
    %dma_start3A_121 = arith.constant 0 : i32
    %dma_start3A_122 = arith.constant 0 : i32
    %dma_start3A_123 = tpu.memref_slice %arg2[%dma_start3A_121, %dma_start3A_122] : memref<10000x128xf32, #tpu.memory_space<hbm>> -> memref<10000x128xf32, #tpu.memory_space<hbm>>
    tpu.enqueue_indirect_dma source(%dma_start3A_123 : memref<10000x128xf32, #tpu.memory_space<hbm>>) target(%arg11 : memref<128x128xf32, #tpu.memory_space<vmem>>) offsets(%dma_start3A_120 : memref<128xi32, #tpu.memory_space<vmem>>) semaphore(%arg14 : memref<!tpu.dma_semaphore, #tpu.memory_space<semaphore_mem>>)
    %scan3A = arith.constant 0 : i32
    %scan3A_124 = arith.constant 10 : i32
    %scan3A_125 = arith.addi %scan3A, %scan3A_124 : i32
    %scan3A_126 = arith.constant 1 : i32
    scf.for %scan3A_261 = %scan3A to %scan3A_125 step %scan3A_126  : i32 {
      %mul3A_262 = arith.constant 2 : i32
      %mul3A_263 = arith.muli %mul3A_262, %scan3A_261 : i32
      %add3A_264 = arith.constant 1 : i32
      %add3A_265 = arith.addi %mul3A_263, %add3A_264 : i32
      %dma_start3A_266 = arith.constant 0 : i32
      %dma_start3A_267 = tpu.memref_slice %arg7[%add3A_265, %dma_start3A_266] : memref<20x128xi32, #tpu.memory_space<vmem>> -> memref<1x128xi32, #tpu.memory_space<vmem>>
      %dma_start3A_268 = tpu.memref_squeeze %dma_start3A_267 : memref<1x128xi32, #tpu.memory_space<vmem>> -> memref<128xi32, #tpu.memory_space<vmem>>
      %dma_start3A_269 = arith.constant 0 : i32
      %dma_start3A_270 = arith.constant 0 : i32
      %dma_start3A_271 = tpu.memref_slice %arg2[%dma_start3A_269, %dma_start3A_270] : memref<10000x128xf32, #tpu.memory_space<hbm>> -> memref<10000x128xf32, #tpu.memory_space<hbm>>
      tpu.enqueue_indirect_dma source(%dma_start3A_271 : memref<10000x128xf32, #tpu.memory_space<hbm>>) target(%arg12 : memref<128x128xf32, #tpu.memory_space<vmem>>) offsets(%dma_start3A_268 : memref<128xi32, #tpu.memory_space<vmem>>) semaphore(%arg15 : memref<!tpu.dma_semaphore, #tpu.memory_space<semaphore_mem>>)
      %dma_wait3A_272 = arith.constant 0 : i32
      %dma_wait3A_273 = tpu.memref_slice %arg7[%mul3A_263, %dma_wait3A_272] : memref<20x128xi32, #tpu.memory_space<vmem>> -> memref<1x128xi32, #tpu.memory_space<vmem>>
      %dma_wait3A_274 = tpu.memref_squeeze %dma_wait3A_273 : memref<1x128xi32, #tpu.memory_space<vmem>> -> memref<128xi32, #tpu.memory_space<vmem>>
      %dma_wait3A_275 = arith.constant 0 : i32
      %dma_wait3A_276 = arith.constant 0 : i32
      %dma_wait3A_277 = tpu.memref_slice %arg2[%dma_wait3A_275, %dma_wait3A_276] : memref<10000x128xf32, #tpu.memory_space<hbm>> -> memref<10000x128xf32, #tpu.memory_space<hbm>>
      tpu.wait_indirect_dma semaphore(%arg14 : memref<!tpu.dma_semaphore, #tpu.memory_space<semaphore_mem>>) src(%dma_wait3A_277 : memref<10000x128xf32, #tpu.memory_space<hbm>>) dst(%arg11 : memref<128x128xf32, #tpu.memory_space<vmem>>)
      "tpu.region"() ({
        %run_scoped3A = tpu.sem_alloc : memref<!tpu.dma_semaphore, #tpu.memory_space<semaphore_mem>>
        %dma_start3A_294 = arith.constant 0 : i32
        %dma_start3A_295 = tpu.memref_slice %arg8[%mul3A_263, %dma_start3A_294] : memref<20x128xi32, #tpu.memory_space<vmem>> -> memref<1x128xi32, #tpu.memory_space<vmem>>
        %dma_start3A_296 = tpu.memref_squeeze %dma_start3A_295 : memref<1x128xi32, #tpu.memory_space<vmem>> -> memref<128xi32, #tpu.memory_space<vmem>>
        %dma_start3A_297 = arith.constant 0 : i32
        %dma_start3A_298 = arith.constant 0 : i32
        %dma_start3A_299 = tpu.memref_slice %arg13[%dma_start3A_297, %dma_start3A_298] : memref<10112x128xf32, #tpu.memory_space<vmem_shared>> -> memref<10112x128xf32, #tpu.memory_space<vmem_shared>>
        tpu.enqueue_indirect_dma source(%arg11 : memref<128x128xf32, #tpu.memory_space<vmem>>) target(%dma_start3A_299 : memref<10112x128xf32, #tpu.memory_space<vmem_shared>>) offsets(%dma_start3A_296 : memref<128xi32, #tpu.memory_space<vmem>>) semaphore(%run_scoped3A : memref<!tpu.dma_semaphore, #tpu.memory_space<semaphore_mem>>) {add = true}
        %dma_wait3A_300 = arith.constant 0 : i32
        %dma_wait3A_301 = tpu.memref_slice %arg8[%mul3A_263, %dma_wait3A_300] : memref<20x128xi32, #tpu.memory_space<vmem>> -> memref<1x128xi32, #tpu.memory_space<vmem>>
        %dma_wait3A_302 = tpu.memref_squeeze %dma_wait3A_301 : memref<1x128xi32, #tpu.memory_space<vmem>> -> memref<128xi32, #tpu.memory_space<vmem>>
        %dma_wait3A_303 = arith.constant 0 : i32
        %dma_wait3A_304 = arith.constant 0 : i32
        %dma_wait3A_305 = tpu.memref_slice %arg13[%dma_wait3A_303, %dma_wait3A_304] : memref<10112x128xf32, #tpu.memory_space<vmem_shared>> -> memref<10112x128xf32, #tpu.memory_space<vmem_shared>>
        tpu.wait_indirect_dma semaphore(%run_scoped3A : memref<!tpu.dma_semaphore, #tpu.memory_space<semaphore_mem>>) src(%arg11 : memref<128x128xf32, #tpu.memory_space<vmem>>) dst(%dma_wait3A_305 : memref<10112x128xf32, #tpu.memory_space<vmem_shared>>)
        tpu.yield
      }) : () -> ()
      %add3A_278 = arith.constant 2 : i32
      %add3A_279 = arith.addi %mul3A_263, %add3A_278 : i32
      %lt3A = arith.constant 20 : i32
      %lt3A_280 = arith.cmpi slt, %add3A_279, %lt3A : i32
      %convert_element_type3A_281 = arith.extui %lt3A_280 : i1 to i32
      %cond3A_282 = arith.constant 0 : i32
      %cond3A_283 = arith.cmpi ne, %convert_element_type3A_281, %cond3A_282 : i32
      scf.if %cond3A_283 {
        %add3A_294 = arith.constant 2 : i32
        %add3A_295 = arith.addi %mul3A_263, %add3A_294 : i32
        %dma_start3A_296 = arith.constant 0 : i32
        %dma_start3A_297 = tpu.memref_slice %arg7[%add3A_295, %dma_start3A_296] : memref<20x128xi32, #tpu.memory_space<vmem>> -> memref<1x128xi32, #tpu.memory_space<vmem>>
        %dma_start3A_298 = tpu.memref_squeeze %dma_start3A_297 : memref<1x128xi32, #tpu.memory_space<vmem>> -> memref<128xi32, #tpu.memory_space<vmem>>
        %dma_start3A_299 = arith.constant 0 : i32
        %dma_start3A_300 = arith.constant 0 : i32
        %dma_start3A_301 = tpu.memref_slice %arg2[%dma_start3A_299, %dma_start3A_300] : memref<10000x128xf32, #tpu.memory_space<hbm>> -> memref<10000x128xf32, #tpu.memory_space<hbm>>
        tpu.enqueue_indirect_dma source(%dma_start3A_301 : memref<10000x128xf32, #tpu.memory_space<hbm>>) target(%arg11 : memref<128x128xf32, #tpu.memory_space<vmem>>) offsets(%dma_start3A_298 : memref<128xi32, #tpu.memory_space<vmem>>) semaphore(%arg14 : memref<!tpu.dma_semaphore, #tpu.memory_space<semaphore_mem>>)
      } else {
      }
      %add3A_284 = arith.constant 1 : i32
      %add3A_285 = arith.addi %mul3A_263, %add3A_284 : i32
      %dma_wait3A_286 = arith.constant 0 : i32
      %dma_wait3A_287 = tpu.memref_slice %arg7[%add3A_285, %dma_wait3A_286] : memref<20x128xi32, #tpu.memory_space<vmem>> -> memref<1x128xi32, #tpu.memory_space<vmem>>
      %dma_wait3A_288 = tpu.memref_squeeze %dma_wait3A_287 : memref<1x128xi32, #tpu.memory_space<vmem>> -> memref<128xi32, #tpu.memory_space<vmem>>
      %dma_wait3A_289 = arith.constant 0 : i32
      %dma_wait3A_290 = arith.constant 0 : i32
      %dma_wait3A_291 = tpu.memref_slice %arg2[%dma_wait3A_289, %dma_wait3A_290] : memref<10000x128xf32, #tpu.memory_space<hbm>> -> memref<10000x128xf32, #tpu.memory_space<hbm>>
      tpu.wait_indirect_dma semaphore(%arg15 : memref<!tpu.dma_semaphore, #tpu.memory_space<semaphore_mem>>) src(%dma_wait3A_291 : memref<10000x128xf32, #tpu.memory_space<hbm>>) dst(%arg12 : memref<128x128xf32, #tpu.memory_space<vmem>>)
      %add3A_292 = arith.constant 1 : i32
      %add3A_293 = arith.addi %mul3A_263, %add3A_292 : i32
      "tpu.region"() ({
        %run_scoped3A = tpu.sem_alloc : memref<!tpu.dma_semaphore, #tpu.memory_space<semaphore_mem>>
        %dma_start3A_294 = arith.constant 0 : i32
        %dma_start3A_295 = tpu.memref_slice %arg8[%add3A_293, %dma_start3A_294] : memref<20x128xi32, #tpu.memory_space<vmem>> -> memref<1x128xi32, #tpu.memory_space<vmem>>
        %dma_start3A_296 = tpu.memref_squeeze %dma_start3A_295 : memref<1x128xi32, #tpu.memory_space<vmem>> -> memref<128xi32, #tpu.memory_space<vmem>>
        %dma_start3A_297 = arith.constant 0 : i32
        %dma_start3A_298 = arith.constant 0 : i32
        %dma_start3A_299 = tpu.memref_slice %arg13[%dma_start3A_297, %dma_start3A_298] : memref<10112x128xf32, #tpu.memory_space<vmem_shared>> -> memref<10112x128xf32, #tpu.memory_space<vmem_shared>>
        tpu.enqueue_indirect_dma source(%arg12 : memref<128x128xf32, #tpu.memory_space<vmem>>) target(%dma_start3A_299 : memref<10112x128xf32, #tpu.memory_space<vmem_shared>>) offsets(%dma_start3A_296 : memref<128xi32, #tpu.memory_space<vmem>>) semaphore(%run_scoped3A : memref<!tpu.dma_semaphore, #tpu.memory_space<semaphore_mem>>) {add = true}
        %dma_wait3A_300 = arith.constant 0 : i32
        %dma_wait3A_301 = tpu.memref_slice %arg8[%add3A_293, %dma_wait3A_300] : memref<20x128xi32, #tpu.memory_space<vmem>> -> memref<1x128xi32, #tpu.memory_space<vmem>>
        %dma_wait3A_302 = tpu.memref_squeeze %dma_wait3A_301 : memref<1x128xi32, #tpu.memory_space<vmem>> -> memref<128xi32, #tpu.memory_space<vmem>>
        %dma_wait3A_303 = arith.constant 0 : i32
        %dma_wait3A_304 = arith.constant 0 : i32
        %dma_wait3A_305 = tpu.memref_slice %arg13[%dma_wait3A_303, %dma_wait3A_304] : memref<10112x128xf32, #tpu.memory_space<vmem_shared>> -> memref<10112x128xf32, #tpu.memory_space<vmem_shared>>
        tpu.wait_indirect_dma semaphore(%run_scoped3A : memref<!tpu.dma_semaphore, #tpu.memory_space<semaphore_mem>>) src(%arg12 : memref<128x128xf32, #tpu.memory_space<vmem>>) dst(%dma_wait3A_305 : memref<10112x128xf32, #tpu.memory_space<vmem_shared>>)
        tpu.yield
      }) : () -> ()
    }
    %scan3A_127 = arith.constant 10 : i32
    %dma_wait3A_128 = arith.constant 1 : i32
    %dma_wait3A_129 = arith.constant 0 : i32
    %dma_wait3A_130 = arith.constant 0 : i32
    %dma_wait3A_131 = tpu.memref_slice %arg3[%add3A, %dma_wait3A_128, %dma_wait3A_129, %dma_wait3A_130] : memref<32x4x20x128xi32, #tpu.memory_space<hbm>> -> memref<1x1x20x128xi32, #tpu.memory_space<hbm>>
    %dma_wait3A_132 = tpu.memref_squeeze %dma_wait3A_131 : memref<1x1x20x128xi32, #tpu.memory_space<hbm>> -> memref<20x128xi32, #tpu.memory_space<hbm>>
    %dma_wait3A_133 = arith.constant 0 : i32
    %dma_wait3A_134 = arith.constant 0 : i32
    %dma_wait3A_135 = tpu.memref_slice %arg3[%add3A, %dma_wait3A_128, %dma_wait3A_133, %dma_wait3A_134] : memref<32x4x20x128xi32, #tpu.memory_space<hbm>> -> memref<1x1x20x128xi32, #tpu.memory_space<hbm>>
    %dma_wait3A_136 = tpu.memref_squeeze %dma_wait3A_135 : memref<1x1x20x128xi32, #tpu.memory_space<hbm>> -> memref<20x128xi32, #tpu.memory_space<hbm>>
    tpu.wait_dma2 semaphore(%arg17 : memref<!tpu.dma_semaphore, #tpu.memory_space<semaphore_mem>>) src(%dma_wait3A_136 : memref<20x128xi32, #tpu.memory_space<hbm>>) dst(%arg9 : memref<20x128xi32, #tpu.memory_space<vmem>>)
    %dma_wait3A_137 = arith.constant 1 : i32
    %dma_wait3A_138 = arith.constant 0 : i32
    %dma_wait3A_139 = arith.constant 0 : i32
    %dma_wait3A_140 = tpu.memref_slice %arg4[%add3A, %dma_wait3A_137, %dma_wait3A_138, %dma_wait3A_139] : memref<32x4x20x128xi32, #tpu.memory_space<hbm>> -> memref<1x1x20x128xi32, #tpu.memory_space<hbm>>
    %dma_wait3A_141 = tpu.memref_squeeze %dma_wait3A_140 : memref<1x1x20x128xi32, #tpu.memory_space<hbm>> -> memref<20x128xi32, #tpu.memory_space<hbm>>
    %dma_wait3A_142 = arith.constant 0 : i32
    %dma_wait3A_143 = arith.constant 0 : i32
    %dma_wait3A_144 = tpu.memref_slice %arg4[%add3A, %dma_wait3A_137, %dma_wait3A_142, %dma_wait3A_143] : memref<32x4x20x128xi32, #tpu.memory_space<hbm>> -> memref<1x1x20x128xi32, #tpu.memory_space<hbm>>
    %dma_wait3A_145 = tpu.memref_squeeze %dma_wait3A_144 : memref<1x1x20x128xi32, #tpu.memory_space<hbm>> -> memref<20x128xi32, #tpu.memory_space<hbm>>
    tpu.wait_dma2 semaphore(%arg17 : memref<!tpu.dma_semaphore, #tpu.memory_space<semaphore_mem>>) src(%dma_wait3A_145 : memref<20x128xi32, #tpu.memory_space<hbm>>) dst(%arg10 : memref<20x128xi32, #tpu.memory_space<vmem>>)
    %dma_start3A_146 = arith.constant 0 : i32
    %dma_start3A_147 = arith.constant 0 : i32
    %dma_start3A_148 = tpu.memref_slice %arg9[%dma_start3A_146, %dma_start3A_147] : memref<20x128xi32, #tpu.memory_space<vmem>> -> memref<1x128xi32, #tpu.memory_space<vmem>>
    %dma_start3A_149 = tpu.memref_squeeze %dma_start3A_148 : memref<1x128xi32, #tpu.memory_space<vmem>> -> memref<128xi32, #tpu.memory_space<vmem>>
    %dma_start3A_150 = arith.constant 0 : i32
    %dma_start3A_151 = arith.constant 0 : i32
    %dma_start3A_152 = tpu.memref_slice %arg2[%dma_start3A_150, %dma_start3A_151] : memref<10000x128xf32, #tpu.memory_space<hbm>> -> memref<10000x128xf32, #tpu.memory_space<hbm>>
    tpu.enqueue_indirect_dma source(%dma_start3A_152 : memref<10000x128xf32, #tpu.memory_space<hbm>>) target(%arg11 : memref<128x128xf32, #tpu.memory_space<vmem>>) offsets(%dma_start3A_149 : memref<128xi32, #tpu.memory_space<vmem>>) semaphore(%arg14 : memref<!tpu.dma_semaphore, #tpu.memory_space<semaphore_mem>>)
    %dma_start3A_153 = arith.constant 2 : i32
    %dma_start3A_154 = arith.constant 0 : i32
    %dma_start3A_155 = arith.constant 0 : i32
    %dma_start3A_156 = tpu.memref_slice %arg3[%add3A, %dma_start3A_153, %dma_start3A_154, %dma_start3A_155] : memref<32x4x20x128xi32, #tpu.memory_space<hbm>> -> memref<1x1x20x128xi32, #tpu.memory_space<hbm>>
    %dma_start3A_157 = tpu.memref_squeeze %dma_start3A_156 : memref<1x1x20x128xi32, #tpu.memory_space<hbm>> -> memref<20x128xi32, #tpu.memory_space<hbm>>
    %dma_start3A_158 = arith.constant 0 : i32
    %dma_start3A_159 = arith.constant 0 : i32
    %dma_start3A_160 = tpu.memref_slice %arg3[%add3A, %dma_start3A_153, %dma_start3A_158, %dma_start3A_159] : memref<32x4x20x128xi32, #tpu.memory_space<hbm>> -> memref<1x1x20x128xi32, #tpu.memory_space<hbm>>
    %dma_start3A_161 = tpu.memref_squeeze %dma_start3A_160 : memref<1x1x20x128xi32, #tpu.memory_space<hbm>> -> memref<20x128xi32, #tpu.memory_space<hbm>>
    tpu.enqueue_dma source(%dma_start3A_161 : memref<20x128xi32, #tpu.memory_space<hbm>>) target(%arg7 : memref<20x128xi32, #tpu.memory_space<vmem>>) target_semaphore(%arg16 : memref<!tpu.dma_semaphore, #tpu.memory_space<semaphore_mem>>)
    %dma_start3A_162 = arith.constant 2 : i32
    %dma_start3A_163 = arith.constant 0 : i32
    %dma_start3A_164 = arith.constant 0 : i32
    %dma_start3A_165 = tpu.memref_slice %arg4[%add3A, %dma_start3A_162, %dma_start3A_163, %dma_start3A_164] : memref<32x4x20x128xi32, #tpu.memory_space<hbm>> -> memref<1x1x20x128xi32, #tpu.memory_space<hbm>>
    %dma_start3A_166 = tpu.memref_squeeze %dma_start3A_165 : memref<1x1x20x128xi32, #tpu.memory_space<hbm>> -> memref<20x128xi32, #tpu.memory_space<hbm>>
    %dma_start3A_167 = arith.constant 0 : i32
    %dma_start3A_168 = arith.constant 0 : i32
    %dma_start3A_169 = tpu.memref_slice %arg4[%add3A, %dma_start3A_162, %dma_start3A_167, %dma_start3A_168] : memref<32x4x20x128xi32, #tpu.memory_space<hbm>> -> memref<1x1x20x128xi32, #tpu.memory_space<hbm>>
    %dma_start3A_170 = tpu.memref_squeeze %dma_start3A_169 : memref<1x1x20x128xi32, #tpu.memory_space<hbm>> -> memref<20x128xi32, #tpu.memory_space<hbm>>
    tpu.enqueue_dma source(%dma_start3A_170 : memref<20x128xi32, #tpu.memory_space<hbm>>) target(%arg8 : memref<20x128xi32, #tpu.memory_space<vmem>>) target_semaphore(%arg16 : memref<!tpu.dma_semaphore, #tpu.memory_space<semaphore_mem>>)
    %scan3A_171 = arith.constant 0 : i32
    %scan3A_172 = arith.constant 10 : i32
    %scan3A_173 = arith.addi %scan3A_171, %scan3A_172 : i32
    %scan3A_174 = arith.constant 1 : i32
    scf.for %scan3A_261 = %scan3A_171 to %scan3A_173 step %scan3A_174  : i32 {
      %mul3A_262 = arith.constant 2 : i32
      %mul3A_263 = arith.muli %mul3A_262, %scan3A_261 : i32
      %add3A_264 = arith.constant 1 : i32
      %add3A_265 = arith.addi %mul3A_263, %add3A_264 : i32
      %dma_start3A_266 = arith.constant 0 : i32
      %dma_start3A_267 = tpu.memref_slice %arg9[%add3A_265, %dma_start3A_266] : memref<20x128xi32, #tpu.memory_space<vmem>> -> memref<1x128xi32, #tpu.memory_space<vmem>>
      %dma_start3A_268 = tpu.memref_squeeze %dma_start3A_267 : memref<1x128xi32, #tpu.memory_space<vmem>> -> memref<128xi32, #tpu.memory_space<vmem>>
      %dma_start3A_269 = arith.constant 0 : i32
      %dma_start3A_270 = arith.constant 0 : i32
      %dma_start3A_271 = tpu.memref_slice %arg2[%dma_start3A_269, %dma_start3A_270] : memref<10000x128xf32, #tpu.memory_space<hbm>> -> memref<10000x128xf32, #tpu.memory_space<hbm>>
      tpu.enqueue_indirect_dma source(%dma_start3A_271 : memref<10000x128xf32, #tpu.memory_space<hbm>>) target(%arg12 : memref<128x128xf32, #tpu.memory_space<vmem>>) offsets(%dma_start3A_268 : memref<128xi32, #tpu.memory_space<vmem>>) semaphore(%arg15 : memref<!tpu.dma_semaphore, #tpu.memory_space<semaphore_mem>>)
      %dma_wait3A_272 = arith.constant 0 : i32
      %dma_wait3A_273 = tpu.memref_slice %arg9[%mul3A_263, %dma_wait3A_272] : memref<20x128xi32, #tpu.memory_space<vmem>> -> memref<1x128xi32, #tpu.memory_space<vmem>>
      %dma_wait3A_274 = tpu.memref_squeeze %dma_wait3A_273 : memref<1x128xi32, #tpu.memory_space<vmem>> -> memref<128xi32, #tpu.memory_space<vmem>>
      %dma_wait3A_275 = arith.constant 0 : i32
      %dma_wait3A_276 = arith.constant 0 : i32
      %dma_wait3A_277 = tpu.memref_slice %arg2[%dma_wait3A_275, %dma_wait3A_276] : memref<10000x128xf32, #tpu.memory_space<hbm>> -> memref<10000x128xf32, #tpu.memory_space<hbm>>
      tpu.wait_indirect_dma semaphore(%arg14 : memref<!tpu.dma_semaphore, #tpu.memory_space<semaphore_mem>>) src(%dma_wait3A_277 : memref<10000x128xf32, #tpu.memory_space<hbm>>) dst(%arg11 : memref<128x128xf32, #tpu.memory_space<vmem>>)
      "tpu.region"() ({
        %run_scoped3A = tpu.sem_alloc : memref<!tpu.dma_semaphore, #tpu.memory_space<semaphore_mem>>
        %dma_start3A_294 = arith.constant 0 : i32
        %dma_start3A_295 = tpu.memref_slice %arg10[%mul3A_263, %dma_start3A_294] : memref<20x128xi32, #tpu.memory_space<vmem>> -> memref<1x128xi32, #tpu.memory_space<vmem>>
        %dma_start3A_296 = tpu.memref_squeeze %dma_start3A_295 : memref<1x128xi32, #tpu.memory_space<vmem>> -> memref<128xi32, #tpu.memory_space<vmem>>
        %dma_start3A_297 = arith.constant 0 : i32
        %dma_start3A_298 = arith.constant 0 : i32
        %dma_start3A_299 = tpu.memref_slice %arg13[%dma_start3A_297, %dma_start3A_298] : memref<10112x128xf32, #tpu.memory_space<vmem_shared>> -> memref<10112x128xf32, #tpu.memory_space<vmem_shared>>
        tpu.enqueue_indirect_dma source(%arg11 : memref<128x128xf32, #tpu.memory_space<vmem>>) target(%dma_start3A_299 : memref<10112x128xf32, #tpu.memory_space<vmem_shared>>) offsets(%dma_start3A_296 : memref<128xi32, #tpu.memory_space<vmem>>) semaphore(%run_scoped3A : memref<!tpu.dma_semaphore, #tpu.memory_space<semaphore_mem>>) {add = true}
        %dma_wait3A_300 = arith.constant 0 : i32
        %dma_wait3A_301 = tpu.memref_slice %arg10[%mul3A_263, %dma_wait3A_300] : memref<20x128xi32, #tpu.memory_space<vmem>> -> memref<1x128xi32, #tpu.memory_space<vmem>>
        %dma_wait3A_302 = tpu.memref_squeeze %dma_wait3A_301 : memref<1x128xi32, #tpu.memory_space<vmem>> -> memref<128xi32, #tpu.memory_space<vmem>>
        %dma_wait3A_303 = arith.constant 0 : i32
        %dma_wait3A_304 = arith.constant 0 : i32
        %dma_wait3A_305 = tpu.memref_slice %arg13[%dma_wait3A_303, %dma_wait3A_304] : memref<10112x128xf32, #tpu.memory_space<vmem_shared>> -> memref<10112x128xf32, #tpu.memory_space<vmem_shared>>
        tpu.wait_indirect_dma semaphore(%run_scoped3A : memref<!tpu.dma_semaphore, #tpu.memory_space<semaphore_mem>>) src(%arg11 : memref<128x128xf32, #tpu.memory_space<vmem>>) dst(%dma_wait3A_305 : memref<10112x128xf32, #tpu.memory_space<vmem_shared>>)
        tpu.yield
      }) : () -> ()
      %add3A_278 = arith.constant 2 : i32
      %add3A_279 = arith.addi %mul3A_263, %add3A_278 : i32
      %lt3A = arith.constant 20 : i32
      %lt3A_280 = arith.cmpi slt, %add3A_279, %lt3A : i32
      %convert_element_type3A_281 = arith.extui %lt3A_280 : i1 to i32
      %cond3A_282 = arith.constant 0 : i32
      %cond3A_283 = arith.cmpi ne, %convert_element_type3A_281, %cond3A_282 : i32
      scf.if %cond3A_283 {
        %add3A_294 = arith.constant 2 : i32
        %add3A_295 = arith.addi %mul3A_263, %add3A_294 : i32
        %dma_start3A_296 = arith.constant 0 : i32
        %dma_start3A_297 = tpu.memref_slice %arg9[%add3A_295, %dma_start3A_296] : memref<20x128xi32, #tpu.memory_space<vmem>> -> memref<1x128xi32, #tpu.memory_space<vmem>>
        %dma_start3A_298 = tpu.memref_squeeze %dma_start3A_297 : memref<1x128xi32, #tpu.memory_space<vmem>> -> memref<128xi32, #tpu.memory_space<vmem>>
        %dma_start3A_299 = arith.constant 0 : i32
        %dma_start3A_300 = arith.constant 0 : i32
        %dma_start3A_301 = tpu.memref_slice %arg2[%dma_start3A_299, %dma_start3A_300] : memref<10000x128xf32, #tpu.memory_space<hbm>> -> memref<10000x128xf32, #tpu.memory_space<hbm>>
        tpu.enqueue_indirect_dma source(%dma_start3A_301 : memref<10000x128xf32, #tpu.memory_space<hbm>>) target(%arg11 : memref<128x128xf32, #tpu.memory_space<vmem>>) offsets(%dma_start3A_298 : memref<128xi32, #tpu.memory_space<vmem>>) semaphore(%arg14 : memref<!tpu.dma_semaphore, #tpu.memory_space<semaphore_mem>>)
      } else {
      }
      %add3A_284 = arith.constant 1 : i32
      %add3A_285 = arith.addi %mul3A_263, %add3A_284 : i32
      %dma_wait3A_286 = arith.constant 0 : i32
      %dma_wait3A_287 = tpu.memref_slice %arg9[%add3A_285, %dma_wait3A_286] : memref<20x128xi32, #tpu.memory_space<vmem>> -> memref<1x128xi32, #tpu.memory_space<vmem>>
      %dma_wait3A_288 = tpu.memref_squeeze %dma_wait3A_287 : memref<1x128xi32, #tpu.memory_space<vmem>> -> memref<128xi32, #tpu.memory_space<vmem>>
      %dma_wait3A_289 = arith.constant 0 : i32
      %dma_wait3A_290 = arith.constant 0 : i32
      %dma_wait3A_291 = tpu.memref_slice %arg2[%dma_wait3A_289, %dma_wait3A_290] : memref<10000x128xf32, #tpu.memory_space<hbm>> -> memref<10000x128xf32, #tpu.memory_space<hbm>>
      tpu.wait_indirect_dma semaphore(%arg15 : memref<!tpu.dma_semaphore, #tpu.memory_space<semaphore_mem>>) src(%dma_wait3A_291 : memref<10000x128xf32, #tpu.memory_space<hbm>>) dst(%arg12 : memref<128x128xf32, #tpu.memory_space<vmem>>)
      %add3A_292 = arith.constant 1 : i32
      %add3A_293 = arith.addi %mul3A_263, %add3A_292 : i32
      "tpu.region"() ({
        %run_scoped3A = tpu.sem_alloc : memref<!tpu.dma_semaphore, #tpu.memory_space<semaphore_mem>>
        %dma_start3A_294 = arith.constant 0 : i32
        %dma_start3A_295 = tpu.memref_slice %arg10[%add3A_293, %dma_start3A_294] : memref<20x128xi32, #tpu.memory_space<vmem>> -> memref<1x128xi32, #tpu.memory_space<vmem>>
        %dma_start3A_296 = tpu.memref_squeeze %dma_start3A_295 : memref<1x128xi32, #tpu.memory_space<vmem>> -> memref<128xi32, #tpu.memory_space<vmem>>
        %dma_start3A_297 = arith.constant 0 : i32
        %dma_start3A_298 = arith.constant 0 : i32
        %dma_start3A_299 = tpu.memref_slice %arg13[%dma_start3A_297, %dma_start3A_298] : memref<10112x128xf32, #tpu.memory_space<vmem_shared>> -> memref<10112x128xf32, #tpu.memory_space<vmem_shared>>
        tpu.enqueue_indirect_dma source(%arg12 : memref<128x128xf32, #tpu.memory_space<vmem>>) target(%dma_start3A_299 : memref<10112x128xf32, #tpu.memory_space<vmem_shared>>) offsets(%dma_start3A_296 : memref<128xi32, #tpu.memory_space<vmem>>) semaphore(%run_scoped3A : memref<!tpu.dma_semaphore, #tpu.memory_space<semaphore_mem>>) {add = true}
        %dma_wait3A_300 = arith.constant 0 : i32
        %dma_wait3A_301 = tpu.memref_slice %arg10[%add3A_293, %dma_wait3A_300] : memref<20x128xi32, #tpu.memory_space<vmem>> -> memref<1x128xi32, #tpu.memory_space<vmem>>
        %dma_wait3A_302 = tpu.memref_squeeze %dma_wait3A_301 : memref<1x128xi32, #tpu.memory_space<vmem>> -> memref<128xi32, #tpu.memory_space<vmem>>
        %dma_wait3A_303 = arith.constant 0 : i32
        %dma_wait3A_304 = arith.constant 0 : i32
        %dma_wait3A_305 = tpu.memref_slice %arg13[%dma_wait3A_303, %dma_wait3A_304] : memref<10112x128xf32, #tpu.memory_space<vmem_shared>> -> memref<10112x128xf32, #tpu.memory_space<vmem_shared>>
        tpu.wait_indirect_dma semaphore(%run_scoped3A : memref<!tpu.dma_semaphore, #tpu.memory_space<semaphore_mem>>) src(%arg12 : memref<128x128xf32, #tpu.memory_space<vmem>>) dst(%dma_wait3A_305 : memref<10112x128xf32, #tpu.memory_space<vmem_shared>>)
        tpu.yield
      }) : () -> ()
    }
    %scan3A_175 = arith.constant 10 : i32
    %dma_wait3A_176 = arith.constant 2 : i32
    %dma_wait3A_177 = arith.constant 0 : i32
    %dma_wait3A_178 = arith.constant 0 : i32
    %dma_wait3A_179 = tpu.memref_slice %arg3[%add3A, %dma_wait3A_176, %dma_wait3A_177, %dma_wait3A_178] : memref<32x4x20x128xi32, #tpu.memory_space<hbm>> -> memref<1x1x20x128xi32, #tpu.memory_space<hbm>>
    %dma_wait3A_180 = tpu.memref_squeeze %dma_wait3A_179 : memref<1x1x20x128xi32, #tpu.memory_space<hbm>> -> memref<20x128xi32, #tpu.memory_space<hbm>>
    %dma_wait3A_181 = arith.constant 0 : i32
    %dma_wait3A_182 = arith.constant 0 : i32
    %dma_wait3A_183 = tpu.memref_slice %arg3[%add3A, %dma_wait3A_176, %dma_wait3A_181, %dma_wait3A_182] : memref<32x4x20x128xi32, #tpu.memory_space<hbm>> -> memref<1x1x20x128xi32, #tpu.memory_space<hbm>>
    %dma_wait3A_184 = tpu.memref_squeeze %dma_wait3A_183 : memref<1x1x20x128xi32, #tpu.memory_space<hbm>> -> memref<20x128xi32, #tpu.memory_space<hbm>>
    tpu.wait_dma2 semaphore(%arg16 : memref<!tpu.dma_semaphore, #tpu.memory_space<semaphore_mem>>) src(%dma_wait3A_184 : memref<20x128xi32, #tpu.memory_space<hbm>>) dst(%arg7 : memref<20x128xi32, #tpu.memory_space<vmem>>)
    %dma_wait3A_185 = arith.constant 2 : i32
    %dma_wait3A_186 = arith.constant 0 : i32
    %dma_wait3A_187 = arith.constant 0 : i32
    %dma_wait3A_188 = tpu.memref_slice %arg4[%add3A, %dma_wait3A_185, %dma_wait3A_186, %dma_wait3A_187] : memref<32x4x20x128xi32, #tpu.memory_space<hbm>> -> memref<1x1x20x128xi32, #tpu.memory_space<hbm>>
    %dma_wait3A_189 = tpu.memref_squeeze %dma_wait3A_188 : memref<1x1x20x128xi32, #tpu.memory_space<hbm>> -> memref<20x128xi32, #tpu.memory_space<hbm>>
    %dma_wait3A_190 = arith.constant 0 : i32
    %dma_wait3A_191 = arith.constant 0 : i32
    %dma_wait3A_192 = tpu.memref_slice %arg4[%add3A, %dma_wait3A_185, %dma_wait3A_190, %dma_wait3A_191] : memref<32x4x20x128xi32, #tpu.memory_space<hbm>> -> memref<1x1x20x128xi32, #tpu.memory_space<hbm>>
    %dma_wait3A_193 = tpu.memref_squeeze %dma_wait3A_192 : memref<1x1x20x128xi32, #tpu.memory_space<hbm>> -> memref<20x128xi32, #tpu.memory_space<hbm>>
    tpu.wait_dma2 semaphore(%arg16 : memref<!tpu.dma_semaphore, #tpu.memory_space<semaphore_mem>>) src(%dma_wait3A_193 : memref<20x128xi32, #tpu.memory_space<hbm>>) dst(%arg8 : memref<20x128xi32, #tpu.memory_space<vmem>>)
    %dma_start3A_194 = arith.constant 0 : i32
    %dma_start3A_195 = arith.constant 0 : i32
    %dma_start3A_196 = tpu.memref_slice %arg7[%dma_start3A_194, %dma_start3A_195] : memref<20x128xi32, #tpu.memory_space<vmem>> -> memref<1x128xi32, #tpu.memory_space<vmem>>
    %dma_start3A_197 = tpu.memref_squeeze %dma_start3A_196 : memref<1x128xi32, #tpu.memory_space<vmem>> -> memref<128xi32, #tpu.memory_space<vmem>>
    %dma_start3A_198 = arith.constant 0 : i32
    %dma_start3A_199 = arith.constant 0 : i32
    %dma_start3A_200 = tpu.memref_slice %arg2[%dma_start3A_198, %dma_start3A_199] : memref<10000x128xf32, #tpu.memory_space<hbm>> -> memref<10000x128xf32, #tpu.memory_space<hbm>>
    tpu.enqueue_indirect_dma source(%dma_start3A_200 : memref<10000x128xf32, #tpu.memory_space<hbm>>) target(%arg11 : memref<128x128xf32, #tpu.memory_space<vmem>>) offsets(%dma_start3A_197 : memref<128xi32, #tpu.memory_space<vmem>>) semaphore(%arg14 : memref<!tpu.dma_semaphore, #tpu.memory_space<semaphore_mem>>)
    %dma_start3A_201 = arith.constant 3 : i32
    %dma_start3A_202 = arith.constant 0 : i32
    %dma_start3A_203 = arith.constant 0 : i32
    %dma_start3A_204 = tpu.memref_slice %arg3[%add3A, %dma_start3A_201, %dma_start3A_202, %dma_start3A_203] : memref<32x4x20x128xi32, #tpu.memory_space<hbm>> -> memref<1x1x20x128xi32, #tpu.memory_space<hbm>>
    %dma_start3A_205 = tpu.memref_squeeze %dma_start3A_204 : memref<1x1x20x128xi32, #tpu.memory_space<hbm>> -> memref<20x128xi32, #tpu.memory_space<hbm>>
    %dma_start3A_206 = arith.constant 0 : i32
    %dma_start3A_207 = arith.constant 0 : i32
    %dma_start3A_208 = tpu.memref_slice %arg3[%add3A, %dma_start3A_201, %dma_start3A_206, %dma_start3A_207] : memref<32x4x20x128xi32, #tpu.memory_space<hbm>> -> memref<1x1x20x128xi32, #tpu.memory_space<hbm>>
    %dma_start3A_209 = tpu.memref_squeeze %dma_start3A_208 : memref<1x1x20x128xi32, #tpu.memory_space<hbm>> -> memref<20x128xi32, #tpu.memory_space<hbm>>
    tpu.enqueue_dma source(%dma_start3A_209 : memref<20x128xi32, #tpu.memory_space<hbm>>) target(%arg9 : memref<20x128xi32, #tpu.memory_space<vmem>>) target_semaphore(%arg17 : memref<!tpu.dma_semaphore, #tpu.memory_space<semaphore_mem>>)
    %dma_start3A_210 = arith.constant 3 : i32
    %dma_start3A_211 = arith.constant 0 : i32
    %dma_start3A_212 = arith.constant 0 : i32
    %dma_start3A_213 = tpu.memref_slice %arg4[%add3A, %dma_start3A_210, %dma_start3A_211, %dma_start3A_212] : memref<32x4x20x128xi32, #tpu.memory_space<hbm>> -> memref<1x1x20x128xi32, #tpu.memory_space<hbm>>
    %dma_start3A_214 = tpu.memref_squeeze %dma_start3A_213 : memref<1x1x20x128xi32, #tpu.memory_space<hbm>> -> memref<20x128xi32, #tpu.memory_space<hbm>>
    %dma_start3A_215 = arith.constant 0 : i32
    %dma_start3A_216 = arith.constant 0 : i32
    %dma_start3A_217 = tpu.memref_slice %arg4[%add3A, %dma_start3A_210, %dma_start3A_215, %dma_start3A_216] : memref<32x4x20x128xi32, #tpu.memory_space<hbm>> -> memref<1x1x20x128xi32, #tpu.memory_space<hbm>>
    %dma_start3A_218 = tpu.memref_squeeze %dma_start3A_217 : memref<1x1x20x128xi32, #tpu.memory_space<hbm>> -> memref<20x128xi32, #tpu.memory_space<hbm>>
    tpu.enqueue_dma source(%dma_start3A_218 : memref<20x128xi32, #tpu.memory_space<hbm>>) target(%arg10 : memref<20x128xi32, #tpu.memory_space<vmem>>) target_semaphore(%arg17 : memref<!tpu.dma_semaphore, #tpu.memory_space<semaphore_mem>>)
    %scan3A_219 = arith.constant 0 : i32
    %scan3A_220 = arith.constant 10 : i32
    %scan3A_221 = arith.addi %scan3A_219, %scan3A_220 : i32
    %scan3A_222 = arith.constant 1 : i32
    scf.for %scan3A_261 = %scan3A_219 to %scan3A_221 step %scan3A_222  : i32 {
      %mul3A_262 = arith.constant 2 : i32
      %mul3A_263 = arith.muli %mul3A_262, %scan3A_261 : i32
      %add3A_264 = arith.constant 1 : i32
      %add3A_265 = arith.addi %mul3A_263, %add3A_264 : i32
      %dma_start3A_266 = arith.constant 0 : i32
      %dma_start3A_267 = tpu.memref_slice %arg7[%add3A_265, %dma_start3A_266] : memref<20x128xi32, #tpu.memory_space<vmem>> -> memref<1x128xi32, #tpu.memory_space<vmem>>
      %dma_start3A_268 = tpu.memref_squeeze %dma_start3A_267 : memref<1x128xi32, #tpu.memory_space<vmem>> -> memref<128xi32, #tpu.memory_space<vmem>>
      %dma_start3A_269 = arith.constant 0 : i32
      %dma_start3A_270 = arith.constant 0 : i32
      %dma_start3A_271 = tpu.memref_slice %arg2[%dma_start3A_269, %dma_start3A_270] : memref<10000x128xf32, #tpu.memory_space<hbm>> -> memref<10000x128xf32, #tpu.memory_space<hbm>>
      tpu.enqueue_indirect_dma source(%dma_start3A_271 : memref<10000x128xf32, #tpu.memory_space<hbm>>) target(%arg12 : memref<128x128xf32, #tpu.memory_space<vmem>>) offsets(%dma_start3A_268 : memref<128xi32, #tpu.memory_space<vmem>>) semaphore(%arg15 : memref<!tpu.dma_semaphore, #tpu.memory_space<semaphore_mem>>)
      %dma_wait3A_272 = arith.constant 0 : i32
      %dma_wait3A_273 = tpu.memref_slice %arg7[%mul3A_263, %dma_wait3A_272] : memref<20x128xi32, #tpu.memory_space<vmem>> -> memref<1x128xi32, #tpu.memory_space<vmem>>
      %dma_wait3A_274 = tpu.memref_squeeze %dma_wait3A_273 : memref<1x128xi32, #tpu.memory_space<vmem>> -> memref<128xi32, #tpu.memory_space<vmem>>
      %dma_wait3A_275 = arith.constant 0 : i32
      %dma_wait3A_276 = arith.constant 0 : i32
      %dma_wait3A_277 = tpu.memref_slice %arg2[%dma_wait3A_275, %dma_wait3A_276] : memref<10000x128xf32, #tpu.memory_space<hbm>> -> memref<10000x128xf32, #tpu.memory_space<hbm>>
      tpu.wait_indirect_dma semaphore(%arg14 : memref<!tpu.dma_semaphore, #tpu.memory_space<semaphore_mem>>) src(%dma_wait3A_277 : memref<10000x128xf32, #tpu.memory_space<hbm>>) dst(%arg11 : memref<128x128xf32, #tpu.memory_space<vmem>>)
      "tpu.region"() ({
        %run_scoped3A = tpu.sem_alloc : memref<!tpu.dma_semaphore, #tpu.memory_space<semaphore_mem>>
        %dma_start3A_294 = arith.constant 0 : i32
        %dma_start3A_295 = tpu.memref_slice %arg8[%mul3A_263, %dma_start3A_294] : memref<20x128xi32, #tpu.memory_space<vmem>> -> memref<1x128xi32, #tpu.memory_space<vmem>>
        %dma_start3A_296 = tpu.memref_squeeze %dma_start3A_295 : memref<1x128xi32, #tpu.memory_space<vmem>> -> memref<128xi32, #tpu.memory_space<vmem>>
        %dma_start3A_297 = arith.constant 0 : i32
        %dma_start3A_298 = arith.constant 0 : i32
        %dma_start3A_299 = tpu.memref_slice %arg13[%dma_start3A_297, %dma_start3A_298] : memref<10112x128xf32, #tpu.memory_space<vmem_shared>> -> memref<10112x128xf32, #tpu.memory_space<vmem_shared>>
        tpu.enqueue_indirect_dma source(%arg11 : memref<128x128xf32, #tpu.memory_space<vmem>>) target(%dma_start3A_299 : memref<10112x128xf32, #tpu.memory_space<vmem_shared>>) offsets(%dma_start3A_296 : memref<128xi32, #tpu.memory_space<vmem>>) semaphore(%run_scoped3A : memref<!tpu.dma_semaphore, #tpu.memory_space<semaphore_mem>>) {add = true}
        %dma_wait3A_300 = arith.constant 0 : i32
        %dma_wait3A_301 = tpu.memref_slice %arg8[%mul3A_263, %dma_wait3A_300] : memref<20x128xi32, #tpu.memory_space<vmem>> -> memref<1x128xi32, #tpu.memory_space<vmem>>
        %dma_wait3A_302 = tpu.memref_squeeze %dma_wait3A_301 : memref<1x128xi32, #tpu.memory_space<vmem>> -> memref<128xi32, #tpu.memory_space<vmem>>
        %dma_wait3A_303 = arith.constant 0 : i32
        %dma_wait3A_304 = arith.constant 0 : i32
        %dma_wait3A_305 = tpu.memref_slice %arg13[%dma_wait3A_303, %dma_wait3A_304] : memref<10112x128xf32, #tpu.memory_space<vmem_shared>> -> memref<10112x128xf32, #tpu.memory_space<vmem_shared>>
        tpu.wait_indirect_dma semaphore(%run_scoped3A : memref<!tpu.dma_semaphore, #tpu.memory_space<semaphore_mem>>) src(%arg11 : memref<128x128xf32, #tpu.memory_space<vmem>>) dst(%dma_wait3A_305 : memref<10112x128xf32, #tpu.memory_space<vmem_shared>>)
        tpu.yield
      }) : () -> ()
      %add3A_278 = arith.constant 2 : i32
      %add3A_279 = arith.addi %mul3A_263, %add3A_278 : i32
      %lt3A = arith.constant 20 : i32
      %lt3A_280 = arith.cmpi slt, %add3A_279, %lt3A : i32
      %convert_element_type3A_281 = arith.extui %lt3A_280 : i1 to i32
      %cond3A_282 = arith.constant 0 : i32
      %cond3A_283 = arith.cmpi ne, %convert_element_type3A_281, %cond3A_282 : i32
      scf.if %cond3A_283 {
        %add3A_294 = arith.constant 2 : i32
        %add3A_295 = arith.addi %mul3A_263, %add3A_294 : i32
        %dma_start3A_296 = arith.constant 0 : i32
        %dma_start3A_297 = tpu.memref_slice %arg7[%add3A_295, %dma_start3A_296] : memref<20x128xi32, #tpu.memory_space<vmem>> -> memref<1x128xi32, #tpu.memory_space<vmem>>
        %dma_start3A_298 = tpu.memref_squeeze %dma_start3A_297 : memref<1x128xi32, #tpu.memory_space<vmem>> -> memref<128xi32, #tpu.memory_space<vmem>>
        %dma_start3A_299 = arith.constant 0 : i32
        %dma_start3A_300 = arith.constant 0 : i32
        %dma_start3A_301 = tpu.memref_slice %arg2[%dma_start3A_299, %dma_start3A_300] : memref<10000x128xf32, #tpu.memory_space<hbm>> -> memref<10000x128xf32, #tpu.memory_space<hbm>>
        tpu.enqueue_indirect_dma source(%dma_start3A_301 : memref<10000x128xf32, #tpu.memory_space<hbm>>) target(%arg11 : memref<128x128xf32, #tpu.memory_space<vmem>>) offsets(%dma_start3A_298 : memref<128xi32, #tpu.memory_space<vmem>>) semaphore(%arg14 : memref<!tpu.dma_semaphore, #tpu.memory_space<semaphore_mem>>)
      } else {
      }
      %add3A_284 = arith.constant 1 : i32
      %add3A_285 = arith.addi %mul3A_263, %add3A_284 : i32
      %dma_wait3A_286 = arith.constant 0 : i32
      %dma_wait3A_287 = tpu.memref_slice %arg7[%add3A_285, %dma_wait3A_286] : memref<20x128xi32, #tpu.memory_space<vmem>> -> memref<1x128xi32, #tpu.memory_space<vmem>>
      %dma_wait3A_288 = tpu.memref_squeeze %dma_wait3A_287 : memref<1x128xi32, #tpu.memory_space<vmem>> -> memref<128xi32, #tpu.memory_space<vmem>>
      %dma_wait3A_289 = arith.constant 0 : i32
      %dma_wait3A_290 = arith.constant 0 : i32
      %dma_wait3A_291 = tpu.memref_slice %arg2[%dma_wait3A_289, %dma_wait3A_290] : memref<10000x128xf32, #tpu.memory_space<hbm>> -> memref<10000x128xf32, #tpu.memory_space<hbm>>
      tpu.wait_indirect_dma semaphore(%arg15 : memref<!tpu.dma_semaphore, #tpu.memory_space<semaphore_mem>>) src(%dma_wait3A_291 : memref<10000x128xf32, #tpu.memory_space<hbm>>) dst(%arg12 : memref<128x128xf32, #tpu.memory_space<vmem>>)
      %add3A_292 = arith.constant 1 : i32
      %add3A_293 = arith.addi %mul3A_263, %add3A_292 : i32
      "tpu.region"() ({
        %run_scoped3A = tpu.sem_alloc : memref<!tpu.dma_semaphore, #tpu.memory_space<semaphore_mem>>
        %dma_start3A_294 = arith.constant 0 : i32
        %dma_start3A_295 = tpu.memref_slice %arg8[%add3A_293, %dma_start3A_294] : memref<20x128xi32, #tpu.memory_space<vmem>> -> memref<1x128xi32, #tpu.memory_space<vmem>>
        %dma_start3A_296 = tpu.memref_squeeze %dma_start3A_295 : memref<1x128xi32, #tpu.memory_space<vmem>> -> memref<128xi32, #tpu.memory_space<vmem>>
        %dma_start3A_297 = arith.constant 0 : i32
        %dma_start3A_298 = arith.constant 0 : i32
        %dma_start3A_299 = tpu.memref_slice %arg13[%dma_start3A_297, %dma_start3A_298] : memref<10112x128xf32, #tpu.memory_space<vmem_shared>> -> memref<10112x128xf32, #tpu.memory_space<vmem_shared>>
        tpu.enqueue_indirect_dma source(%arg12 : memref<128x128xf32, #tpu.memory_space<vmem>>) target(%dma_start3A_299 : memref<10112x128xf32, #tpu.memory_space<vmem_shared>>) offsets(%dma_start3A_296 : memref<128xi32, #tpu.memory_space<vmem>>) semaphore(%run_scoped3A : memref<!tpu.dma_semaphore, #tpu.memory_space<semaphore_mem>>) {add = true}
        %dma_wait3A_300 = arith.constant 0 : i32
        %dma_wait3A_301 = tpu.memref_slice %arg8[%add3A_293, %dma_wait3A_300] : memref<20x128xi32, #tpu.memory_space<vmem>> -> memref<1x128xi32, #tpu.memory_space<vmem>>
        %dma_wait3A_302 = tpu.memref_squeeze %dma_wait3A_301 : memref<1x128xi32, #tpu.memory_space<vmem>> -> memref<128xi32, #tpu.memory_space<vmem>>
        %dma_wait3A_303 = arith.constant 0 : i32
        %dma_wait3A_304 = arith.constant 0 : i32
        %dma_wait3A_305 = tpu.memref_slice %arg13[%dma_wait3A_303, %dma_wait3A_304] : memref<10112x128xf32, #tpu.memory_space<vmem_shared>> -> memref<10112x128xf32, #tpu.memory_space<vmem_shared>>
        tpu.wait_indirect_dma semaphore(%run_scoped3A : memref<!tpu.dma_semaphore, #tpu.memory_space<semaphore_mem>>) src(%arg12 : memref<128x128xf32, #tpu.memory_space<vmem>>) dst(%dma_wait3A_305 : memref<10112x128xf32, #tpu.memory_space<vmem_shared>>)
        tpu.yield
      }) : () -> ()
    }
    %scan3A_223 = arith.constant 10 : i32
    %dma_wait3A_224 = arith.constant 3 : i32
    %dma_wait3A_225 = arith.constant 0 : i32
    %dma_wait3A_226 = arith.constant 0 : i32
    %dma_wait3A_227 = tpu.memref_slice %arg3[%add3A, %dma_wait3A_224, %dma_wait3A_225, %dma_wait3A_226] : memref<32x4x20x128xi32, #tpu.memory_space<hbm>> -> memref<1x1x20x128xi32, #tpu.memory_space<hbm>>
    %dma_wait3A_228 = tpu.memref_squeeze %dma_wait3A_227 : memref<1x1x20x128xi32, #tpu.memory_space<hbm>> -> memref<20x128xi32, #tpu.memory_space<hbm>>
    %dma_wait3A_229 = arith.constant 0 : i32
    %dma_wait3A_230 = arith.constant 0 : i32
    %dma_wait3A_231 = tpu.memref_slice %arg3[%add3A, %dma_wait3A_224, %dma_wait3A_229, %dma_wait3A_230] : memref<32x4x20x128xi32, #tpu.memory_space<hbm>> -> memref<1x1x20x128xi32, #tpu.memory_space<hbm>>
    %dma_wait3A_232 = tpu.memref_squeeze %dma_wait3A_231 : memref<1x1x20x128xi32, #tpu.memory_space<hbm>> -> memref<20x128xi32, #tpu.memory_space<hbm>>
    tpu.wait_dma2 semaphore(%arg17 : memref<!tpu.dma_semaphore, #tpu.memory_space<semaphore_mem>>) src(%dma_wait3A_232 : memref<20x128xi32, #tpu.memory_space<hbm>>) dst(%arg9 : memref<20x128xi32, #tpu.memory_space<vmem>>)
    %dma_wait3A_233 = arith.constant 3 : i32
    %dma_wait3A_234 = arith.constant 0 : i32
    %dma_wait3A_235 = arith.constant 0 : i32
    %dma_wait3A_236 = tpu.memref_slice %arg4[%add3A, %dma_wait3A_233, %dma_wait3A_234, %dma_wait3A_235] : memref<32x4x20x128xi32, #tpu.memory_space<hbm>> -> memref<1x1x20x128xi32, #tpu.memory_space<hbm>>
    %dma_wait3A_237 = tpu.memref_squeeze %dma_wait3A_236 : memref<1x1x20x128xi32, #tpu.memory_space<hbm>> -> memref<20x128xi32, #tpu.memory_space<hbm>>
    %dma_wait3A_238 = arith.constant 0 : i32
    %dma_wait3A_239 = arith.constant 0 : i32
    %dma_wait3A_240 = tpu.memref_slice %arg4[%add3A, %dma_wait3A_233, %dma_wait3A_238, %dma_wait3A_239] : memref<32x4x20x128xi32, #tpu.memory_space<hbm>> -> memref<1x1x20x128xi32, #tpu.memory_space<hbm>>
    %dma_wait3A_241 = tpu.memref_squeeze %dma_wait3A_240 : memref<1x1x20x128xi32, #tpu.memory_space<hbm>> -> memref<20x128xi32, #tpu.memory_space<hbm>>
    tpu.wait_dma2 semaphore(%arg17 : memref<!tpu.dma_semaphore, #tpu.memory_space<semaphore_mem>>) src(%dma_wait3A_241 : memref<20x128xi32, #tpu.memory_space<hbm>>) dst(%arg10 : memref<20x128xi32, #tpu.memory_space<vmem>>)
    %dma_start3A_242 = arith.constant 0 : i32
    %dma_start3A_243 = arith.constant 0 : i32
    %dma_start3A_244 = tpu.memref_slice %arg9[%dma_start3A_242, %dma_start3A_243] : memref<20x128xi32, #tpu.memory_space<vmem>> -> memref<1x128xi32, #tpu.memory_space<vmem>>
    %dma_start3A_245 = tpu.memref_squeeze %dma_start3A_244 : memref<1x128xi32, #tpu.memory_space<vmem>> -> memref<128xi32, #tpu.memory_space<vmem>>
    %dma_start3A_246 = arith.constant 0 : i32
    %dma_start3A_247 = arith.constant 0 : i32
    %dma_start3A_248 = tpu.memref_slice %arg2[%dma_start3A_246, %dma_start3A_247] : memref<10000x128xf32, #tpu.memory_space<hbm>> -> memref<10000x128xf32, #tpu.memory_space<hbm>>
    tpu.enqueue_indirect_dma source(%dma_start3A_248 : memref<10000x128xf32, #tpu.memory_space<hbm>>) target(%arg11 : memref<128x128xf32, #tpu.memory_space<vmem>>) offsets(%dma_start3A_245 : memref<128xi32, #tpu.memory_space<vmem>>) semaphore(%arg14 : memref<!tpu.dma_semaphore, #tpu.memory_space<semaphore_mem>>)
    %scan3A_249 = arith.constant 0 : i32
    %scan3A_250 = arith.constant 10 : i32
    %scan3A_251 = arith.addi %scan3A_249, %scan3A_250 : i32
    %scan3A_252 = arith.constant 1 : i32
    scf.for %scan3A_261 = %scan3A_249 to %scan3A_251 step %scan3A_252  : i32 {
      %mul3A_262 = arith.constant 2 : i32
      %mul3A_263 = arith.muli %mul3A_262, %scan3A_261 : i32
      %add3A_264 = arith.constant 1 : i32
      %add3A_265 = arith.addi %mul3A_263, %add3A_264 : i32
      %dma_start3A_266 = arith.constant 0 : i32
      %dma_start3A_267 = tpu.memref_slice %arg9[%add3A_265, %dma_start3A_266] : memref<20x128xi32, #tpu.memory_space<vmem>> -> memref<1x128xi32, #tpu.memory_space<vmem>>
      %dma_start3A_268 = tpu.memref_squeeze %dma_start3A_267 : memref<1x128xi32, #tpu.memory_space<vmem>> -> memref<128xi32, #tpu.memory_space<vmem>>
      %dma_start3A_269 = arith.constant 0 : i32
      %dma_start3A_270 = arith.constant 0 : i32
      %dma_start3A_271 = tpu.memref_slice %arg2[%dma_start3A_269, %dma_start3A_270] : memref<10000x128xf32, #tpu.memory_space<hbm>> -> memref<10000x128xf32, #tpu.memory_space<hbm>>
      tpu.enqueue_indirect_dma source(%dma_start3A_271 : memref<10000x128xf32, #tpu.memory_space<hbm>>) target(%arg12 : memref<128x128xf32, #tpu.memory_space<vmem>>) offsets(%dma_start3A_268 : memref<128xi32, #tpu.memory_space<vmem>>) semaphore(%arg15 : memref<!tpu.dma_semaphore, #tpu.memory_space<semaphore_mem>>)
      %dma_wait3A_272 = arith.constant 0 : i32
      %dma_wait3A_273 = tpu.memref_slice %arg9[%mul3A_263, %dma_wait3A_272] : memref<20x128xi32, #tpu.memory_space<vmem>> -> memref<1x128xi32, #tpu.memory_space<vmem>>
      %dma_wait3A_274 = tpu.memref_squeeze %dma_wait3A_273 : memref<1x128xi32, #tpu.memory_space<vmem>> -> memref<128xi32, #tpu.memory_space<vmem>>
      %dma_wait3A_275 = arith.constant 0 : i32
      %dma_wait3A_276 = arith.constant 0 : i32
      %dma_wait3A_277 = tpu.memref_slice %arg2[%dma_wait3A_275, %dma_wait3A_276] : memref<10000x128xf32, #tpu.memory_space<hbm>> -> memref<10000x128xf32, #tpu.memory_space<hbm>>
      tpu.wait_indirect_dma semaphore(%arg14 : memref<!tpu.dma_semaphore, #tpu.memory_space<semaphore_mem>>) src(%dma_wait3A_277 : memref<10000x128xf32, #tpu.memory_space<hbm>>) dst(%arg11 : memref<128x128xf32, #tpu.memory_space<vmem>>)
      "tpu.region"() ({
        %run_scoped3A = tpu.sem_alloc : memref<!tpu.dma_semaphore, #tpu.memory_space<semaphore_mem>>
        %dma_start3A_294 = arith.constant 0 : i32
        %dma_start3A_295 = tpu.memref_slice %arg10[%mul3A_263, %dma_start3A_294] : memref<20x128xi32, #tpu.memory_space<vmem>> -> memref<1x128xi32, #tpu.memory_space<vmem>>
        %dma_start3A_296 = tpu.memref_squeeze %dma_start3A_295 : memref<1x128xi32, #tpu.memory_space<vmem>> -> memref<128xi32, #tpu.memory_space<vmem>>
        %dma_start3A_297 = arith.constant 0 : i32
        %dma_start3A_298 = arith.constant 0 : i32
        %dma_start3A_299 = tpu.memref_slice %arg13[%dma_start3A_297, %dma_start3A_298] : memref<10112x128xf32, #tpu.memory_space<vmem_shared>> -> memref<10112x128xf32, #tpu.memory_space<vmem_shared>>
        tpu.enqueue_indirect_dma source(%arg11 : memref<128x128xf32, #tpu.memory_space<vmem>>) target(%dma_start3A_299 : memref<10112x128xf32, #tpu.memory_space<vmem_shared>>) offsets(%dma_start3A_296 : memref<128xi32, #tpu.memory_space<vmem>>) semaphore(%run_scoped3A : memref<!tpu.dma_semaphore, #tpu.memory_space<semaphore_mem>>) {add = true}
        %dma_wait3A_300 = arith.constant 0 : i32
        %dma_wait3A_301 = tpu.memref_slice %arg10[%mul3A_263, %dma_wait3A_300] : memref<20x128xi32, #tpu.memory_space<vmem>> -> memref<1x128xi32, #tpu.memory_space<vmem>>
        %dma_wait3A_302 = tpu.memref_squeeze %dma_wait3A_301 : memref<1x128xi32, #tpu.memory_space<vmem>> -> memref<128xi32, #tpu.memory_space<vmem>>
        %dma_wait3A_303 = arith.constant 0 : i32
        %dma_wait3A_304 = arith.constant 0 : i32
        %dma_wait3A_305 = tpu.memref_slice %arg13[%dma_wait3A_303, %dma_wait3A_304] : memref<10112x128xf32, #tpu.memory_space<vmem_shared>> -> memref<10112x128xf32, #tpu.memory_space<vmem_shared>>
        tpu.wait_indirect_dma semaphore(%run_scoped3A : memref<!tpu.dma_semaphore, #tpu.memory_space<semaphore_mem>>) src(%arg11 : memref<128x128xf32, #tpu.memory_space<vmem>>) dst(%dma_wait3A_305 : memref<10112x128xf32, #tpu.memory_space<vmem_shared>>)
        tpu.yield
      }) : () -> ()
      %add3A_278 = arith.constant 2 : i32
      %add3A_279 = arith.addi %mul3A_263, %add3A_278 : i32
      %lt3A = arith.constant 20 : i32
      %lt3A_280 = arith.cmpi slt, %add3A_279, %lt3A : i32
      %convert_element_type3A_281 = arith.extui %lt3A_280 : i1 to i32
      %cond3A_282 = arith.constant 0 : i32
      %cond3A_283 = arith.cmpi ne, %convert_element_type3A_281, %cond3A_282 : i32
      scf.if %cond3A_283 {
        %add3A_294 = arith.constant 2 : i32
        %add3A_295 = arith.addi %mul3A_263, %add3A_294 : i32
        %dma_start3A_296 = arith.constant 0 : i32
        %dma_start3A_297 = tpu.memref_slice %arg9[%add3A_295, %dma_start3A_296] : memref<20x128xi32, #tpu.memory_space<vmem>> -> memref<1x128xi32, #tpu.memory_space<vmem>>
        %dma_start3A_298 = tpu.memref_squeeze %dma_start3A_297 : memref<1x128xi32, #tpu.memory_space<vmem>> -> memref<128xi32, #tpu.memory_space<vmem>>
        %dma_start3A_299 = arith.constant 0 : i32
        %dma_start3A_300 = arith.constant 0 : i32
        %dma_start3A_301 = tpu.memref_slice %arg2[%dma_start3A_299, %dma_start3A_300] : memref<10000x128xf32, #tpu.memory_space<hbm>> -> memref<10000x128xf32, #tpu.memory_space<hbm>>
        tpu.enqueue_indirect_dma source(%dma_start3A_301 : memref<10000x128xf32, #tpu.memory_space<hbm>>) target(%arg11 : memref<128x128xf32, #tpu.memory_space<vmem>>) offsets(%dma_start3A_298 : memref<128xi32, #tpu.memory_space<vmem>>) semaphore(%arg14 : memref<!tpu.dma_semaphore, #tpu.memory_space<semaphore_mem>>)
      } else {
      }
      %add3A_284 = arith.constant 1 : i32
      %add3A_285 = arith.addi %mul3A_263, %add3A_284 : i32
      %dma_wait3A_286 = arith.constant 0 : i32
      %dma_wait3A_287 = tpu.memref_slice %arg9[%add3A_285, %dma_wait3A_286] : memref<20x128xi32, #tpu.memory_space<vmem>> -> memref<1x128xi32, #tpu.memory_space<vmem>>
      %dma_wait3A_288 = tpu.memref_squeeze %dma_wait3A_287 : memref<1x128xi32, #tpu.memory_space<vmem>> -> memref<128xi32, #tpu.memory_space<vmem>>
      %dma_wait3A_289 = arith.constant 0 : i32
      %dma_wait3A_290 = arith.constant 0 : i32
      %dma_wait3A_291 = tpu.memref_slice %arg2[%dma_wait3A_289, %dma_wait3A_290] : memref<10000x128xf32, #tpu.memory_space<hbm>> -> memref<10000x128xf32, #tpu.memory_space<hbm>>
      tpu.wait_indirect_dma semaphore(%arg15 : memref<!tpu.dma_semaphore, #tpu.memory_space<semaphore_mem>>) src(%dma_wait3A_291 : memref<10000x128xf32, #tpu.memory_space<hbm>>) dst(%arg12 : memref<128x128xf32, #tpu.memory_space<vmem>>)
      %add3A_292 = arith.constant 1 : i32
      %add3A_293 = arith.addi %mul3A_263, %add3A_292 : i32
      "tpu.region"() ({
        %run_scoped3A = tpu.sem_alloc : memref<!tpu.dma_semaphore, #tpu.memory_space<semaphore_mem>>
        %dma_start3A_294 = arith.constant 0 : i32
        %dma_start3A_295 = tpu.memref_slice %arg10[%add3A_293, %dma_start3A_294] : memref<20x128xi32, #tpu.memory_space<vmem>> -> memref<1x128xi32, #tpu.memory_space<vmem>>
        %dma_start3A_296 = tpu.memref_squeeze %dma_start3A_295 : memref<1x128xi32, #tpu.memory_space<vmem>> -> memref<128xi32, #tpu.memory_space<vmem>>
        %dma_start3A_297 = arith.constant 0 : i32
        %dma_start3A_298 = arith.constant 0 : i32
        %dma_start3A_299 = tpu.memref_slice %arg13[%dma_start3A_297, %dma_start3A_298] : memref<10112x128xf32, #tpu.memory_space<vmem_shared>> -> memref<10112x128xf32, #tpu.memory_space<vmem_shared>>
        tpu.enqueue_indirect_dma source(%arg12 : memref<128x128xf32, #tpu.memory_space<vmem>>) target(%dma_start3A_299 : memref<10112x128xf32, #tpu.memory_space<vmem_shared>>) offsets(%dma_start3A_296 : memref<128xi32, #tpu.memory_space<vmem>>) semaphore(%run_scoped3A : memref<!tpu.dma_semaphore, #tpu.memory_space<semaphore_mem>>) {add = true}
        %dma_wait3A_300 = arith.constant 0 : i32
        %dma_wait3A_301 = tpu.memref_slice %arg10[%add3A_293, %dma_wait3A_300] : memref<20x128xi32, #tpu.memory_space<vmem>> -> memref<1x128xi32, #tpu.memory_space<vmem>>
        %dma_wait3A_302 = tpu.memref_squeeze %dma_wait3A_301 : memref<1x128xi32, #tpu.memory_space<vmem>> -> memref<128xi32, #tpu.memory_space<vmem>>
        %dma_wait3A_303 = arith.constant 0 : i32
        %dma_wait3A_304 = arith.constant 0 : i32
        %dma_wait3A_305 = tpu.memref_slice %arg13[%dma_wait3A_303, %dma_wait3A_304] : memref<10112x128xf32, #tpu.memory_space<vmem_shared>> -> memref<10112x128xf32, #tpu.memory_space<vmem_shared>>
        tpu.wait_indirect_dma semaphore(%run_scoped3A : memref<!tpu.dma_semaphore, #tpu.memory_space<semaphore_mem>>) src(%arg12 : memref<128x128xf32, #tpu.memory_space<vmem>>) dst(%dma_wait3A_305 : memref<10112x128xf32, #tpu.memory_space<vmem_shared>>)
        tpu.yield
      }) : () -> ()
    }
    %scan3A_253 = arith.constant 10 : i32
    %barrier3A_254 = arith.constant 0 : index
    tpu.barrier barrier_id(%barrier3A_254)
    %mul3A_255 = arith.constant 624 : i32
    %mul3A_256 = arith.muli %arg1, %mul3A_255 : i32
    %mul3A_257 = arith.constant 624 : i32
    %mul3A_258 = arith.muli %arg1, %mul3A_257 : i32
    "tpu.region"() ({
      %run_scoped3A = tpu.sem_alloc : memref<!tpu.dma_semaphore, #tpu.memory_space<semaphore_mem>>
      %dma_start3A_261 = arith.constant 0 : i32
      %dma_start3A_262 = tpu.memref_slice %arg6[%arg0, %mul3A_258, %dma_start3A_261] : memref<2x10000x128xf32, #tpu.memory_space<hbm>> -> memref<1x624x128xf32, #tpu.memory_space<hbm>>
      %dma_start3A_263 = tpu.memref_squeeze %dma_start3A_262 : memref<1x624x128xf32, #tpu.memory_space<hbm>> -> memref<624x128xf32, #tpu.memory_space<hbm>>
      %dma_start3A_264 = arith.constant 0 : i32
      %dma_start3A_265 = tpu.memref_slice %arg13[%mul3A_256, %dma_start3A_264] : memref<10112x128xf32, #tpu.memory_space<vmem_shared>> -> memref<624x128xf32, #tpu.memory_space<vmem_shared>>
      tpu.enqueue_dma source(%dma_start3A_265 : memref<624x128xf32, #tpu.memory_space<vmem_shared>>) target(%dma_start3A_263 : memref<624x128xf32, #tpu.memory_space<hbm>>) target_semaphore(%run_scoped3A : memref<!tpu.dma_semaphore, #tpu.memory_space<semaphore_mem>>)
      %dma_wait3A_266 = arith.constant 0 : i32
      %dma_wait3A_267 = tpu.memref_slice %arg6[%arg0, %mul3A_258, %dma_wait3A_266] : memref<2x10000x128xf32, #tpu.memory_space<hbm>> -> memref<1x624x128xf32, #tpu.memory_space<hbm>>
      %dma_wait3A_268 = tpu.memref_squeeze %dma_wait3A_267 : memref<1x624x128xf32, #tpu.memory_space<hbm>> -> memref<624x128xf32, #tpu.memory_space<hbm>>
      %dma_wait3A_269 = arith.constant 0 : i32
      %dma_wait3A_270 = tpu.memref_slice %arg13[%mul3A_256, %dma_wait3A_269] : memref<10112x128xf32, #tpu.memory_space<vmem_shared>> -> memref<624x128xf32, #tpu.memory_space<vmem_shared>>
      tpu.wait_dma2 semaphore(%run_scoped3A : memref<!tpu.dma_semaphore, #tpu.memory_space<semaphore_mem>>) src(%dma_wait3A_270 : memref<624x128xf32, #tpu.memory_space<vmem_shared>>) dst(%dma_wait3A_268 : memref<624x128xf32, #tpu.memory_space<hbm>>)
      tpu.yield
    }) : () -> ()
    %eq3A = arith.constant 15 : i32
    %eq3A_259 = arith.cmpi eq, %arg1, %eq3A : i32
    %convert_element_type3A = arith.extui %eq3A_259 : i1 to i32
    %cond3A = arith.constant 0 : i32
    %cond3A_260 = arith.cmpi ne, %convert_element_type3A, %cond3A : i32
    scf.if %cond3A_260 {
      "tpu.region"() ({
        %run_scoped3A = tpu.sem_alloc : memref<!tpu.dma_semaphore, #tpu.memory_space<semaphore_mem>>
        %dma_start3A_261 = arith.constant 9984 : i32
        %dma_start3A_262 = arith.constant 0 : i32
        %dma_start3A_263 = tpu.memref_slice %arg6[%arg0, %dma_start3A_261, %dma_start3A_262] : memref<2x10000x128xf32, #tpu.memory_space<hbm>> -> memref<1x16x128xf32, #tpu.memory_space<hbm>>
        %dma_start3A_264 = tpu.memref_squeeze %dma_start3A_263 : memref<1x16x128xf32, #tpu.memory_space<hbm>> -> memref<16x128xf32, #tpu.memory_space<hbm>>
        %dma_start3A_265 = arith.constant 9984 : i32
        %dma_start3A_266 = arith.constant 0 : i32
        %dma_start3A_267 = tpu.memref_slice %arg13[%dma_start3A_265, %dma_start3A_266] : memref<10112x128xf32, #tpu.memory_space<vmem_shared>> -> memref<16x128xf32, #tpu.memory_space<vmem_shared>>
        tpu.enqueue_dma source(%dma_start3A_267 : memref<16x128xf32, #tpu.memory_space<vmem_shared>>) target(%dma_start3A_264 : memref<16x128xf32, #tpu.memory_space<hbm>>) target_semaphore(%run_scoped3A : memref<!tpu.dma_semaphore, #tpu.memory_space<semaphore_mem>>)
        %dma_wait3A_268 = arith.constant 9984 : i32
        %dma_wait3A_269 = arith.constant 0 : i32
        %dma_wait3A_270 = tpu.memref_slice %arg6[%arg0, %dma_wait3A_268, %dma_wait3A_269] : memref<2x10000x128xf32, #tpu.memory_space<hbm>> -> memref<1x16x128xf32, #tpu.memory_space<hbm>>
        %dma_wait3A_271 = tpu.memref_squeeze %dma_wait3A_270 : memref<1x16x128xf32, #tpu.memory_space<hbm>> -> memref<16x128xf32, #tpu.memory_space<hbm>>
        %dma_wait3A_272 = arith.constant 9984 : i32
        %dma_wait3A_273 = arith.constant 0 : i32
        %dma_wait3A_274 = tpu.memref_slice %arg13[%dma_wait3A_272, %dma_wait3A_273] : memref<10112x128xf32, #tpu.memory_space<vmem_shared>> -> memref<16x128xf32, #tpu.memory_space<vmem_shared>>
        tpu.wait_dma2 semaphore(%run_scoped3A : memref<!tpu.dma_semaphore, #tpu.memory_space<semaphore_mem>>) src(%dma_wait3A_274 : memref<16x128xf32, #tpu.memory_space<vmem_shared>>) dst(%dma_wait3A_271 : memref<16x128xf32, #tpu.memory_space<hbm>>)
        tpu.yield
      }) : () -> ()
    } else {
    }
    return
  }
}

module attributes {stable_mosaic.version = 14 : i64} {
  func.func @_tc_body(%arg0: i32, %arg1: i32, %arg2: memref<2x1000x128xf32, #tpu.memory_space<vmem>>, %arg3: memref<1000x128xf32, #tpu.memory_space<vmem>>, %arg4: memref<1x1xf32, #tpu.memory_space<smem>>, %arg5: memref<128x256xf32, #tpu.memory_space<vmem>>, %arg6: memref<1x256xf32, #tpu.memory_space<vmem>>, %arg7: memref<256x128xf32, #tpu.memory_space<vmem>>, %arg8: memref<1x128xf32, #tpu.memory_space<vmem>>, %arg9: memref<1x128xf32, #tpu.memory_space<vmem>>, %arg10: memref<1x128xf32, #tpu.memory_space<vmem>>, %arg11: memref<1000x128xf32, #tpu.memory_space<vmem>>, %arg12: memref<10000x128xf32, #tpu.memory_space<vmem>>, %arg13: memref<8x128xf32, #tpu.memory_space<vmem>>) attributes {dimension_semantics = [#tpu.dimension_semantics<arbitrary>, #tpu.dimension_semantics<arbitrary>], iteration_bounds = array<i64: 2, 10>, scalar_prefetch = 0 : i64, scratch_operands = 2 : i64, tpu.core_type = #tpu.core_type<tc>, window_params = [{transform_indices = @transform_0, window_bounds = array<i64: 2, 1000, 128>}, {transform_indices = @transform_1, window_bounds = array<i64: 1000, 128>}, {transform_indices = @transform_2, window_bounds = array<i64: 1, 1>}, {pipeline_mode = #tpu.pipeline_mode<synchronous>, transform_indices = @transform_3, window_bounds = array<i64: 128, 256>}, {pipeline_mode = #tpu.pipeline_mode<synchronous>, transform_indices = @transform_4, window_bounds = array<i64: 1, 256>}, {pipeline_mode = #tpu.pipeline_mode<synchronous>, transform_indices = @transform_5, window_bounds = array<i64: 256, 128>}, {pipeline_mode = #tpu.pipeline_mode<synchronous>, transform_indices = @transform_6, window_bounds = array<i64: 1, 128>}, {pipeline_mode = #tpu.pipeline_mode<synchronous>, transform_indices = @transform_7, window_bounds = array<i64: 1, 128>}, {pipeline_mode = #tpu.pipeline_mode<synchronous>, transform_indices = @transform_8, window_bounds = array<i64: 1, 128>}, {transform_indices = @transform_9, window_bounds = array<i64: 1000, 128>}]} {
    %eq3A = arith.constant 0 : i32
    %eq3A_0 = arith.cmpi eq, %arg0, %eq3A : i32
    %convert_element_type3A = arith.extui %eq3A_0 : i1 to i32
    %cond3A = arith.constant 0 : i32
    %cond3A_1 = arith.cmpi ne, %convert_element_type3A, %cond3A : i32
    scf.if %cond3A_1 {
      %eq3A_7 = arith.constant 0 : i32
      %eq3A_8 = arith.cmpi eq, %arg1, %eq3A_7 : i32
      %convert_element_type3A_9 = arith.extui %eq3A_8 : i1 to i32
      %cond3A_10 = arith.constant 0 : i32
      %cond3A_11 = arith.cmpi ne, %convert_element_type3A_9, %cond3A_10 : i32
      scf.if %cond3A_11 {
        %broadcast_in_dim3A_76 = arith.constant 0.000000e+00 : f32
        %broadcast_in_dim3A_77 = vector.broadcast %broadcast_in_dim3A_76 : f32 to vector<8x128xf32>
        %swap3A_78 = arith.constant 0 : index
        %swap3A_79 = arith.constant 0 : index
        %swap3A_80 = vector.load %arg13[%swap3A_78, %swap3A_79] : memref<8x128xf32, #tpu.memory_space<vmem>>, vector<8x128xf32>
        tpu.vector_store %arg13[%swap3A_78, %swap3A_79], %broadcast_in_dim3A_77 {strides = array<i32>} : memref<8x128xf32, #tpu.memory_space<vmem>>, vector<8x128xf32>,
      } else {
      }
      %get3A = arith.constant 0 : index
      %get3A_12 = arith.constant 0 : index
      %get3A_13 = arith.constant 0 : index
      %get3A_14 = vector.load %arg2[%get3A, %get3A_12, %get3A_13] : memref<2x1000x128xf32, #tpu.memory_space<vmem>>, vector<1x1000x128xf32>
      %get3A_15 = vector.shape_cast %get3A_14 : vector<1x1000x128xf32> to vector<1000x128xf32>
      %get3A_16 = arith.constant 1 : index
      %get3A_17 = arith.constant 0 : index
      %get3A_18 = arith.constant 0 : index
      %get3A_19 = vector.load %arg2[%get3A_16, %get3A_17, %get3A_18] : memref<2x1000x128xf32, #tpu.memory_space<vmem>>, vector<1x1000x128xf32>
      %get3A_20 = vector.shape_cast %get3A_19 : vector<1x1000x128xf32> to vector<1000x128xf32>
      %add3A = arith.addf %get3A_15, %get3A_20 : vector<1000x128xf32>
      %get3A_21 = arith.constant 0 : index
      %get3A_22 = arith.constant 0 : index
      %get3A_23 = memref.load %arg4[%get3A_21, %get3A_22] : memref<1x1xf32, #tpu.memory_space<smem>>
      %get3A_24 = arith.constant 0 : index
      %get3A_25 = arith.constant 0 : index
      %get3A_26 = vector.load %arg3[%get3A_24, %get3A_25] : memref<1000x128xf32, #tpu.memory_space<vmem>>, vector<1000x128xf32>
      %mul3A = vector.broadcast %get3A_23 : f32 to vector<1000x128xf32>
      %mul3A_27 = arith.mulf %mul3A, %get3A_26 : vector<1000x128xf32>
      %add3A_28 = arith.addf %add3A, %mul3A_27 : vector<1000x128xf32>
      %get3A_29 = arith.constant 0 : index
      %get3A_30 = arith.constant 0 : index
      %get3A_31 = vector.load %arg5[%get3A_29, %get3A_30] : memref<128x256xf32, #tpu.memory_space<vmem>>, vector<128x256xf32>
      %dot_general3A = arith.constant dense<0.000000e+00> : vector<1000x256xf32>
      %dot_general3A_32 = tpu.matmul %add3A_28, %get3A_31, %dot_general3A {dimension_numbers = #tpu.dot_dimension_numbers<[1], [0], [0], [1], [0, 0, 1, 1], [], []>, transpose_lhs_hint = false} : vector<1000x128xf32>, vector<128x256xf32>, vector<1000x256xf32> -> vector<1000x256xf32>
      %get3A_33 = arith.constant 0 : index
      %get3A_34 = arith.constant 0 : index
      %get3A_35 = vector.load %arg6[%get3A_33, %get3A_34] : memref<1x256xf32, #tpu.memory_space<vmem>>, vector<1x256xf32>
      %add3A_36 = vector.broadcast %get3A_35 : vector<1x256xf32> to vector<1000x256xf32>
      %add3A_37 = arith.addf %dot_general3A_32, %add3A_36 : vector<1000x256xf32>
      %max3A = arith.constant 0.000000e+00 : f32
      %max3A_38 = vector.broadcast %max3A : f32 to vector<1000x256xf32>
      %max3A_39 = arith.maximumf %add3A_37, %max3A_38 : vector<1000x256xf32>
      %get3A_40 = arith.constant 0 : index
      %get3A_41 = arith.constant 0 : index
      %get3A_42 = vector.load %arg7[%get3A_40, %get3A_41] : memref<256x128xf32, #tpu.memory_space<vmem>>, vector<256x128xf32>
      %dot_general3A_43 = arith.constant dense<0.000000e+00> : vector<1000x128xf32>
      %dot_general3A_44 = tpu.matmul %max3A_39, %get3A_42, %dot_general3A_43 {dimension_numbers = #tpu.dot_dimension_numbers<[1], [0], [0], [1], [0, 0, 1, 1], [], []>, transpose_lhs_hint = false} : vector<1000x256xf32>, vector<256x128xf32>, vector<1000x128xf32> -> vector<1000x128xf32>
      %get3A_45 = arith.constant 0 : index
      %get3A_46 = arith.constant 0 : index
      %get3A_47 = vector.load %arg8[%get3A_45, %get3A_46] : memref<1x128xf32, #tpu.memory_space<vmem>>, vector<1x128xf32>
      %add3A_48 = vector.broadcast %get3A_47 : vector<1x128xf32> to vector<1000x128xf32>
      %add3A_49 = arith.addf %dot_general3A_44, %add3A_48 : vector<1000x128xf32>
      %max3A_50 = arith.constant 0.000000e+00 : f32
      %max3A_51 = vector.broadcast %max3A_50 : f32 to vector<1000x128xf32>
      %max3A_52 = arith.maximumf %add3A_49, %max3A_51 : vector<1000x128xf32>
      %mul3A_53 = arith.constant 1000 : i32
      %mul3A_54 = arith.muli %arg1, %mul3A_53 : i32
      %swap3A = arith.index_cast %mul3A_54 : i32 to index
      %swap3A_55 = arith.constant 0 : index
      %swap3A_56 = vector.load %arg12[%swap3A, %swap3A_55] : memref<10000x128xf32, #tpu.memory_space<vmem>>, vector<1000x128xf32>
      tpu.vector_store %arg12[%swap3A, %swap3A_55], %max3A_52 {strides = array<i32>} : memref<10000x128xf32, #tpu.memory_space<vmem>>, vector<1000x128xf32>,
      %get3A_57 = arith.constant 0 : index
      %get3A_58 = arith.constant 0 : index
      %get3A_59 = vector.load %arg13[%get3A_57, %get3A_58] : memref<8x128xf32, #tpu.memory_space<vmem>>, vector<1x128xf32>
      %reduce_sum3A = arith.constant dense<0.000000e+00> : vector<128xf32>
      %reduce_sum3A_60 = vector.multi_reduction <add>, %max3A_52, %reduce_sum3A [0] : vector<1000x128xf32> to vector<128xf32>
      %broadcast_in_dim3A = vector.shape_cast %reduce_sum3A_60 : vector<128xf32> to vector<1x128xf32>
      %add3A_61 = arith.addf %get3A_59, %broadcast_in_dim3A : vector<1x128xf32>
      %swap3A_62 = arith.constant 0 : index
      %swap3A_63 = arith.constant 0 : index
      %swap3A_64 = vector.load %arg13[%swap3A_62, %swap3A_63] : memref<8x128xf32, #tpu.memory_space<vmem>>, vector<1x128xf32>
      tpu.vector_store %arg13[%swap3A_62, %swap3A_63], %add3A_61 {strides = array<i32>} : memref<8x128xf32, #tpu.memory_space<vmem>>, vector<1x128xf32>,
      %get3A_65 = arith.constant 1 : index
      %get3A_66 = arith.constant 0 : index
      %get3A_67 = vector.load %arg13[%get3A_65, %get3A_66] : memref<8x128xf32, #tpu.memory_space<vmem>>, vector<1x128xf32>
      %mul3A_68 = arith.mulf %max3A_52, %max3A_52 : vector<1000x128xf32>
      %reduce_sum3A_69 = arith.constant dense<0.000000e+00> : vector<128xf32>
      %reduce_sum3A_70 = vector.multi_reduction <add>, %mul3A_68, %reduce_sum3A_69 [0] : vector<1000x128xf32> to vector<128xf32>
      %broadcast_in_dim3A_71 = vector.shape_cast %reduce_sum3A_70 : vector<128xf32> to vector<1x128xf32>
      %add3A_72 = arith.addf %get3A_67, %broadcast_in_dim3A_71 : vector<1x128xf32>
      %swap3A_73 = arith.constant 1 : index
      %swap3A_74 = arith.constant 0 : index
      %swap3A_75 = vector.load %arg13[%swap3A_73, %swap3A_74] : memref<8x128xf32, #tpu.memory_space<vmem>>, vector<1x128xf32>
      tpu.vector_store %arg13[%swap3A_73, %swap3A_74], %add3A_72 {strides = array<i32>} : memref<8x128xf32, #tpu.memory_space<vmem>>, vector<1x128xf32>,
    } else {
    }
    %eq3A_2 = arith.constant 1 : i32
    %eq3A_3 = arith.cmpi eq, %arg0, %eq3A_2 : i32
    %convert_element_type3A_4 = arith.extui %eq3A_3 : i1 to i32
    %cond3A_5 = arith.constant 0 : i32
    %cond3A_6 = arith.cmpi ne, %convert_element_type3A_4, %cond3A_5 : i32
    scf.if %cond3A_6 {
      %get3A = arith.constant 0 : index
      %get3A_7 = arith.constant 0 : index
      %get3A_8 = vector.load %arg13[%get3A, %get3A_7] : memref<8x128xf32, #tpu.memory_space<vmem>>, vector<1x128xf32>
      %mul3A = arith.constant 9.99999974E-5 : f32
      %mul3A_9 = vector.broadcast %mul3A : f32 to vector<1x128xf32>
      %mul3A_10 = arith.mulf %get3A_8, %mul3A_9 : vector<1x128xf32>
      %get3A_11 = arith.constant 1 : index
      %get3A_12 = arith.constant 0 : index
      %get3A_13 = vector.load %arg13[%get3A_11, %get3A_12] : memref<8x128xf32, #tpu.memory_space<vmem>>, vector<1x128xf32>
      %mul3A_14 = arith.constant 9.99999974E-5 : f32
      %mul3A_15 = vector.broadcast %mul3A_14 : f32 to vector<1x128xf32>
      %mul3A_16 = arith.mulf %get3A_13, %mul3A_15 : vector<1x128xf32>
      %mul3A_17 = arith.mulf %mul3A_10, %mul3A_10 : vector<1x128xf32>
      %sub3A = arith.subf %mul3A_16, %mul3A_17 : vector<1x128xf32>
      %add3A = arith.constant 9.99999974E-6 : f32
      %add3A_18 = vector.broadcast %add3A : f32 to vector<1x128xf32>
      %add3A_19 = arith.addf %sub3A, %add3A_18 : vector<1x128xf32>
      %rsqrt3A = math.rsqrt %add3A_19 : vector<1x128xf32>
      %mul3A_20 = arith.constant 1000 : i32
      %mul3A_21 = arith.muli %arg1, %mul3A_20 : i32
      %get3A_22 = arith.index_cast %mul3A_21 : i32 to index
      %get3A_23 = arith.constant 0 : index
      %get3A_24 = vector.load %arg12[%get3A_22, %get3A_23] : memref<10000x128xf32, #tpu.memory_space<vmem>>, vector<1000x128xf32>
      %get3A_25 = arith.constant 0 : index
      %get3A_26 = arith.constant 0 : index
      %get3A_27 = vector.load %arg9[%get3A_25, %get3A_26] : memref<1x128xf32, #tpu.memory_space<vmem>>, vector<1x128xf32>
      %sub3A_28 = vector.broadcast %mul3A_10 : vector<1x128xf32> to vector<1000x128xf32>
      %sub3A_29 = arith.subf %get3A_24, %sub3A_28 : vector<1000x128xf32>
      %mul3A_30 = vector.broadcast %rsqrt3A : vector<1x128xf32> to vector<1000x128xf32>
      %mul3A_31 = arith.mulf %sub3A_29, %mul3A_30 : vector<1000x128xf32>
      %mul3A_32 = vector.broadcast %get3A_27 : vector<1x128xf32> to vector<1000x128xf32>
      %mul3A_33 = arith.mulf %mul3A_32, %mul3A_31 : vector<1000x128xf32>
      %get3A_34 = arith.constant 0 : index
      %get3A_35 = arith.constant 0 : index
      %get3A_36 = vector.load %arg10[%get3A_34, %get3A_35] : memref<1x128xf32, #tpu.memory_space<vmem>>, vector<1x128xf32>
      %add3A_37 = vector.broadcast %get3A_36 : vector<1x128xf32> to vector<1000x128xf32>
      %add3A_38 = arith.addf %mul3A_33, %add3A_37 : vector<1000x128xf32>
      %swap3A = arith.constant 0 : index
      %swap3A_39 = arith.constant 0 : index
      %swap3A_40 = vector.load %arg11[%swap3A, %swap3A_39] : memref<1000x128xf32, #tpu.memory_space<vmem>>, vector<1000x128xf32>
      tpu.vector_store %arg11[%swap3A, %swap3A_39], %add3A_38 {strides = array<i32>} : memref<1000x128xf32, #tpu.memory_space<vmem>>, vector<1000x128xf32>,
    } else {
    }
    return
  }
  func.func @transform_0(%arg0: i32, %arg1: i32) -> (i32, i32, i32) {
    %eq3A = arith.constant 0 : i32
    %eq3A_0 = arith.cmpi eq, %arg0, %eq3A : i32
    %jit3A = arith.constant 0 : i32
    %select_n3A = arith.select %eq3A_0, %arg1, %jit3A : i32
    %c0_i32 = arith.constant 0 : i32
    %c0_i32_1 = arith.constant 0 : i32
    %c0_i32_2 = arith.constant 0 : i32
    return %c0_i32, %select_n3A, %c0_i32_1 : i32, i32, i32
  }
  func.func @transform_1(%arg0: i32, %arg1: i32) -> (i32, i32) {
    %eq3A = arith.constant 0 : i32
    %eq3A_0 = arith.cmpi eq, %arg0, %eq3A : i32
    %jit3A = arith.constant 0 : i32
    %select_n3A = arith.select %eq3A_0, %arg1, %jit3A : i32
    %c0_i32 = arith.constant 0 : i32
    %c0_i32_1 = arith.constant 0 : i32
    return %select_n3A, %c0_i32 : i32, i32
  }
  func.func @transform_2(%arg0: i32, %arg1: i32) -> (i32, i32) {
    %c0_i32 = arith.constant 0 : i32
    %c0_i32_0 = arith.constant 0 : i32
    %c0_i32_1 = arith.constant 0 : i32
    return %c0_i32, %c0_i32_0 : i32, i32
  }
  func.func @transform_3(%arg0: i32, %arg1: i32) -> (i32, i32) {
    %c0_i32 = arith.constant 0 : i32
    %c0_i32_0 = arith.constant 0 : i32
    %c0_i32_1 = arith.constant 0 : i32
    return %c0_i32, %c0_i32_0 : i32, i32
  }
  func.func @transform_4(%arg0: i32, %arg1: i32) -> (i32, i32) {
    %c0_i32 = arith.constant 0 : i32
    %c0_i32_0 = arith.constant 0 : i32
    %c0_i32_1 = arith.constant 0 : i32
    return %c0_i32, %c0_i32_0 : i32, i32
  }
  func.func @transform_5(%arg0: i32, %arg1: i32) -> (i32, i32) {
    %c0_i32 = arith.constant 0 : i32
    %c0_i32_0 = arith.constant 0 : i32
    %c0_i32_1 = arith.constant 0 : i32
    return %c0_i32, %c0_i32_0 : i32, i32
  }
  func.func @transform_6(%arg0: i32, %arg1: i32) -> (i32, i32) {
    %c0_i32 = arith.constant 0 : i32
    %c0_i32_0 = arith.constant 0 : i32
    %c0_i32_1 = arith.constant 0 : i32
    return %c0_i32, %c0_i32_0 : i32, i32
  }
  func.func @transform_7(%arg0: i32, %arg1: i32) -> (i32, i32) {
    %c0_i32 = arith.constant 0 : i32
    %c0_i32_0 = arith.constant 0 : i32
    %c0_i32_1 = arith.constant 0 : i32
    return %c0_i32, %c0_i32_0 : i32, i32
  }
  func.func @transform_8(%arg0: i32, %arg1: i32) -> (i32, i32) {
    %c0_i32 = arith.constant 0 : i32
    %c0_i32_0 = arith.constant 0 : i32
    %c0_i32_1 = arith.constant 0 : i32
    return %c0_i32, %c0_i32_0 : i32, i32
  }
  func.func @transform_9(%arg0: i32, %arg1: i32) -> (i32, i32) {
    %eq3A = arith.constant 0 : i32
    %eq3A_0 = arith.cmpi eq, %arg0, %eq3A : i32
    %jit3A = arith.constant 0 : i32
    %select_n3A = arith.select %eq3A_0, %jit3A, %arg1 : i32
    %c0_i32 = arith.constant 0 : i32
    %c0_i32_1 = arith.constant 0 : i32
    return %select_n3A, %c0_i32 : i32, i32
  }
}

</mosaic_0001>

<sc_bundles>
// kernel: kernel.4.cloned.1.call-start
scs
__scs_entry_jumppad:
0x0: {  	(pc) =	sbr.rel $0x88, $3  }
0x1: {  	(tag) =	ssettag $0x0;
	lr =	simm.s32 $0x1  }
0x2: {  	[smem:$0x3F98] =	sst lr;
	_ =	strace $0xD0000000  }
0x3: {  	_ = 	snop  }
0x4: {  	_ = 	snop  }
0x5: {  	_ = 	snop  }
0x6: {  	_ = 	snop  }
0x7: {  	_ = 	snop  }
__scs_overlays_trampoline_lowered:
0x8: {  	[smem:$0x3FA7] =	sst s0  }
0x9: {  	[smem:$0x3FA8] =	sst s1  }
0xa: {  	[smem:$0x3FA9] =	sst s2  }
0xb: {  	[smem:$0x3FAA] =	sst s3  }
0xc: {  	[smem:$0x3FAB] =	sst s4  }
0xd: {  	[smem:$0x3FAC] =	sst s5  }
0xe: {  	[smem:$0x3FAD] =	sst s6  }
0xf: {  	[smem:$0x3FAE] =	sst s7  }
0x10: {  	[smem:$0x3FAF] =	sst s8  }
0x11: {  	[smem:$0x3FB0] =	sst s9;
	s0 =	simm.s32 @!p0 $0x0  }
0x12: {  	s1 =	sld [smem:$0x3F96];
	s0 =	simm.s32 @p0 $0x1  }
0x13: {  	[smem:$0x3FB1] =	sst s0;
	s0 =	simm.s32 @!p1 $0x0  }
0x14: {  	s2 =	sld [smem:$0x3F95];
	s0 =	simm.s32 @p1 $0x1  }
0x15: {  	[smem:$0x3FB2] =	sst s0;
	s0 =	simm.s32 @!p2 $0x0  }
0x16: {  	s3 =	sld [smem:$0x3FDB];
	s0 =	simm.s32 @p2 $0x1  }
0x17: {  	s4 =	simm.s32 $0x1BF5;
	[smem:$0x3FB4] =	sst s0  }
0x18: {  	s0 =	sld [smem:$0x3F97];
	_ =	swait.ge [sflag:s4], $0x0  }
0x19: {  	s7 =	sld [smem:$0x3F98]  }
0x1a: {  	s8 =	sadd.s32 $0xFFFFE003, lr  }
0x1b: {  	s9 =	sadd.s32 $0xFFFFFEF7, lr;
	s5 =	simm.s32 $0xFFFFFFFF;
	p2 =	slt.u32 s8, $0xFFFFF086  }
0x1c: {  	p1 =	slt.u32 s9, $0xF7A;
	s5 =	simm.s32 @!p2 $0x0  }
0x1d: {  	s5 =	simm.s32 @p1 $0x1;
	p0 =	seq.s32 s7, s2  }
0x1e: {  	s7 =	smul.u32 @!p0 $0xF7A, s2;
	p2 =	seq.s32 @!p0 s5, $0x0  }
0x1f: {  	s9 =	smul.u32 $0xF7A, s1;
	s8 =	simm.s32 @!p0 $0x1BF5;
	p2 =	por !p2, p0  }
0x20: {  	[sflag:s8] =	ssyncset.s32 @!p0 $0xFFFFF086;
	s6 =	sadd.s32 @!p0 s3, s7;
	s7 =	simm.s32 @!p0 $0x108  }
0x21: {  	s3 =	sadd.s32 s3, s9;
	s6 =	sadd.s32 @!p0 $0x88, s6;
	s7 =	simm.s32 @p2 $0x1082  }
0x22: {  	[simem:s7], [sflag:s8] =	dma.local @!p0 [hbm:s6], $0xF7A  }
0x23: {  	s9 =	sor.u32 $0xD0000000, s2;
	s6 =	simm.s32 $0x108;
	_ =	swait.ge @!p0 [sflag:s8], $0x0  }
0x24: {  	s3 =	sadd.s32 $0x88, s3;
	s6 =	simm.s32 @!p1 $0x1082;
	[sflag:s4] =	ssyncset.s32 $0xFFFFF086  }
0x25: {  	[simem:s6], [sflag:s4] =	dma.local [hbm:s3], $0xF7A  }
0x26: {  	[smem:$0x3F98] =	sst s1;
	(tag) =	ssettag s2;
	_ =	strace s9  }
0x27: {  	s1 =	sld [smem:$0x3FA8]  }
0x28: {  	s2 =	sld [smem:$0x3FA9]  }
0x29: {  	s4 =	sld [smem:$0x3FAB]  }
0x2a: {  	p0 =	seq.s32 s5, $0x0;
	s5 =	sld [smem:$0x3FAC]  }
0x2b: {  	s6 =	sld [smem:$0x3FAD]  }
0x2c: {  	s7 =	sld [smem:$0x3FAE]  }
0x2d: {  	s3 =	simm.s32 $0x108;
	s8 =	sld [smem:$0x3FAF]  }
0x2e: {  	s3 =	simm.s32 @!p0 $0x1082;
	s9 =	sld [smem:$0x3FB0]  }
0x2f: {  	lr =	sadd.s32 s0, s3;
	s0 =	sld [smem:$0x3FA7]  }
0x30: {  	s3 =	sld [smem:$0x3FAA]  }
0x31: {  	[smem:$0x3FB3] =	sst s10  }
0x32: {  	s10 =	sld [smem:$0x3FB1];
	_ =	sdelay $0x3  }
0x33: {  	p0 =	seq.s32 s10, $0x1;
	s10 =	sld [smem:$0x3FB3];
	_ =	sdelay $0x3  }
0x34: {  	[smem:$0x3FB3] =	sst s10  }
0x35: {  	s10 =	sld [smem:$0x3FB2];
	_ =	sdelay $0x3  }
0x36: {  	p1 =	seq.s32 s10, $0x1;
	s10 =	sld [smem:$0x3FB3];
	_ =	sdelay $0x3  }
0x37: {  	[smem:$0x3FB3] =	sst s10  }
0x38: {  	s10 =	sld [smem:$0x3FB4]  }
0x39: {  	_ = 	snop;
	(pc) =	sbr.ind lr, $3  }
0x3a: {  	_ = 	snop  }
0x3b: {  	_ = 	snop  }
0x3c: {  	p2 =	seq.s32 s10, $0x1;
	s10 =	sld [smem:$0x3FB3]  }
0x3d: {  	_ =	shalt  }
0x3e: {  	_ =	shalt  }
0x3f: {  	_ =	shalt  }
0x40: {  	_ =	shalt  }
0x41: {  	_ =	shalt  }
0x42: {  	_ =	shalt  }
0x43: {  	_ =	shalt  }
0x44: {  	_ =	shalt  }
0x45: {  	_ =	shalt  }
0x46: {  	_ =	shalt  }
0x47: {  	_ =	shalt  }
0x48: {  	_ =	shalt  }
0x49: {  	_ =	shalt  }
0x4a: {  	_ =	shalt  }
0x4b: {  	_ =	shalt  }
0x4c: {  	_ =	shalt  }
0x4d: {  	_ =	shalt  }
0x4e: {  	_ =	shalt  }
0x4f: {  	_ =	shalt  }
0x50: {  	_ =	shalt  }
0x51: {  	_ =	shalt  }
0x52: {  	_ =	shalt  }
0x53: {  	_ =	shalt  }
0x54: {  	_ =	shalt  }
0x55: {  	_ =	shalt  }
0x56: {  	_ =	shalt  }
0x57: {  	_ =	shalt  }
0x58: {  	_ =	shalt  }
0x59: {  	_ =	shalt  }
0x5a: {  	_ =	shalt  }
0x5b: {  	_ =	shalt  }
0x5c: {  	_ =	shalt  }
0x5d: {  	_ =	shalt  }
0x5e: {  	_ =	shalt  }
0x5f: {  	_ =	shalt  }
0x60: {  	_ =	shalt  }
0x61: {  	_ =	shalt  }
0x62: {  	_ =	shalt  }
0x63: {  	_ =	shalt  }
0x64: {  	_ =	shalt  }
0x65: {  	_ =	shalt  }
0x66: {  	_ =	shalt  }
0x67: {  	_ =	shalt  }
0x68: {  	_ =	shalt  }
0x69: {  	_ =	shalt  }
0x6a: {  	_ =	shalt  }
0x6b: {  	_ =	shalt  }
0x6c: {  	_ =	shalt  }
0x6d: {  	_ =	shalt  }
0x6e: {  	_ =	shalt  }
0x6f: {  	_ =	shalt  }
0x70: {  	_ =	shalt  }
0x71: {  	_ =	shalt  }
0x72: {  	_ =	shalt  }
0x73: {  	_ =	shalt  }
0x74: {  	_ =	shalt  }
0x75: {  	_ =	shalt  }
0x76: {  	_ =	shalt  }
0x77: {  	_ =	shalt  }
0x78: {  	_ =	shalt  }
0x79: {  	_ =	shalt  }
0x7a: {  	_ =	shalt  }
0x7b: {  	_ =	shalt  }
0x7c: {  	_ =	shalt  }
0x7d: {  	_ =	shalt  }
0x7e: {  	_ =	shalt  }
0x7f: {  	_ =	shalt  }
0x80: {  	_ =	shalt  }
0x81: {  	_ =	shalt  }
0x82: {  	_ =	shalt  }
0x83: {  	_ =	shalt  }
0x84: {  	_ =	shalt  }
0x85: {  	_ =	shalt  }
0x86: {  	_ =	shalt  }
0x87: {  	_ =	shalt  }
.Lfunc_end0:
.L_simem_size_0:
called_computation_lowered:
.L_overlay_start_0:
0x88: {  	s2 =	sld [smem:$0x3FD9]  }
0x89: {  	s3 =	sld [smem:$0x3FFE];
	_ =	sdelay $0x1  }
0x8a: {  	s1 =	srdreg.scid  }
0x8b: {  	s0 =	sand.u32 $0x1, s1  }
0x8c: {  	s17 =	sshll.u32 s0, $0xA;
	s2 =	sadd.s32 s3, s2  }
0x8d: {  	s2 =	sadd.s32 s2, s17  }
0x8e: {  	[smem:$0x3FBF] =	sst s2  }
0x8f: {  	_ = 	snop  }
0x90: {  	s2 =	sld [smem:$0x3FC9]  }
0x91: {  	s18 =	sld [smem:$0x3FD0];
	(tm) =	ssettm $0x1  }
0x92: {  	s4 =	sld [smem:$0x3FFB];
	_ =	sdelay $0x3  }
0x93: {  	_ =	strace s4  }
0x94: {  	s4 =	sld [smem:$0x3FFC];
	_ =	sdelay $0x3  }
0x95: {  	_ =	strace s4  }
0x96: {  	s4 =	sld [smem:$0x3FFD];
	_ =	sdelay $0x3  }
0x97: {  	_ =	strace s4  }
0x98: {  	_ =	strace $0x8FFFFFFF  }
0x99: {  	s19 =	sld [smem:$0x3FDB];
	_ =	sdelay $0x1  }
0x9a: {  	s5 =	simm.s32 $_scs_section_size  }
0x9b: {  	s6 =	simm.s32 $_size__tile_overlayer_lowered;
	s7 =	simm.s32 $_tile_overlayer_lowered  }
0x9c: {  	s22 =	simm.s32 $0x1BFF;
	s21 =	sshll.u32 s7, $0x1;
	s4 =	sadd.s32 s5, s19  }
0x9d: {  	s8 =	simm.s32 $0x0;
	s20 =	sshll.u32 s6, $0x1;
	s6 =	sadd.s32 s21, s4  }
0x9e: {  	[timem:s8], [sflag:s22] =	dma.local [hbm:s6], s20  }
0x9f: {  	_ =	swait.ge [sflag:s22], s20  }
0xa0: {  	s5 =	ssub.s32 $0x0, s20;
	[sflag:s22] =	ssyncset.done $0x0  }
0xa1: {  	[sflag:s22] =	ssyncadd.s32 s5;
	_ =	sdelay $0x1  }
0xa2: {  	s23 =	simm.s32 $0x1B8B  }
0xa3: {  	_ =	swait.ge [sflag:s23], $0x1  }
0xa4: {  	[sflag:s23] =	ssyncset.done $0x0  }
0xa5: {  	s25 =	simm.s32 $0x1B8E;
	s24 =	sld [smem:$0x3FFE];
	[sflag:s23] =	ssyncadd.s32 $0xFFFFFFFF  }
0xa6: {  	s26 =	simm.s32 $execute0_lowered;
	[smem:$0x3FD2] =	sst s25  }
0xa7: {  	s6 =	sshll.u32 s26, $0x1;
	_ =	strace $0x80000046;
	[dreg:$0x1] =	wrdreg $0xFFFFFFFF  }
0xa8: {  	s28 =	simm.s32 $_size_execute0_lowered;
	s4 =	sadd.s32 s4, s6;
	[dreg:$0x0] =	wrdreg $0x0  }
0xa9: {  	s6 =	sshll.u32 s28, $0x1;
	[dreg:$0x2] =	wrdreg s4  }
0xaa: {  	[dreg:$0x3] =	wrdreg s6  }
0xab: {  	[dreg:$0x4] =	wrdreg $0xC0  }
0xac: {  	_ =	task [dreg:s8], $0x5FFFF  }
0xad: {  	[dreg:$0x1] =	wrdreg $0xFFFFFFFF  }
0xae: {  	[dreg:$0x0] =	wrdreg $0x60  }
0xaf: {  	[dreg:$0x2] =	wrdreg s2  }
0xb0: {  	[dreg:$0x3] =	wrdreg s18  }
0xb1: {  	[dreg:$0x4] =	wrdreg s24  }
0xb2: {  	[dreg:$0x5] =	wrdreg $0xB0000  }
0xb3: {  	[dreg:$0x6] =	wrdreg $0x9  }
0xb4: {  	_ =	task.clear_ibuf [dreg:s8], $0x7FFFF;
	_ =	strace $0x90000046  }
0xb5: {  	s29 =	simm.s32 $0x9;
	_ =	strace $0x80000048  }
0xb6: {  	_ =	swait.ge [sflag:s29], $0x1  }
0xb7: {  	[sflag:s29] =	ssyncadd.s32 $0xFFFFFFFF  }
0xb8: {  	_ =	strace $0x90000048  }
0xb9: {  	_ =	sfence  }
0xba: {  	s30 =	sld [smem:$0x0];
	_ =	sdelay $0x2  }
0xbb: {  	s31 =	sshll.u32 s1, $0xD;
	s1 =	sshrl.u32 s1, $0x2  }
0xbc: {  	s3 =	sand.u32 $0x4000, s31;
	s1 =	sadd.s32 s1, s30  }
0xbd: {  	s0 =	sor.u32 s3, s0;
	s1 =	sshll.u32 s1, $0x11  }
0xbe: {  	s0 =	sor.u32 s1, s0  }
0xbf: {  	s0 =	sadd.s32 $0x8F2B, s0  }
0xc0: {  	[sflag:s0] =	ssyncadd.remote.s32 $0x1  }
0xc1: {  	_ =	sfence.sel $0xFFFF  }
0xc2: {  	[dreg:$0x0] =	wrdreg $0xFFFFFFFF;
	(pc) =	sbr.abs _section_cstart, $3  }
0xc3: {  	[dreg:$0x1] =	wrdreg $0xFFFFFFFF  }
0xc4: {  	_ =	task.clear_ibuf [dreg:s8], $0x2FFFF;
	_ =	strace $0x9FFFFFFF  }
0xc5: {  	(tm) =	ssettm $0x7FFFFFFF  }
tec
execute0_lowered:
.L_overlay_start_1:
0x0: {  	(tag) =	ssettag $0x1  }
0x1: {  	s2 =	rddreg [dreg:$0x0]  }
0x2: {  	s0 =	srdreg.scid;
	s15 =	rddreg [dreg:$0x1]  }
0x3: {  	s31 =	stileid.u32;
	s5 =	rddreg [dreg:$0x2]  }
0x4: {  	s3 =	rddreg [dreg:$0x3];
	s4 =	simm.s32 $0x0;
	s10 =	smul.u32 $0x4F000, s31  }
0x5: {  	s12 =	sand.u32 $0x1, s0;
	[smem:$0x7FF] =	sst s4;
	s8 =	sshll.u32 s31, $0xB  }
0x6: {  	s1 =	sshll.u32 s12, $0x4;
	s8 =	sadd.s32 s8, s5;
	s19 =	sshrl.u32 s10, $0x2  }
0x7: {  	[dreg:$0x18] =	wrdreg s12;
	s20 =	sadd.s32 $0xD200, s8;
	s11 =	sadd.s32 s19, s3  }
0x8: {  	_ =	strace $0x80000047;
	[dreg:$0x9] =	wrdreg s20;
	s21 =	sadd.s32 $0x4000, s11  }
0x9: {  	s1 =	sor.u32 s31, s1;
	s22 =	sadd.s32 $0x8000, s11;
	[dreg:$0xa] =	wrdreg s21  }
0xa: {  	s1 =	smul.u32 $0x3000, s1;
	s23 =	sadd.s32 $0xC000, s11;
	[dreg:$0xb] =	wrdreg s22  }
0xb: {  	s24 =	sadd.s32 $0x10000, s11;
	[dreg:$0xc] =	wrdreg s23  }
0xc: {  	s1 =	sshrl.u32 s1, $0x3;
	[dreg:$0xd] =	wrdreg s24  }
0xd: {  	s7 =	sadd.s32 $0x1200, s5;
	s21 =	rddreg [dreg:$0x9];
	s6 =	sadd.s32 s15, s1  }
0xe: {  	s16 =	sadd.s32 s7, s1;
	s9 =	sor.u32 $0x180, s1;
	[dreg:$0x5] =	wrdreg s6  }
0xf: {  	[dreg:$0x6] =	wrdreg s16;
	s17 =	sadd.s32 s15, s9  }
0x10: {  	s25 =	sadd.s32 $0x300, s1;
	s18 =	sadd.s32 s7, s9;
	[dreg:$0x7] =	wrdreg s17  }
0x11: {  	s29 =	smul.u32 $0x13800, s31;
	s26 =	sadd.s32 s15, s25;
	[dreg:$0x8] =	wrdreg s18  }
0x12: {  	s1 =	sadd.s32 $0x480, s1;
	s8 =	sadd.s32 s7, s25;
	[dreg:$0xe] =	wrdreg s26  }
0x13: {  	s10 =	smul.u32 $0x4E000, s31;
	s0 =	sadd.s32 s15, s1;
	[dreg:$0xf] =	wrdreg s8  }
0x14: {  	p0 =	sne.s32 s31, $0xF;
	s28 =	smul.u32 $0x138800, s12;
	[dreg:$0x10] =	wrdreg s0  }
0x15: {  	s5 =	sadd.s32 $0x15200, s5;
	s14 =	sshrl.u32 s10, $0x2;
	s15 =	rddreg [dreg:$0x5]  }
0x16: {  	s9 =	sadd.s32 s29, s28;
	s8 =	sadd.s32 s7, s1;
	s16 =	rddreg [dreg:$0x6]  }
0x17: {  	s6 =	sshrl.u32 s28, $0x3;
	s1 =	sshrl.u32 s9, $0x3;
	[dreg:$0x11] =	wrdreg s8  }
0x18: {  	[tilespmem:s4], [sflag:$0x3] =	stream.linear.gather [hbm4b:s15+s4], $0xA00, $0x38;
	[tilespmem:$0x1EC00] =	vst v63  }
0x19: {  	s13 =	sadd.s32 s5, s6;
	s0 =	sadd.s32 s14, s3;
	s17 =	rddreg [dreg:$0x7]  }
0x1a: {  	s7 =	simm.s32 $0xC00;
	s12 =	sadd.s32 s5, s1;
	s19 =	rddreg [dreg:$0x8]  }
0x1b: {  	s18 =	simm.s32 $0x1800;
	s1 =	sadd.s32 $0x27000, s13;
	[dreg:$0x12] =	wrdreg s12  }
0x1c: {  	[tilespmem:s7], [sflag:$0x3] =	stream.linear.gather [hbm4b:s16+s4], $0xA00, $0x38;
	[tilespmem:$0x1EC00] =	vst v63  }
0x1d: {  	s0 =	sshrl.u32 s0, $0x3;
	[dreg:$0x13] =	wrdreg s1;
	s1 =	sadd.s32 $0x138000, s3  }
0x1e: {  	[tilespmem:s18], [sflag:$0x4] =	stream.linear.gather [hbm4b:s17+s4], $0xA00, $0x38;
	[tilespmem:$0x1EC00] =	vst v63  }
0x1f: {  	s20 =	simm.s32 $0x2400;
	[dreg:$0x14] =	wrdreg s0;
	s1 =	sshrl.u32 @!p0 s1, $0x3  }
0x20: {  	[tilespmem:s20], [sflag:$0x4] =	stream.linear.gather [hbm4b:s19+s4], $0xA00, $0x38;
	[tilespmem:$0x1EC00] =	vst v63  }
0x21: {  	s10 =	simm.s32 $0x6;
	s9 =	simm.s32 $0x7000;
	[dreg:$0x15] =	wrdreg s1  }
0x22: {  	[tilespmem:s9], [sflag:$0x6] =	stream.linear.gather [hbm4b:s21+s4], $0x4000, $0x38;
	[tilespmem:$0x1EC00] =	vst v63  }
0x23: {  	_ =	swait.ge [sflag:s10], $0x4000  }
0x24: {  	[sflag:s10] =	ssyncset.done $0x0  }
0x25: {  	[dreg:$0x16] =	wrdreg s11;
	[sflag:s10] =	ssyncadd.s32 $0xFFFFC000  }
0x26: {  	[spmem:s11] =	stream.linear.scatter [tilespmem:s9], [sflag:$0x5], $0x4000, $0x38;
	[tilespmem:$0x1EC00] =	vst v63  }
0x27: {  	s22 =	rddreg [dreg:$0xa]  }
0x28: {  	[spmem:s22] =	stream.linear.scatter [tilespmem:s9], [sflag:$0x5], $0x4000, $0x38;
	[tilespmem:$0x1EC00] =	vst v63  }
0x29: {  	s23 =	rddreg [dreg:$0xb]  }
0x2a: {  	[spmem:s23] =	stream.linear.scatter [tilespmem:s9], [sflag:$0x5], $0x4000, $0x38;
	[tilespmem:$0x1EC00] =	vst v63  }
0x2b: {  	s24 =	rddreg [dreg:$0xc]  }
0x2c: {  	[spmem:s24] =	stream.linear.scatter [tilespmem:s9], [sflag:$0x5], $0x4000, $0x38;
	[tilespmem:$0x1EC00] =	vst v63  }
0x2d: {  	s25 =	rddreg [dreg:$0xd];
	s11 =	simm.s32 $0x5  }
0x2e: {  	[spmem:s25] =	stream.linear.scatter [tilespmem:s9], [sflag:$0x5], $0x3C00, $0x38;
	[tilespmem:$0x1EC00] =	vst v63  }
0x2f: {  	_ =	swait.ge [sflag:s11], $0x4000  }
0x30: {  	[sflag:s11] =	ssyncset.done $0x0  }
0x31: {  	[sflag:s11] =	ssyncadd.s32 $0xFFFFC000  }
0x32: {  	_ =	swait.ge [sflag:s11], $0x4000  }
0x33: {  	[sflag:s11] =	ssyncset.done $0x0  }
0x34: {  	[sflag:s11] =	ssyncadd.s32 $0xFFFFC000  }
0x35: {  	_ =	swait.ge [sflag:s11], $0x4000  }
0x36: {  	[sflag:s11] =	ssyncset.done $0x0  }
0x37: {  	[sflag:s11] =	ssyncadd.s32 $0xFFFFC000  }
0x38: {  	_ =	swait.ge [sflag:s11], $0x4000  }
0x39: {  	[sflag:s11] =	ssyncset.done $0x0  }
0x3a: {  	[sflag:s11] =	ssyncadd.s32 $0xFFFFC000  }
0x3b: {  	_ =	swait.ge [sflag:s11], $0x3C00  }
0x3c: {  	[sflag:s11] =	ssyncset.done $0x0  }
0x3d: {  	[sflag:s11] =	ssyncadd.s32 $0xFFFFC400  }
0x3e: {  	s12 =	simm.s32 $0x3;
	[bflag:$0x0] =	sbarrier.arrive $0xFFFF  }
0x3f: {  	_ =	swait.ge [sflag:s12], $0xA00  }
0x40: {  	[sflag:s12] =	ssyncset.done $0x0  }
0x41: {  	[sflag:s12] =	ssyncadd.s32 $0xFFFFF600  }
0x42: {  	_ =	swait.ge [sflag:s12], $0xA00  }
0x43: {  	[sflag:s12] =	ssyncset.done $0x0  }
0x44: {  	s14 =	simm.s32 $0x3000;
	s13 =	simm.s32 $0x80;
	[sflag:s12] =	ssyncadd.s32 $0xFFFFF600  }
0x45: {  	[tilespmem:s14], [sflag:$0x1] =	stream.indirect.gather [hbm4b:s2+s13], $0x80, s4, s13, $0xb8;
	[tilespmem:$0x1EC00] =	vst v63  }
0x46: {  	s15 =	simm.s32 $0x1  }
0x47: {  	[tilespmem:s9], [sflag:$0x2] =	stream.indirect.gather [hbm4b:s2+s13], $0x80, s13, s13, $0xb8;
	[tilespmem:$0x1EC00] =	vst v63  }
0x48: {  	_ =	swait.ge [sflag:s15], $0x4000  }
0x49: {  	[sflag:s15] =	ssyncset.done $0x0  }
0x4a: {  	[sflag:s15] =	ssyncadd.s32 $0xFFFFC000  }
0x4b: {  	[spmem:s3] =	stream.indirect.scatter.add.f32 [tilespmem:s14], [sflag:$0x6], $0x80, s7, s13, $0xb8;
	[tilespmem:$0x1EC00] =	vst v63  }
0x4c: {  	_ =	swait.ge [sflag:s10], $0x4000  }
0x4d: {  	[sflag:s10] =	ssyncset.done $0x0  }
0x4e: {  	s26 =	simm.s32 $0x100;
	s17 =	simm.s32 $0x2;
	[sflag:s10] =	ssyncadd.s32 $0xFFFFC000  }
0x4f: {  	[tilespmem:s14], [sflag:$0x1] =	stream.indirect.gather [hbm4b:s2+s13], $0x80, s26, s13, $0xb8;
	[tilespmem:$0x1EC00] =	vst v63  }
0x50: {  	_ =	swait.ge [sflag:s17], $0x4000  }
0x51: {  	[sflag:s17] =	ssyncset.done $0x0  }
0x52: {  	s28 =	simm.s32 $0xC80;
	[sflag:s17] =	ssyncadd.s32 $0xFFFFC000  }
0x53: {  	[spmem:s3] =	stream.indirect.scatter.add.f32 [tilespmem:s9], [sflag:$0x6], $0x80, s28, s13, $0xb8;
	[tilespmem:$0x1EC00] =	vst v63  }
0x54: {  	_ =	swait.ge [sflag:s10], $0x4000  }
0x55: {  	[sflag:s10] =	ssyncset.done $0x0  }
0x56: {  	s29 =	simm.s32 $0x180;
	[sflag:s10] =	ssyncadd.s32 $0xFFFFC000  }
0x57: {  	[tilespmem:s9], [sflag:$0x2] =	stream.indirect.gather [hbm4b:s2+s13], $0x80, s29, s13, $0xb8;
	[tilespmem:$0x1EC00] =	vst v63  }
0x58: {  	_ =	swait.ge [sflag:s15], $0x4000  }
0x59: {  	[sflag:s15] =	ssyncset.done $0x0  }
0x5a: {  	s1 =	simm.s32 $0xD00;
	[sflag:s15] =	ssyncadd.s32 $0xFFFFC000  }
0x5b: {  	[spmem:s3] =	stream.indirect.scatter.add.f32 [tilespmem:s14], [sflag:$0x6], $0x80, s1, s13, $0xb8;
	[tilespmem:$0x1EC00] =	vst v63  }
0x5c: {  	_ =	swait.ge [sflag:s10], $0x4000  }
0x5d: {  	[sflag:s10] =	ssyncset.done $0x0  }
0x5e: {  	s5 =	simm.s32 $0x200;
	[sflag:s10] =	ssyncadd.s32 $0xFFFFC000  }
0x5f: {  	[tilespmem:s14], [sflag:$0x1] =	stream.indirect.gather [hbm4b:s2+s13], $0x80, s5, s13, $0xb8;
	[tilespmem:$0x1EC00] =	vst v63  }
0x60: {  	_ =	swait.ge [sflag:s17], $0x4000  }
0x61: {  	[sflag:s17] =	ssyncset.done $0x0  }
0x62: {  	s8 =	simm.s32 $0xD80;
	[sflag:s17] =	ssyncadd.s32 $0xFFFFC000  }
0x63: {  	[spmem:s3] =	stream.indirect.scatter.add.f32 [tilespmem:s9], [sflag:$0x6], $0x80, s8, s13, $0xb8;
	[tilespmem:$0x1EC00] =	vst v63  }
0x64: {  	_ =	swait.ge [sflag:s10], $0x4000  }
0x65: {  	[sflag:s10] =	ssyncset.done $0x0  }
0x66: {  	s16 =	simm.s32 $0x280;
	[sflag:s10] =	ssyncadd.s32 $0xFFFFC000  }
0x67: {  	[tilespmem:s9], [sflag:$0x2] =	stream.indirect.gather [hbm4b:s2+s13], $0x80, s16, s13, $0xb8;
	[tilespmem:$0x1EC00] =	vst v63  }
0x68: {  	_ =	swait.ge [sflag:s15], $0x4000  }
0x69: {  	[sflag:s15] =	ssyncset.done $0x0  }
0x6a: {  	s18 =	simm.s32 $0xE00;
	[sflag:s15] =	ssyncadd.s32 $0xFFFFC000  }
0x6b: {  	[spmem:s3] =	stream.indirect.scatter.add.f32 [tilespmem:s14], [sflag:$0x6], $0x80, s18, s13, $0xb8;
	[tilespmem:$0x1EC00] =	vst v63  }
0x6c: {  	_ =	swait.ge [sflag:s10], $0x4000  }
0x6d: {  	[sflag:s10] =	ssyncset.done $0x0  }
0x6e: {  	s19 =	simm.s32 $0x300;
	[sflag:s10] =	ssyncadd.s32 $0xFFFFC000  }
0x6f: {  	[tilespmem:s14], [sflag:$0x1] =	stream.indirect.gather [hbm4b:s2+s13], $0x80, s19, s13, $0xb8;
	[tilespmem:$0x1EC00] =	vst v63  }
0x70: {  	_ =	swait.ge [sflag:s17], $0x4000  }
0x71: {  	[sflag:s17] =	ssyncset.done $0x0  }
0x72: {  	s20 =	simm.s32 $0xE80;
	[sflag:s17] =	ssyncadd.s32 $0xFFFFC000  }
0x73: {  	[spmem:s3] =	stream.indirect.scatter.add.f32 [tilespmem:s9], [sflag:$0x6], $0x80, s20, s13, $0xb8;
	[tilespmem:$0x1EC00] =	vst v63  }
0x74: {  	_ =	swait.ge [sflag:s10], $0x4000  }
0x75: {  	[sflag:s10] =	ssyncset.done $0x0  }
0x76: {  	s21 =	simm.s32 $0x380;
	[sflag:s10] =	ssyncadd.s32 $0xFFFFC000  }
0x77: {  	[tilespmem:s9], [sflag:$0x2] =	stream.indirect.gather [hbm4b:s2+s13], $0x80, s21, s13, $0xb8;
	[tilespmem:$0x1EC00] =	vst v63  }
0x78: {  	_ =	swait.ge [sflag:s15], $0x4000  }
0x79: {  	[sflag:s15] =	ssyncset.done $0x0  }
0x7a: {  	s22 =	simm.s32 $0xF00;
	[sflag:s15] =	ssyncadd.s32 $0xFFFFC000  }
0x7b: {  	[spmem:s3] =	stream.indirect.scatter.add.f32 [tilespmem:s14], [sflag:$0x6], $0x80, s22, s13, $0xb8;
	[tilespmem:$0x1EC00] =	vst v63  }
0x7c: {  	_ =	swait.ge [sflag:s10], $0x4000  }
0x7d: {  	[sflag:s10] =	ssyncset.done $0x0  }
0x7e: {  	s23 =	simm.s32 $0x400;
	[sflag:s10] =	ssyncadd.s32 $0xFFFFC000  }
0x7f: {  	[tilespmem:s14], [sflag:$0x1] =	stream.indirect.gather [hbm4b:s2+s13], $0x80, s23, s13, $0xb8;
	[tilespmem:$0x1EC00] =	vst v63  }
0x80: {  	_ =	swait.ge [sflag:s17], $0x4000  }
0x81: {  	[sflag:s17] =	ssyncset.done $0x0  }
0x82: {  	s24 =	simm.s32 $0xF80;
	[sflag:s17] =	ssyncadd.s32 $0xFFFFC000  }
0x83: {  	[spmem:s3] =	stream.indirect.scatter.add.f32 [tilespmem:s9], [sflag:$0x6], $0x80, s24, s13, $0xb8;
	[tilespmem:$0x1EC00] =	vst v63  }
0x84: {  	_ =	swait.ge [sflag:s10], $0x4000  }
0x85: {  	[sflag:s10] =	ssyncset.done $0x0  }
0x86: {  	s25 =	simm.s32 $0x480;
	[sflag:s10] =	ssyncadd.s32 $0xFFFFC000  }
0x87: {  	[tilespmem:s9], [sflag:$0x2] =	stream.indirect.gather [hbm4b:s2+s13], $0x80, s25, s13, $0xb8;
	[tilespmem:$0x1EC00] =	vst v63  }
0x88: {  	_ =	swait.ge [sflag:s15], $0x4000  }
0x89: {  	[sflag:s15] =	ssyncset.done $0x0  }
0x8a: {  	s26 =	simm.s32 $0x1000;
	[sflag:s15] =	ssyncadd.s32 $0xFFFFC000  }
0x8b: {  	[spmem:s3] =	stream.indirect.scatter.add.f32 [tilespmem:s14], [sflag:$0x6], $0x80, s26, s13, $0xb8;
	[tilespmem:$0x1EC00] =	vst v63  }
0x8c: {  	_ =	swait.ge [sflag:s10], $0x4000  }
0x8d: {  	[sflag:s10] =	ssyncset.done $0x0  }
0x8e: {  	s28 =	simm.s32 $0x500;
	[sflag:s10] =	ssyncadd.s32 $0xFFFFC000  }
0x8f: {  	[tilespmem:s14], [sflag:$0x1] =	stream.indirect.gather [hbm4b:s2+s13], $0x80, s28, s13, $0xb8;
	[tilespmem:$0x1EC00] =	vst v63  }
0x90: {  	_ =	swait.ge [sflag:s17], $0x4000  }
0x91: {  	[sflag:s17] =	ssyncset.done $0x0  }
0x92: {  	s29 =	simm.s32 $0x1080;
	[sflag:s17] =	ssyncadd.s32 $0xFFFFC000  }
0x93: {  	[spmem:s3] =	stream.indirect.scatter.add.f32 [tilespmem:s9], [sflag:$0x6], $0x80, s29, s13, $0xb8;
	[tilespmem:$0x1EC00] =	vst v63  }
0x94: {  	_ =	swait.ge [sflag:s10], $0x4000  }
0x95: {  	[sflag:s10] =	ssyncset.done $0x0  }
0x96: {  	s1 =	simm.s32 $0x580;
	[sflag:s10] =	ssyncadd.s32 $0xFFFFC000  }
0x97: {  	[tilespmem:s9], [sflag:$0x2] =	stream.indirect.gather [hbm4b:s2+s13], $0x80, s1, s13, $0xb8;
	[tilespmem:$0x1EC00] =	vst v63  }
0x98: {  	_ =	swait.ge [sflag:s15], $0x4000  }
0x99: {  	[sflag:s15] =	ssyncset.done $0x0  }
0x9a: {  	s5 =	simm.s32 $0x1100;
	[sflag:s15] =	ssyncadd.s32 $0xFFFFC000  }
0x9b: {  	[spmem:s3] =	stream.indirect.scatter.add.f32 [tilespmem:s14], [sflag:$0x6], $0x80, s5, s13, $0xb8;
	[tilespmem:$0x1EC00] =	vst v63  }
0x9c: {  	_ =	swait.ge [sflag:s10], $0x4000  }
0x9d: {  	[sflag:s10] =	ssyncset.done $0x0  }
0x9e: {  	s8 =	simm.s32 $0x600;
	[sflag:s10] =	ssyncadd.s32 $0xFFFFC000  }
0x9f: {  	[tilespmem:s14], [sflag:$0x1] =	stream.indirect.gather [hbm4b:s2+s13], $0x80, s8, s13, $0xb8;
	[tilespmem:$0x1EC00] =	vst v63  }
0xa0: {  	_ =	swait.ge [sflag:s17], $0x4000  }
0xa1: {  	[sflag:s17] =	ssyncset.done $0x0  }
0xa2: {  	s16 =	simm.s32 $0x1180;
	[sflag:s17] =	ssyncadd.s32 $0xFFFFC000  }
0xa3: {  	[spmem:s3] =	stream.indirect.scatter.add.f32 [tilespmem:s9], [sflag:$0x6], $0x80, s16, s13, $0xb8;
	[tilespmem:$0x1EC00] =	vst v63  }
0xa4: {  	_ =	swait.ge [sflag:s10], $0x4000  }
0xa5: {  	[sflag:s10] =	ssyncset.done $0x0  }
0xa6: {  	s18 =	simm.s32 $0x680;
	[sflag:s10] =	ssyncadd.s32 $0xFFFFC000  }
0xa7: {  	[tilespmem:s9], [sflag:$0x2] =	stream.indirect.gather [hbm4b:s2+s13], $0x80, s18, s13, $0xb8;
	[tilespmem:$0x1EC00] =	vst v63  }
0xa8: {  	_ =	swait.ge [sflag:s15], $0x4000  }
0xa9: {  	[sflag:s15] =	ssyncset.done $0x0  }
0xaa: {  	s19 =	simm.s32 $0x1200;
	[sflag:s15] =	ssyncadd.s32 $0xFFFFC000  }
0xab: {  	[spmem:s3] =	stream.indirect.scatter.add.f32 [tilespmem:s14], [sflag:$0x6], $0x80, s19, s13, $0xb8;
	[tilespmem:$0x1EC00] =	vst v63  }
0xac: {  	_ =	swait.ge [sflag:s10], $0x4000  }
0xad: {  	[sflag:s10] =	ssyncset.done $0x0  }
0xae: {  	s20 =	simm.s32 $0x700;
	[sflag:s10] =	ssyncadd.s32 $0xFFFFC000  }
0xaf: {  	[tilespmem:s14], [sflag:$0x1] =	stream.indirect.gather [hbm4b:s2+s13], $0x80, s20, s13, $0xb8;
	[tilespmem:$0x1EC00] =	vst v63  }
0xb0: {  	_ =	swait.ge [sflag:s17], $0x4000  }
0xb1: {  	[sflag:s17] =	ssyncset.done $0x0  }
0xb2: {  	s21 =	simm.s32 $0x1280;
	[sflag:s17] =	ssyncadd.s32 $0xFFFFC000  }
0xb3: {  	[spmem:s3] =	stream.indirect.scatter.add.f32 [tilespmem:s9], [sflag:$0x6], $0x80, s21, s13, $0xb8;
	[tilespmem:$0x1EC00] =	vst v63  }
0xb4: {  	_ =	swait.ge [sflag:s10], $0x4000  }
0xb5: {  	[sflag:s10] =	ssyncset.done $0x0  }
0xb6: {  	s22 =	simm.s32 $0x780;
	[sflag:s10] =	ssyncadd.s32 $0xFFFFC000  }
0xb7: {  	[tilespmem:s9], [sflag:$0x2] =	stream.indirect.gather [hbm4b:s2+s13], $0x80, s22, s13, $0xb8;
	[tilespmem:$0x1EC00] =	vst v63  }
0xb8: {  	_ =	swait.ge [sflag:s15], $0x4000  }
0xb9: {  	[sflag:s15] =	ssyncset.done $0x0  }
0xba: {  	s23 =	simm.s32 $0x1300;
	[sflag:s15] =	ssyncadd.s32 $0xFFFFC000  }
0xbb: {  	[spmem:s3] =	stream.indirect.scatter.add.f32 [tilespmem:s14], [sflag:$0x6], $0x80, s23, s13, $0xb8;
	[tilespmem:$0x1EC00] =	vst v63  }
0xbc: {  	_ =	swait.ge [sflag:s10], $0x4000  }
0xbd: {  	[sflag:s10] =	ssyncset.done $0x0  }
0xbe: {  	s24 =	simm.s32 $0x800;
	[sflag:s10] =	ssyncadd.s32 $0xFFFFC000  }
0xbf: {  	[tilespmem:s14], [sflag:$0x1] =	stream.indirect.gather [hbm4b:s2+s13], $0x80, s24, s13, $0xb8;
	[tilespmem:$0x1EC00] =	vst v63  }
0xc0: {  	_ =	swait.ge [sflag:s17], $0x4000  }
0xc1: {  	[sflag:s17] =	ssyncset.done $0x0  }
0xc2: {  	s25 =	simm.s32 $0x1380;
	[sflag:s17] =	ssyncadd.s32 $0xFFFFC000  }
0xc3: {  	[spmem:s3] =	stream.indirect.scatter.add.f32 [tilespmem:s9], [sflag:$0x6], $0x80, s25, s13, $0xb8;
	[tilespmem:$0x1EC00] =	vst v63  }
0xc4: {  	_ =	swait.ge [sflag:s10], $0x4000  }
0xc5: {  	[sflag:s10] =	ssyncset.done $0x0  }
0xc6: {  	s26 =	simm.s32 $0x880;
	[sflag:s10] =	ssyncadd.s32 $0xFFFFC000  }
0xc7: {  	[tilespmem:s9], [sflag:$0x2] =	stream.indirect.gather [hbm4b:s2+s13], $0x80, s26, s13, $0xb8;
	[tilespmem:$0x1EC00] =	vst v63  }
0xc8: {  	_ =	swait.ge [sflag:s15], $0x4000  }
0xc9: {  	[sflag:s15] =	ssyncset.done $0x0  }
0xca: {  	s28 =	simm.s32 $0x1400;
	[sflag:s15] =	ssyncadd.s32 $0xFFFFC000  }
0xcb: {  	[spmem:s3] =	stream.indirect.scatter.add.f32 [tilespmem:s14], [sflag:$0x6], $0x80, s28, s13, $0xb8;
	[tilespmem:$0x1EC00] =	vst v63  }
0xcc: {  	_ =	swait.ge [sflag:s10], $0x4000  }
0xcd: {  	[sflag:s10] =	ssyncset.done $0x0  }
0xce: {  	s29 =	simm.s32 $0x900;
	[sflag:s10] =	ssyncadd.s32 $0xFFFFC000  }
0xcf: {  	[tilespmem:s14], [sflag:$0x1] =	stream.indirect.gather [hbm4b:s2+s13], $0x80, s29, s13, $0xb8;
	[tilespmem:$0x1EC00] =	vst v63  }
0xd0: {  	_ =	swait.ge [sflag:s17], $0x4000  }
0xd1: {  	[sflag:s17] =	ssyncset.done $0x0  }
0xd2: {  	s1 =	simm.s32 $0x1480;
	[sflag:s17] =	ssyncadd.s32 $0xFFFFC000  }
0xd3: {  	[spmem:s3] =	stream.indirect.scatter.add.f32 [tilespmem:s9], [sflag:$0x6], $0x80, s1, s13, $0xb8;
	[tilespmem:$0x1EC00] =	vst v63  }
0xd4: {  	_ =	swait.ge [sflag:s10], $0x4000  }
0xd5: {  	[sflag:s10] =	ssyncset.done $0x0  }
0xd6: {  	s5 =	simm.s32 $0x980;
	[sflag:s10] =	ssyncadd.s32 $0xFFFFC000  }
0xd7: {  	[tilespmem:s9], [sflag:$0x2] =	stream.indirect.gather [hbm4b:s2+s13], $0x80, s5, s13, $0xb8;
	[tilespmem:$0x1EC00] =	vst v63  }
0xd8: {  	_ =	swait.ge [sflag:s15], $0x4000  }
0xd9: {  	[sflag:s15] =	ssyncset.done $0x0  }
0xda: {  	s8 =	simm.s32 $0x1500;
	[sflag:s15] =	ssyncadd.s32 $0xFFFFC000  }
0xdb: {  	[spmem:s3] =	stream.indirect.scatter.add.f32 [tilespmem:s14], [sflag:$0x6], $0x80, s8, s13, $0xb8;
	[tilespmem:$0x1EC00] =	vst v63  }
0xdc: {  	_ =	swait.ge [sflag:s10], $0x4000  }
0xdd: {  	[sflag:s10] =	ssyncset.done $0x0  }
0xde: {  	[sflag:s10] =	ssyncadd.s32 $0xFFFFC000  }
0xdf: {  	_ =	swait.ge [sflag:s17], $0x4000  }
0xe0: {  	[sflag:s17] =	ssyncset.done $0x0  }
0xe1: {  	s16 =	simm.s32 $0x1580;
	[sflag:s17] =	ssyncadd.s32 $0xFFFFC000  }
0xe2: {  	[spmem:s3] =	stream.indirect.scatter.add.f32 [tilespmem:s9], [sflag:$0x6], $0x80, s16, s13, $0xb8;
	[tilespmem:$0x1EC00] =	vst v63  }
0xe3: {  	_ =	swait.ge [sflag:s10], $0x4000  }
0xe4: {  	[sflag:s10] =	ssyncset.done $0x0  }
0xe5: {  	s20 =	simm.s32 $0x4;
	[sflag:s10] =	ssyncadd.s32 $0xFFFFC000  }
0xe6: {  	_ =	swait.ge [sflag:s20], $0xA00  }
0xe7: {  	[sflag:s20] =	ssyncset.done $0x0  }
0xe8: {  	[sflag:s20] =	ssyncadd.s32 $0xFFFFF600  }
0xe9: {  	_ =	swait.ge [sflag:s20], $0xA00  }
0xea: {  	[sflag:s20] =	ssyncset.done $0x0  }
0xeb: {  	s5 =	simm.s32 $0x1800;
	[sflag:s20] =	ssyncadd.s32 $0xFFFFF600  }
0xec: {  	[tilespmem:s14], [sflag:$0x1] =	stream.indirect.gather [hbm4b:s2+s13], $0x80, s5, s13, $0xb8;
	[tilespmem:$0x1EC00] =	vst v63  }
0xed: {  	s18 =	rddreg [dreg:$0xe]  }
0xee: {  	[tilespmem:s4], [sflag:$0x3] =	stream.linear.gather [hbm4b:s18+s4], $0xA00, $0x38;
	[tilespmem:$0x1EC00] =	vst v63  }
0xef: {  	s19 =	rddreg [dreg:$0xf]  }
0xf0: {  	[tilespmem:s7], [sflag:$0x3] =	stream.linear.gather [hbm4b:s19+s4], $0xA00, $0x38;
	[tilespmem:$0x1EC00] =	vst v63  }
0xf1: {  	s21 =	simm.s32 $0x1880  }
0xf2: {  	[tilespmem:s9], [sflag:$0x2] =	stream.indirect.gather [hbm4b:s2+s13], $0x80, s21, s13, $0xb8;
	[tilespmem:$0x1EC00] =	vst v63  }
0xf3: {  	_ =	swait.ge [sflag:s15], $0x4000  }
0xf4: {  	[sflag:s15] =	ssyncset.done $0x0  }
0xf5: {  	s6 =	simm.s32 $0x2400;
	[sflag:s15] =	ssyncadd.s32 $0xFFFFC000  }
0xf6: {  	[spmem:s3] =	stream.indirect.scatter.add.f32 [tilespmem:s14], [sflag:$0x6], $0x80, s6, s13, $0xb8;
	[tilespmem:$0x1EC00] =	vst v63  }
0xf7: {  	_ =	swait.ge [sflag:s10], $0x4000  }
0xf8: {  	[sflag:s10] =	ssyncset.done $0x0  }
0xf9: {  	s22 =	simm.s32 $0x1900;
	[sflag:s10] =	ssyncadd.s32 $0xFFFFC000  }
0xfa: {  	[tilespmem:s14], [sflag:$0x1] =	stream.indirect.gather [hbm4b:s2+s13], $0x80, s22, s13, $0xb8;
	[tilespmem:$0x1EC00] =	vst v63  }
0xfb: {  	_ =	swait.ge [sflag:s17], $0x4000  }
0xfc: {  	[sflag:s17] =	ssyncset.done $0x0  }
0xfd: {  	s23 =	simm.s32 $0x2480;
	[sflag:s17] =	ssyncadd.s32 $0xFFFFC000  }
0xfe: {  	[spmem:s3] =	stream.indirect.scatter.add.f32 [tilespmem:s9], [sflag:$0x6], $0x80, s23, s13, $0xb8;
	[tilespmem:$0x1EC00] =	vst v63  }
0xff: {  	_ =	swait.ge [sflag:s10], $0x4000  }
0x100: {  	[sflag:s10] =	ssyncset.done $0x0  }
0x101: {  	s24 =	simm.s32 $0x1980;
	[sflag:s10] =	ssyncadd.s32 $0xFFFFC000  }
0x102: {  	[tilespmem:s9], [sflag:$0x2] =	stream.indirect.gather [hbm4b:s2+s13], $0x80, s24, s13, $0xb8;
	[tilespmem:$0x1EC00] =	vst v63  }
0x103: {  	_ =	swait.ge [sflag:s15], $0x4000  }
0x104: {  	[sflag:s15] =	ssyncset.done $0x0  }
0x105: {  	s25 =	simm.s32 $0x2500;
	[sflag:s15] =	ssyncadd.s32 $0xFFFFC000  }
0x106: {  	[spmem:s3] =	stream.indirect.scatter.add.f32 [tilespmem:s14], [sflag:$0x6], $0x80, s25, s13, $0xb8;
	[tilespmem:$0x1EC00] =	vst v63  }
0x107: {  	_ =	swait.ge [sflag:s10], $0x4000  }
0x108: {  	[sflag:s10] =	ssyncset.done $0x0  }
0x109: {  	s26 =	simm.s32 $0x1A00;
	[sflag:s10] =	ssyncadd.s32 $0xFFFFC000  }
0x10a: {  	[tilespmem:s14], [sflag:$0x1] =	stream.indirect.gather [hbm4b:s2+s13], $0x80, s26, s13, $0xb8;
	[tilespmem:$0x1EC00] =	vst v63  }
0x10b: {  	_ =	swait.ge [sflag:s17], $0x4000  }
0x10c: {  	[sflag:s17] =	ssyncset.done $0x0  }
0x10d: {  	s28 =	simm.s32 $0x2580;
	[sflag:s17] =	ssyncadd.s32 $0xFFFFC000  }
0x10e: {  	[spmem:s3] =	stream.indirect.scatter.add.f32 [tilespmem:s9], [sflag:$0x6], $0x80, s28, s13, $0xb8;
	[tilespmem:$0x1EC00] =	vst v63  }
0x10f: {  	_ =	swait.ge [sflag:s10], $0x4000  }
0x110: {  	[sflag:s10] =	ssyncset.done $0x0  }
0x111: {  	s29 =	simm.s32 $0x1A80;
	[sflag:s10] =	ssyncadd.s32 $0xFFFFC000  }
0x112: {  	[tilespmem:s9], [sflag:$0x2] =	stream.indirect.gather [hbm4b:s2+s13], $0x80, s29, s13, $0xb8;
	[tilespmem:$0x1EC00] =	vst v63  }
0x113: {  	_ =	swait.ge [sflag:s15], $0x4000  }
0x114: {  	[sflag:s15] =	ssyncset.done $0x0  }
0x115: {  	s1 =	simm.s32 $0x2600;
	[sflag:s15] =	ssyncadd.s32 $0xFFFFC000  }
0x116: {  	[spmem:s3] =	stream.indirect.scatter.add.f32 [tilespmem:s14], [sflag:$0x6], $0x80, s1, s13, $0xb8;
	[tilespmem:$0x1EC00] =	vst v63  }
0x117: {  	_ =	swait.ge [sflag:s10], $0x4000  }
0x118: {  	[sflag:s10] =	ssyncset.done $0x0  }
0x119: {  	s6 =	simm.s32 $0x1B00;
	[sflag:s10] =	ssyncadd.s32 $0xFFFFC000  }
0x11a: {  	[tilespmem:s14], [sflag:$0x1] =	stream.indirect.gather [hbm4b:s2+s13], $0x80, s6, s13, $0xb8;
	[tilespmem:$0x1EC00] =	vst v63  }
0x11b: {  	_ =	swait.ge [sflag:s17], $0x4000  }
0x11c: {  	[sflag:s17] =	ssyncset.done $0x0  }
0x11d: {  	s8 =	simm.s32 $0x2680;
	[sflag:s17] =	ssyncadd.s32 $0xFFFFC000  }
0x11e: {  	[spmem:s3] =	stream.indirect.scatter.add.f32 [tilespmem:s9], [sflag:$0x6], $0x80, s8, s13, $0xb8;
	[tilespmem:$0x1EC00] =	vst v63  }
0x11f: {  	_ =	swait.ge [sflag:s10], $0x4000  }
0x120: {  	[sflag:s10] =	ssyncset.done $0x0  }
0x121: {  	s16 =	simm.s32 $0x1B80;
	[sflag:s10] =	ssyncadd.s32 $0xFFFFC000  }
0x122: {  	[tilespmem:s9], [sflag:$0x2] =	stream.indirect.gather [hbm4b:s2+s13], $0x80, s16, s13, $0xb8;
	[tilespmem:$0x1EC00] =	vst v63  }
0x123: {  	_ =	swait.ge [sflag:s15], $0x4000  }
0x124: {  	[sflag:s15] =	ssyncset.done $0x0  }
0x125: {  	s18 =	simm.s32 $0x2700;
	[sflag:s15] =	ssyncadd.s32 $0xFFFFC000  }
0x126: {  	[spmem:s3] =	stream.indirect.scatter.add.f32 [tilespmem:s14], [sflag:$0x6], $0x80, s18, s13, $0xb8;
	[tilespmem:$0x1EC00] =	vst v63  }
0x127: {  	_ =	swait.ge [sflag:s10], $0x4000  }
0x128: {  	[sflag:s10] =	ssyncset.done $0x0  }
0x129: {  	s19 =	simm.s32 $0x1C00;
	[sflag:s10] =	ssyncadd.s32 $0xFFFFC000  }
0x12a: {  	[tilespmem:s14], [sflag:$0x1] =	stream.indirect.gather [hbm4b:s2+s13], $0x80, s19, s13, $0xb8;
	[tilespmem:$0x1EC00] =	vst v63  }
0x12b: {  	_ =	swait.ge [sflag:s17], $0x4000  }
0x12c: {  	[sflag:s17] =	ssyncset.done $0x0  }
0x12d: {  	s21 =	simm.s32 $0x2780;
	[sflag:s17] =	ssyncadd.s32 $0xFFFFC000  }
0x12e: {  	[spmem:s3] =	stream.indirect.scatter.add.f32 [tilespmem:s9], [sflag:$0x6], $0x80, s21, s13, $0xb8;
	[tilespmem:$0x1EC00] =	vst v63  }
0x12f: {  	_ =	swait.ge [sflag:s10], $0x4000  }
0x130: {  	[sflag:s10] =	ssyncset.done $0x0  }
0x131: {  	s22 =	simm.s32 $0x1C80;
	[sflag:s10] =	ssyncadd.s32 $0xFFFFC000  }
0x132: {  	[tilespmem:s9], [sflag:$0x2] =	stream.indirect.gather [hbm4b:s2+s13], $0x80, s22, s13, $0xb8;
	[tilespmem:$0x1EC00] =	vst v63  }
0x133: {  	_ =	swait.ge [sflag:s15], $0x4000  }
0x134: {  	[sflag:s15] =	ssyncset.done $0x0  }
0x135: {  	s23 =	simm.s32 $0x2800;
	[sflag:s15] =	ssyncadd.s32 $0xFFFFC000  }
0x136: {  	[spmem:s3] =	stream.indirect.scatter.add.f32 [tilespmem:s14], [sflag:$0x6], $0x80, s23, s13, $0xb8;
	[tilespmem:$0x1EC00] =	vst v63  }
0x137: {  	_ =	swait.ge [sflag:s10], $0x4000  }
0x138: {  	[sflag:s10] =	ssyncset.done $0x0  }
0x139: {  	s24 =	simm.s32 $0x1D00;
	[sflag:s10] =	ssyncadd.s32 $0xFFFFC000  }
0x13a: {  	[tilespmem:s14], [sflag:$0x1] =	stream.indirect.gather [hbm4b:s2+s13], $0x80, s24, s13, $0xb8;
	[tilespmem:$0x1EC00] =	vst v63  }
0x13b: {  	_ =	swait.ge [sflag:s17], $0x4000  }
0x13c: {  	[sflag:s17] =	ssyncset.done $0x0  }
0x13d: {  	s25 =	simm.s32 $0x2880;
	[sflag:s17] =	ssyncadd.s32 $0xFFFFC000  }
0x13e: {  	[spmem:s3] =	stream.indirect.scatter.add.f32 [tilespmem:s9], [sflag:$0x6], $0x80, s25, s13, $0xb8;
	[tilespmem:$0x1EC00] =	vst v63  }
0x13f: {  	_ =	swait.ge [sflag:s10], $0x4000  }
0x140: {  	[sflag:s10] =	ssyncset.done $0x0  }
0x141: {  	s26 =	simm.s32 $0x1D80;
	[sflag:s10] =	ssyncadd.s32 $0xFFFFC000  }
0x142: {  	[tilespmem:s9], [sflag:$0x2] =	stream.indirect.gather [hbm4b:s2+s13], $0x80, s26, s13, $0xb8;
	[tilespmem:$0x1EC00] =	vst v63  }
0x143: {  	_ =	swait.ge [sflag:s15], $0x4000  }
0x144: {  	[sflag:s15] =	ssyncset.done $0x0  }
0x145: {  	s28 =	simm.s32 $0x2900;
	[sflag:s15] =	ssyncadd.s32 $0xFFFFC000  }
0x146: {  	[spmem:s3] =	stream.indirect.scatter.add.f32 [tilespmem:s14], [sflag:$0x6], $0x80, s28, s13, $0xb8;
	[tilespmem:$0x1EC00] =	vst v63  }
0x147: {  	_ =	swait.ge [sflag:s10], $0x4000  }
0x148: {  	[sflag:s10] =	ssyncset.done $0x0  }
0x149: {  	s29 =	simm.s32 $0x1E00;
	[sflag:s10] =	ssyncadd.s32 $0xFFFFC000  }
0x14a: {  	[tilespmem:s14], [sflag:$0x1] =	stream.indirect.gather [hbm4b:s2+s13], $0x80, s29, s13, $0xb8;
	[tilespmem:$0x1EC00] =	vst v63  }
0x14b: {  	_ =	swait.ge [sflag:s17], $0x4000  }
0x14c: {  	[sflag:s17] =	ssyncset.done $0x0  }
0x14d: {  	s1 =	simm.s32 $0x2980;
	[sflag:s17] =	ssyncadd.s32 $0xFFFFC000  }
0x14e: {  	[spmem:s3] =	stream.indirect.scatter.add.f32 [tilespmem:s9], [sflag:$0x6], $0x80, s1, s13, $0xb8;
	[tilespmem:$0x1EC00] =	vst v63  }
0x14f: {  	_ =	swait.ge [sflag:s10], $0x4000  }
0x150: {  	[sflag:s10] =	ssyncset.done $0x0  }
0x151: {  	s6 =	simm.s32 $0x1E80;
	[sflag:s10] =	ssyncadd.s32 $0xFFFFC000  }
0x152: {  	[tilespmem:s9], [sflag:$0x2] =	stream.indirect.gather [hbm4b:s2+s13], $0x80, s6, s13, $0xb8;
	[tilespmem:$0x1EC00] =	vst v63  }
0x153: {  	_ =	swait.ge [sflag:s15], $0x4000  }
0x154: {  	[sflag:s15] =	ssyncset.done $0x0  }
0x155: {  	s29 =	simm.s32 $0x2A00;
	[sflag:s15] =	ssyncadd.s32 $0xFFFFC000  }
0x156: {  	[spmem:s3] =	stream.indirect.scatter.add.f32 [tilespmem:s14], [sflag:$0x6], $0x80, s29, s13, $0xb8;
	[tilespmem:$0x1EC00] =	vst v63  }
0x157: {  	_ =	swait.ge [sflag:s10], $0x4000  }
0x158: {  	[sflag:s10] =	ssyncset.done $0x0  }
0x159: {  	s26 =	simm.s32 $0x1F00;
	[sflag:s10] =	ssyncadd.s32 $0xFFFFC000  }
0x15a: {  	[tilespmem:s14], [sflag:$0x1] =	stream.indirect.gather [hbm4b:s2+s13], $0x80, s26, s13, $0xb8;
	[tilespmem:$0x1EC00] =	vst v63  }
0x15b: {  	_ =	swait.ge [sflag:s17], $0x4000  }
0x15c: {  	[sflag:s17] =	ssyncset.done $0x0  }
0x15d: {  	s25 =	simm.s32 $0x2A80;
	[sflag:s17] =	ssyncadd.s32 $0xFFFFC000  }
0x15e: {  	[spmem:s3] =	stream.indirect.scatter.add.f32 [tilespmem:s9], [sflag:$0x6], $0x80, s25, s13, $0xb8;
	[tilespmem:$0x1EC00] =	vst v63  }
0x15f: {  	_ =	swait.ge [sflag:s10], $0x4000  }
0x160: {  	[sflag:s10] =	ssyncset.done $0x0  }
0x161: {  	s24 =	simm.s32 $0x1F80;
	[sflag:s10] =	ssyncadd.s32 $0xFFFFC000  }
0x162: {  	[tilespmem:s9], [sflag:$0x2] =	stream.indirect.gather [hbm4b:s2+s13], $0x80, s24, s13, $0xb8;
	[tilespmem:$0x1EC00] =	vst v63  }
0x163: {  	_ =	swait.ge [sflag:s15], $0x4000  }
0x164: {  	[sflag:s15] =	ssyncset.done $0x0  }
0x165: {  	s23 =	simm.s32 $0x2B00;
	[sflag:s15] =	ssyncadd.s32 $0xFFFFC000  }
0x166: {  	[spmem:s3] =	stream.indirect.scatter.add.f32 [tilespmem:s14], [sflag:$0x6], $0x80, s23, s13, $0xb8;
	[tilespmem:$0x1EC00] =	vst v63  }
0x167: {  	_ =	swait.ge [sflag:s10], $0x4000  }
0x168: {  	[sflag:s10] =	ssyncset.done $0x0  }
0x169: {  	s22 =	simm.s32 $0x2000;
	[sflag:s10] =	ssyncadd.s32 $0xFFFFC000  }
0x16a: {  	[tilespmem:s14], [sflag:$0x1] =	stream.indirect.gather [hbm4b:s2+s13], $0x80, s22, s13, $0xb8;
	[tilespmem:$0x1EC00] =	vst v63  }
0x16b: {  	_ =	swait.ge [sflag:s17], $0x4000  }
0x16c: {  	[sflag:s17] =	ssyncset.done $0x0  }
0x16d: {  	s21 =	simm.s32 $0x2B80;
	[sflag:s17] =	ssyncadd.s32 $0xFFFFC000  }
0x16e: {  	[spmem:s3] =	stream.indirect.scatter.add.f32 [tilespmem:s9], [sflag:$0x6], $0x80, s21, s13, $0xb8;
	[tilespmem:$0x1EC00] =	vst v63  }
0x16f: {  	_ =	swait.ge [sflag:s10], $0x4000  }
0x170: {  	[sflag:s10] =	ssyncset.done $0x0  }
0x171: {  	s19 =	simm.s32 $0x2080;
	[sflag:s10] =	ssyncadd.s32 $0xFFFFC000  }
0x172: {  	[tilespmem:s9], [sflag:$0x2] =	stream.indirect.gather [hbm4b:s2+s13], $0x80, s19, s13, $0xb8;
	[tilespmem:$0x1EC00] =	vst v63  }
0x173: {  	_ =	swait.ge [sflag:s15], $0x4000  }
0x174: {  	[sflag:s15] =	ssyncset.done $0x0  }
0x175: {  	s18 =	simm.s32 $0x2C00;
	[sflag:s15] =	ssyncadd.s32 $0xFFFFC000  }
0x176: {  	[spmem:s3] =	stream.indirect.scatter.add.f32 [tilespmem:s14], [sflag:$0x6], $0x80, s18, s13, $0xb8;
	[tilespmem:$0x1EC00] =	vst v63  }
0x177: {  	_ =	swait.ge [sflag:s10], $0x4000  }
0x178: {  	[sflag:s10] =	ssyncset.done $0x0  }
0x179: {  	s16 =	simm.s32 $0x2100;
	[sflag:s10] =	ssyncadd.s32 $0xFFFFC000  }
0x17a: {  	[tilespmem:s14], [sflag:$0x1] =	stream.indirect.gather [hbm4b:s2+s13], $0x80, s16, s13, $0xb8;
	[tilespmem:$0x1EC00] =	vst v63  }
0x17b: {  	_ =	swait.ge [sflag:s17], $0x4000  }
0x17c: {  	[sflag:s17] =	ssyncset.done $0x0  }
0x17d: {  	s8 =	simm.s32 $0x2C80;
	[sflag:s17] =	ssyncadd.s32 $0xFFFFC000  }
0x17e: {  	[spmem:s3] =	stream.indirect.scatter.add.f32 [tilespmem:s9], [sflag:$0x6], $0x80, s8, s13, $0xb8;
	[tilespmem:$0x1EC00] =	vst v63  }
0x17f: {  	_ =	swait.ge [sflag:s10], $0x4000  }
0x180: {  	[sflag:s10] =	ssyncset.done $0x0  }
0x181: {  	s6 =	simm.s32 $0x2180;
	[sflag:s10] =	ssyncadd.s32 $0xFFFFC000  }
0x182: {  	[tilespmem:s9], [sflag:$0x2] =	stream.indirect.gather [hbm4b:s2+s13], $0x80, s6, s13, $0xb8;
	[tilespmem:$0x1EC00] =	vst v63  }
0x183: {  	_ =	swait.ge [sflag:s15], $0x4000  }
0x184: {  	[sflag:s15] =	ssyncset.done $0x0  }
0x185: {  	s1 =	simm.s32 $0x2D00;
	[sflag:s15] =	ssyncadd.s32 $0xFFFFC000  }
0x186: {  	[spmem:s3] =	stream.indirect.scatter.add.f32 [tilespmem:s14], [sflag:$0x6], $0x80, s1, s13, $0xb8;
	[tilespmem:$0x1EC00] =	vst v63  }
0x187: {  	_ =	swait.ge [sflag:s10], $0x4000  }
0x188: {  	[sflag:s10] =	ssyncset.done $0x0  }
0x189: {  	[sflag:s10] =	ssyncadd.s32 $0xFFFFC000  }
0x18a: {  	_ =	swait.ge [sflag:s17], $0x4000  }
0x18b: {  	[sflag:s17] =	ssyncset.done $0x0  }
0x18c: {  	s0 =	simm.s32 $0x2D80;
	[sflag:s17] =	ssyncadd.s32 $0xFFFFC000  }
0x18d: {  	[spmem:s3] =	stream.indirect.scatter.add.f32 [tilespmem:s9], [sflag:$0x6], $0x80, s0, s13, $0xb8;
	[tilespmem:$0x1EC00] =	vst v63  }
0x18e: {  	_ =	swait.ge [sflag:s10], $0x4000  }
0x18f: {  	[sflag:s10] =	ssyncset.done $0x0  }
0x190: {  	[sflag:s10] =	ssyncadd.s32 $0xFFFFC000  }
0x191: {  	_ =	swait.ge [sflag:s12], $0xA00  }
0x192: {  	[sflag:s12] =	ssyncset.done $0x0  }
0x193: {  	[sflag:s12] =	ssyncadd.s32 $0xFFFFF600  }
0x194: {  	_ =	swait.ge [sflag:s12], $0xA00  }
0x195: {  	[sflag:s12] =	ssyncset.done $0x0  }
0x196: {  	[sflag:s12] =	ssyncadd.s32 $0xFFFFF600  }
0x197: {  	[tilespmem:s14], [sflag:$0x1] =	stream.indirect.gather [hbm4b:s2+s13], $0x80, s4, s13, $0xb8;
	[tilespmem:$0x1EC00] =	vst v63  }
0x198: {  	s28 =	rddreg [dreg:$0x10]  }
0x199: {  	[tilespmem:s5], [sflag:$0x4] =	stream.linear.gather [hbm4b:s28+s4], $0xA00, $0x38;
	[tilespmem:$0x1EC00] =	vst v63  }
0x19a: {  	s30 =	rddreg [dreg:$0x11];
	s28 =	simm.s32 $0x2400  }
0x19b: {  	[tilespmem:s28], [sflag:$0x4] =	stream.linear.gather [hbm4b:s30+s4], $0xA00, $0x38;
	[tilespmem:$0x1EC00] =	vst v63  }
0x19c: {  	_ = 	snop  }
0x19d: {  	[tilespmem:s9], [sflag:$0x2] =	stream.indirect.gather [hbm4b:s2+s13], $0x80, s13, s13, $0xb8;
	[tilespmem:$0x1EC00] =	vst v63  }
0x19e: {  	_ =	swait.ge [sflag:s15], $0x4000  }
0x19f: {  	[sflag:s15] =	ssyncset.done $0x0  }
0x1a0: {  	[sflag:s15] =	ssyncadd.s32 $0xFFFFC000  }
0x1a1: {  	[spmem:s3] =	stream.indirect.scatter.add.f32 [tilespmem:s14], [sflag:$0x6], $0x80, s7, s13, $0xb8;
	[tilespmem:$0x1EC00] =	vst v63  }
0x1a2: {  	_ =	swait.ge [sflag:s10], $0x4000  }
0x1a3: {  	[sflag:s10] =	ssyncset.done $0x0  }
0x1a4: {  	s7 =	simm.s32 $0x100;
	[sflag:s10] =	ssyncadd.s32 $0xFFFFC000  }
0x1a5: {  	[tilespmem:s14], [sflag:$0x1] =	stream.indirect.gather [hbm4b:s2+s13], $0x80, s7, s13, $0xb8;
	[tilespmem:$0x1EC00] =	vst v63  }
0x1a6: {  	_ =	swait.ge [sflag:s17], $0x4000  }
0x1a7: {  	[sflag:s17] =	ssyncset.done $0x0  }
0x1a8: {  	s7 =	simm.s32 $0xC80;
	[sflag:s17] =	ssyncadd.s32 $0xFFFFC000  }
0x1a9: {  	[spmem:s3] =	stream.indirect.scatter.add.f32 [tilespmem:s9], [sflag:$0x6], $0x80, s7, s13, $0xb8;
	[tilespmem:$0x1EC00] =	vst v63  }
0x1aa: {  	_ =	swait.ge [sflag:s10], $0x4000  }
0x1ab: {  	[sflag:s10] =	ssyncset.done $0x0  }
0x1ac: {  	s7 =	simm.s32 $0x180;
	[sflag:s10] =	ssyncadd.s32 $0xFFFFC000  }
0x1ad: {  	[tilespmem:s9], [sflag:$0x2] =	stream.indirect.gather [hbm4b:s2+s13], $0x80, s7, s13, $0xb8;
	[tilespmem:$0x1EC00] =	vst v63  }
0x1ae: {  	_ =	swait.ge [sflag:s15], $0x4000  }
0x1af: {  	[sflag:s15] =	ssyncset.done $0x0  }
0x1b0: {  	s7 =	simm.s32 $0xD00;
	[sflag:s15] =	ssyncadd.s32 $0xFFFFC000  }
0x1b1: {  	[spmem:s3] =	stream.indirect.scatter.add.f32 [tilespmem:s14], [sflag:$0x6], $0x80, s7, s13, $0xb8;
	[tilespmem:$0x1EC00] =	vst v63  }
0x1b2: {  	_ =	swait.ge [sflag:s10], $0x4000  }
0x1b3: {  	[sflag:s10] =	ssyncset.done $0x0  }
0x1b4: {  	s7 =	simm.s32 $0x200;
	[sflag:s10] =	ssyncadd.s32 $0xFFFFC000  }
0x1b5: {  	[tilespmem:s14], [sflag:$0x1] =	stream.indirect.gather [hbm4b:s2+s13], $0x80, s7, s13, $0xb8;
	[tilespmem:$0x1EC00] =	vst v63  }
0x1b6: {  	_ =	swait.ge [sflag:s17], $0x4000  }
0x1b7: {  	[sflag:s17] =	ssyncset.done $0x0  }
0x1b8: {  	s7 =	simm.s32 $0xD80;
	[sflag:s17] =	ssyncadd.s32 $0xFFFFC000  }
0x1b9: {  	[spmem:s3] =	stream.indirect.scatter.add.f32 [tilespmem:s9], [sflag:$0x6], $0x80, s7, s13, $0xb8;
	[tilespmem:$0x1EC00] =	vst v63  }
0x1ba: {  	_ =	swait.ge [sflag:s10], $0x4000  }
0x1bb: {  	[sflag:s10] =	ssyncset.done $0x0  }
0x1bc: {  	s7 =	simm.s32 $0x280;
	[sflag:s10] =	ssyncadd.s32 $0xFFFFC000  }
0x1bd: {  	[tilespmem:s9], [sflag:$0x2] =	stream.indirect.gather [hbm4b:s2+s13], $0x80, s7, s13, $0xb8;
	[tilespmem:$0x1EC00] =	vst v63  }
0x1be: {  	_ =	swait.ge [sflag:s15], $0x4000  }
0x1bf: {  	[sflag:s15] =	ssyncset.done $0x0  }
0x1c0: {  	s7 =	simm.s32 $0xE00;
	[sflag:s15] =	ssyncadd.s32 $0xFFFFC000  }
0x1c1: {  	[spmem:s3] =	stream.indirect.scatter.add.f32 [tilespmem:s14], [sflag:$0x6], $0x80, s7, s13, $0xb8;
	[tilespmem:$0x1EC00] =	vst v63  }
0x1c2: {  	_ =	swait.ge [sflag:s10], $0x4000  }
0x1c3: {  	[sflag:s10] =	ssyncset.done $0x0  }
0x1c4: {  	s7 =	simm.s32 $0x300;
	[sflag:s10] =	ssyncadd.s32 $0xFFFFC000  }
0x1c5: {  	[tilespmem:s14], [sflag:$0x1] =	stream.indirect.gather [hbm4b:s2+s13], $0x80, s7, s13, $0xb8;
	[tilespmem:$0x1EC00] =	vst v63  }
0x1c6: {  	_ =	swait.ge [sflag:s17], $0x4000  }
0x1c7: {  	[sflag:s17] =	ssyncset.done $0x0  }
0x1c8: {  	s7 =	simm.s32 $0xE80;
	[sflag:s17] =	ssyncadd.s32 $0xFFFFC000  }
0x1c9: {  	[spmem:s3] =	stream.indirect.scatter.add.f32 [tilespmem:s9], [sflag:$0x6], $0x80, s7, s13, $0xb8;
	[tilespmem:$0x1EC00] =	vst v63  }
0x1ca: {  	_ =	swait.ge [sflag:s10], $0x4000  }
0x1cb: {  	[sflag:s10] =	ssyncset.done $0x0  }
0x1cc: {  	s7 =	simm.s32 $0x380;
	[sflag:s10] =	ssyncadd.s32 $0xFFFFC000  }
0x1cd: {  	[tilespmem:s9], [sflag:$0x2] =	stream.indirect.gather [hbm4b:s2+s13], $0x80, s7, s13, $0xb8;
	[tilespmem:$0x1EC00] =	vst v63  }
0x1ce: {  	_ =	swait.ge [sflag:s15], $0x4000  }
0x1cf: {  	[sflag:s15] =	ssyncset.done $0x0  }
0x1d0: {  	s7 =	simm.s32 $0xF00;
	[sflag:s15] =	ssyncadd.s32 $0xFFFFC000  }
0x1d1: {  	[spmem:s3] =	stream.indirect.scatter.add.f32 [tilespmem:s14], [sflag:$0x6], $0x80, s7, s13, $0xb8;
	[tilespmem:$0x1EC00] =	vst v63  }
0x1d2: {  	_ =	swait.ge [sflag:s10], $0x4000  }
0x1d3: {  	[sflag:s10] =	ssyncset.done $0x0  }
0x1d4: {  	s7 =	simm.s32 $0x400;
	[sflag:s10] =	ssyncadd.s32 $0xFFFFC000  }
0x1d5: {  	[tilespmem:s14], [sflag:$0x1] =	stream.indirect.gather [hbm4b:s2+s13], $0x80, s7, s13, $0xb8;
	[tilespmem:$0x1EC00] =	vst v63  }
0x1d6: {  	_ =	swait.ge [sflag:s17], $0x4000  }
0x1d7: {  	[sflag:s17] =	ssyncset.done $0x0  }
0x1d8: {  	s7 =	simm.s32 $0xF80;
	[sflag:s17] =	ssyncadd.s32 $0xFFFFC000  }
0x1d9: {  	[spmem:s3] =	stream.indirect.scatter.add.f32 [tilespmem:s9], [sflag:$0x6], $0x80, s7, s13, $0xb8;
	[tilespmem:$0x1EC00] =	vst v63  }
0x1da: {  	_ =	swait.ge [sflag:s10], $0x4000  }
0x1db: {  	[sflag:s10] =	ssyncset.done $0x0  }
0x1dc: {  	s7 =	simm.s32 $0x480;
	[sflag:s10] =	ssyncadd.s32 $0xFFFFC000  }
0x1dd: {  	[tilespmem:s9], [sflag:$0x2] =	stream.indirect.gather [hbm4b:s2+s13], $0x80, s7, s13, $0xb8;
	[tilespmem:$0x1EC00] =	vst v63  }
0x1de: {  	_ =	swait.ge [sflag:s15], $0x4000  }
0x1df: {  	[sflag:s15] =	ssyncset.done $0x0  }
0x1e0: {  	s7 =	simm.s32 $0x1000;
	[sflag:s15] =	ssyncadd.s32 $0xFFFFC000  }
0x1e1: {  	[spmem:s3] =	stream.indirect.scatter.add.f32 [tilespmem:s14], [sflag:$0x6], $0x80, s7, s13, $0xb8;
	[tilespmem:$0x1EC00] =	vst v63  }
0x1e2: {  	_ =	swait.ge [sflag:s10], $0x4000  }
0x1e3: {  	[sflag:s10] =	ssyncset.done $0x0  }
0x1e4: {  	s7 =	simm.s32 $0x500;
	[sflag:s10] =	ssyncadd.s32 $0xFFFFC000  }
0x1e5: {  	[tilespmem:s14], [sflag:$0x1] =	stream.indirect.gather [hbm4b:s2+s13], $0x80, s7, s13, $0xb8;
	[tilespmem:$0x1EC00] =	vst v63  }
0x1e6: {  	_ =	swait.ge [sflag:s17], $0x4000  }
0x1e7: {  	[sflag:s17] =	ssyncset.done $0x0  }
0x1e8: {  	s7 =	simm.s32 $0x1080;
	[sflag:s17] =	ssyncadd.s32 $0xFFFFC000  }
0x1e9: {  	[spmem:s3] =	stream.indirect.scatter.add.f32 [tilespmem:s9], [sflag:$0x6], $0x80, s7, s13, $0xb8;
	[tilespmem:$0x1EC00] =	vst v63  }
0x1ea: {  	_ =	swait.ge [sflag:s10], $0x4000  }
0x1eb: {  	[sflag:s10] =	ssyncset.done $0x0  }
0x1ec: {  	s7 =	simm.s32 $0x580;
	[sflag:s10] =	ssyncadd.s32 $0xFFFFC000  }
0x1ed: {  	[tilespmem:s9], [sflag:$0x2] =	stream.indirect.gather [hbm4b:s2+s13], $0x80, s7, s13, $0xb8;
	[tilespmem:$0x1EC00] =	vst v63  }
0x1ee: {  	_ =	swait.ge [sflag:s15], $0x4000  }
0x1ef: {  	[sflag:s15] =	ssyncset.done $0x0  }
0x1f0: {  	s7 =	simm.s32 $0x1100;
	[sflag:s15] =	ssyncadd.s32 $0xFFFFC000  }
0x1f1: {  	[spmem:s3] =	stream.indirect.scatter.add.f32 [tilespmem:s14], [sflag:$0x6], $0x80, s7, s13, $0xb8;
	[tilespmem:$0x1EC00] =	vst v63  }
0x1f2: {  	_ =	swait.ge [sflag:s10], $0x4000  }
0x1f3: {  	[sflag:s10] =	ssyncset.done $0x0  }
0x1f4: {  	s7 =	simm.s32 $0x600;
	[sflag:s10] =	ssyncadd.s32 $0xFFFFC000  }
0x1f5: {  	[tilespmem:s14], [sflag:$0x1] =	stream.indirect.gather [hbm4b:s2+s13], $0x80, s7, s13, $0xb8;
	[tilespmem:$0x1EC00] =	vst v63  }
0x1f6: {  	_ =	swait.ge [sflag:s17], $0x4000  }
0x1f7: {  	[sflag:s17] =	ssyncset.done $0x0  }
0x1f8: {  	s7 =	simm.s32 $0x1180;
	[sflag:s17] =	ssyncadd.s32 $0xFFFFC000  }
0x1f9: {  	[spmem:s3] =	stream.indirect.scatter.add.f32 [tilespmem:s9], [sflag:$0x6], $0x80, s7, s13, $0xb8;
	[tilespmem:$0x1EC00] =	vst v63  }
0x1fa: {  	_ =	swait.ge [sflag:s10], $0x4000  }
0x1fb: {  	[sflag:s10] =	ssyncset.done $0x0  }
0x1fc: {  	s7 =	simm.s32 $0x680;
	[sflag:s10] =	ssyncadd.s32 $0xFFFFC000  }
0x1fd: {  	[tilespmem:s9], [sflag:$0x2] =	stream.indirect.gather [hbm4b:s2+s13], $0x80, s7, s13, $0xb8;
	[tilespmem:$0x1EC00] =	vst v63  }
0x1fe: {  	_ =	swait.ge [sflag:s15], $0x4000  }
0x1ff: {  	[sflag:s15] =	ssyncset.done $0x0  }
0x200: {  	s7 =	simm.s32 $0x1200;
	[sflag:s15] =	ssyncadd.s32 $0xFFFFC000  }
0x201: {  	[spmem:s3] =	stream.indirect.scatter.add.f32 [tilespmem:s14], [sflag:$0x6], $0x80, s7, s13, $0xb8;
	[tilespmem:$0x1EC00] =	vst v63  }
0x202: {  	_ =	swait.ge [sflag:s10], $0x4000  }
0x203: {  	[sflag:s10] =	ssyncset.done $0x0  }
0x204: {  	s7 =	simm.s32 $0x700;
	[sflag:s10] =	ssyncadd.s32 $0xFFFFC000  }
0x205: {  	[tilespmem:s14], [sflag:$0x1] =	stream.indirect.gather [hbm4b:s2+s13], $0x80, s7, s13, $0xb8;
	[tilespmem:$0x1EC00] =	vst v63  }
0x206: {  	_ =	swait.ge [sflag:s17], $0x4000  }
0x207: {  	[sflag:s17] =	ssyncset.done $0x0  }
0x208: {  	s7 =	simm.s32 $0x1280;
	[sflag:s17] =	ssyncadd.s32 $0xFFFFC000  }
0x209: {  	[spmem:s3] =	stream.indirect.scatter.add.f32 [tilespmem:s9], [sflag:$0x6], $0x80, s7, s13, $0xb8;
	[tilespmem:$0x1EC00] =	vst v63  }
0x20a: {  	_ =	swait.ge [sflag:s10], $0x4000  }
0x20b: {  	[sflag:s10] =	ssyncset.done $0x0  }
0x20c: {  	s7 =	simm.s32 $0x780;
	[sflag:s10] =	ssyncadd.s32 $0xFFFFC000  }
0x20d: {  	[tilespmem:s9], [sflag:$0x2] =	stream.indirect.gather [hbm4b:s2+s13], $0x80, s7, s13, $0xb8;
	[tilespmem:$0x1EC00] =	vst v63  }
0x20e: {  	_ =	swait.ge [sflag:s15], $0x4000  }
0x20f: {  	[sflag:s15] =	ssyncset.done $0x0  }
0x210: {  	s7 =	simm.s32 $0x1300;
	[sflag:s15] =	ssyncadd.s32 $0xFFFFC000  }
0x211: {  	[spmem:s3] =	stream.indirect.scatter.add.f32 [tilespmem:s14], [sflag:$0x6], $0x80, s7, s13, $0xb8;
	[tilespmem:$0x1EC00] =	vst v63  }
0x212: {  	_ =	swait.ge [sflag:s10], $0x4000  }
0x213: {  	[sflag:s10] =	ssyncset.done $0x0  }
0x214: {  	s7 =	simm.s32 $0x800;
	[sflag:s10] =	ssyncadd.s32 $0xFFFFC000  }
0x215: {  	[tilespmem:s14], [sflag:$0x1] =	stream.indirect.gather [hbm4b:s2+s13], $0x80, s7, s13, $0xb8;
	[tilespmem:$0x1EC00] =	vst v63  }
0x216: {  	_ =	swait.ge [sflag:s17], $0x4000  }
0x217: {  	[sflag:s17] =	ssyncset.done $0x0  }
0x218: {  	s7 =	simm.s32 $0x1380;
	[sflag:s17] =	ssyncadd.s32 $0xFFFFC000  }
0x219: {  	[spmem:s3] =	stream.indirect.scatter.add.f32 [tilespmem:s9], [sflag:$0x6], $0x80, s7, s13, $0xb8;
	[tilespmem:$0x1EC00] =	vst v63  }
0x21a: {  	_ =	swait.ge [sflag:s10], $0x4000  }
0x21b: {  	[sflag:s10] =	ssyncset.done $0x0  }
0x21c: {  	s7 =	simm.s32 $0x880;
	[sflag:s10] =	ssyncadd.s32 $0xFFFFC000  }
0x21d: {  	[tilespmem:s9], [sflag:$0x2] =	stream.indirect.gather [hbm4b:s2+s13], $0x80, s7, s13, $0xb8;
	[tilespmem:$0x1EC00] =	vst v63  }
0x21e: {  	_ =	swait.ge [sflag:s15], $0x4000  }
0x21f: {  	[sflag:s15] =	ssyncset.done $0x0  }
0x220: {  	s7 =	simm.s32 $0x1400;
	[sflag:s15] =	ssyncadd.s32 $0xFFFFC000  }
0x221: {  	[spmem:s3] =	stream.indirect.scatter.add.f32 [tilespmem:s14], [sflag:$0x6], $0x80, s7, s13, $0xb8;
	[tilespmem:$0x1EC00] =	vst v63  }
0x222: {  	_ =	swait.ge [sflag:s10], $0x4000  }
0x223: {  	[sflag:s10] =	ssyncset.done $0x0  }
0x224: {  	s7 =	simm.s32 $0x900;
	[sflag:s10] =	ssyncadd.s32 $0xFFFFC000  }
0x225: {  	[tilespmem:s14], [sflag:$0x1] =	stream.indirect.gather [hbm4b:s2+s13], $0x80, s7, s13, $0xb8;
	[tilespmem:$0x1EC00] =	vst v63  }
0x226: {  	_ =	swait.ge [sflag:s17], $0x4000  }
0x227: {  	[sflag:s17] =	ssyncset.done $0x0  }
0x228: {  	s7 =	simm.s32 $0x1480;
	[sflag:s17] =	ssyncadd.s32 $0xFFFFC000  }
0x229: {  	[spmem:s3] =	stream.indirect.scatter.add.f32 [tilespmem:s9], [sflag:$0x6], $0x80, s7, s13, $0xb8;
	[tilespmem:$0x1EC00] =	vst v63  }
0x22a: {  	_ =	swait.ge [sflag:s10], $0x4000  }
0x22b: {  	[sflag:s10] =	ssyncset.done $0x0  }
0x22c: {  	s7 =	simm.s32 $0x980;
	[sflag:s10] =	ssyncadd.s32 $0xFFFFC000  }
0x22d: {  	[tilespmem:s9], [sflag:$0x2] =	stream.indirect.gather [hbm4b:s2+s13], $0x80, s7, s13, $0xb8;
	[tilespmem:$0x1EC00] =	vst v63  }
0x22e: {  	_ =	swait.ge [sflag:s15], $0x4000  }
0x22f: {  	[sflag:s15] =	ssyncset.done $0x0  }
0x230: {  	s7 =	simm.s32 $0x1500;
	[sflag:s15] =	ssyncadd.s32 $0xFFFFC000  }
0x231: {  	[spmem:s3] =	stream.indirect.scatter.add.f32 [tilespmem:s14], [sflag:$0x6], $0x80, s7, s13, $0xb8;
	[tilespmem:$0x1EC00] =	vst v63  }
0x232: {  	_ =	swait.ge [sflag:s10], $0x4000  }
0x233: {  	[sflag:s10] =	ssyncset.done $0x0  }
0x234: {  	[sflag:s10] =	ssyncadd.s32 $0xFFFFC000  }
0x235: {  	_ =	swait.ge [sflag:s17], $0x4000  }
0x236: {  	[sflag:s17] =	ssyncset.done $0x0  }
0x237: {  	s7 =	simm.s32 $0x1580;
	[sflag:s17] =	ssyncadd.s32 $0xFFFFC000  }
0x238: {  	[spmem:s3] =	stream.indirect.scatter.add.f32 [tilespmem:s9], [sflag:$0x6], $0x80, s7, s13, $0xb8;
	[tilespmem:$0x1EC00] =	vst v63  }
0x239: {  	_ =	swait.ge [sflag:s10], $0x4000  }
0x23a: {  	[sflag:s10] =	ssyncset.done $0x0  }
0x23b: {  	[sflag:s10] =	ssyncadd.s32 $0xFFFFC000  }
0x23c: {  	_ =	swait.ge [sflag:s20], $0xA00  }
0x23d: {  	[sflag:s20] =	ssyncset.done $0x0  }
0x23e: {  	[sflag:s20] =	ssyncadd.s32 $0xFFFFF600  }
0x23f: {  	_ =	swait.ge [sflag:s20], $0xA00  }
0x240: {  	[sflag:s20] =	ssyncset.done $0x0  }
0x241: {  	s5 =	simm.s32 $0x1800;
	[sflag:s20] =	ssyncadd.s32 $0xFFFFF600  }
0x242: {  	[tilespmem:s14], [sflag:$0x1] =	stream.indirect.gather [hbm4b:s2+s13], $0x80, s5, s13, $0xb8;
	[tilespmem:$0x1EC00] =	vst v63  }
0x243: {  	s7 =	simm.s32 $0x1880  }
0x244: {  	[tilespmem:s9], [sflag:$0x2] =	stream.indirect.gather [hbm4b:s2+s13], $0x80, s7, s13, $0xb8;
	[tilespmem:$0x1EC00] =	vst v63  }
0x245: {  	_ =	swait.ge [sflag:s15], $0x4000  }
0x246: {  	[sflag:s15] =	ssyncset.done $0x0  }
0x247: {  	[sflag:s15] =	ssyncadd.s32 $0xFFFFC000  }
0x248: {  	[spmem:s3] =	stream.indirect.scatter.add.f32 [tilespmem:s14], [sflag:$0x6], $0x80, s28, s13, $0xb8;
	[tilespmem:$0x1EC00] =	vst v63  }
0x249: {  	_ =	swait.ge [sflag:s10], $0x4000  }
0x24a: {  	[sflag:s10] =	ssyncset.done $0x0  }
0x24b: {  	s7 =	simm.s32 $0x1900;
	[sflag:s10] =	ssyncadd.s32 $0xFFFFC000  }
0x24c: {  	[tilespmem:s14], [sflag:$0x1] =	stream.indirect.gather [hbm4b:s2+s13], $0x80, s7, s13, $0xb8;
	[tilespmem:$0x1EC00] =	vst v63  }
0x24d: {  	_ =	swait.ge [sflag:s17], $0x4000  }
0x24e: {  	[sflag:s17] =	ssyncset.done $0x0  }
0x24f: {  	s28 =	simm.s32 $0x2480;
	[sflag:s17] =	ssyncadd.s32 $0xFFFFC000  }
0x250: {  	[spmem:s3] =	stream.indirect.scatter.add.f32 [tilespmem:s9], [sflag:$0x6], $0x80, s28, s13, $0xb8;
	[tilespmem:$0x1EC00] =	vst v63  }
0x251: {  	_ =	swait.ge [sflag:s10], $0x4000  }
0x252: {  	[sflag:s10] =	ssyncset.done $0x0  }
0x253: {  	s7 =	simm.s32 $0x1980;
	[sflag:s10] =	ssyncadd.s32 $0xFFFFC000  }
0x254: {  	[tilespmem:s9], [sflag:$0x2] =	stream.indirect.gather [hbm4b:s2+s13], $0x80, s7, s13, $0xb8;
	[tilespmem:$0x1EC00] =	vst v63  }
0x255: {  	_ =	swait.ge [sflag:s15], $0x4000  }
0x256: {  	[sflag:s15] =	ssyncset.done $0x0  }
0x257: {  	s28 =	simm.s32 $0x2500;
	[sflag:s15] =	ssyncadd.s32 $0xFFFFC000  }
0x258: {  	[spmem:s3] =	stream.indirect.scatter.add.f32 [tilespmem:s14], [sflag:$0x6], $0x80, s28, s13, $0xb8;
	[tilespmem:$0x1EC00] =	vst v63  }
0x259: {  	_ =	swait.ge [sflag:s10], $0x4000  }
0x25a: {  	[sflag:s10] =	ssyncset.done $0x0  }
0x25b: {  	s7 =	simm.s32 $0x1A00;
	[sflag:s10] =	ssyncadd.s32 $0xFFFFC000  }
0x25c: {  	[tilespmem:s14], [sflag:$0x1] =	stream.indirect.gather [hbm4b:s2+s13], $0x80, s7, s13, $0xb8;
	[tilespmem:$0x1EC00] =	vst v63  }
0x25d: {  	_ =	swait.ge [sflag:s17], $0x4000  }
0x25e: {  	[sflag:s17] =	ssyncset.done $0x0  }
0x25f: {  	s28 =	simm.s32 $0x2580;
	[sflag:s17] =	ssyncadd.s32 $0xFFFFC000  }
0x260: {  	[spmem:s3] =	stream.indirect.scatter.add.f32 [tilespmem:s9], [sflag:$0x6], $0x80, s28, s13, $0xb8;
	[tilespmem:$0x1EC00] =	vst v63  }
0x261: {  	_ =	swait.ge [sflag:s10], $0x4000  }
0x262: {  	[sflag:s10] =	ssyncset.done $0x0  }
0x263: {  	s7 =	simm.s32 $0x1A80;
	[sflag:s10] =	ssyncadd.s32 $0xFFFFC000  }
0x264: {  	[tilespmem:s9], [sflag:$0x2] =	stream.indirect.gather [hbm4b:s2+s13], $0x80, s7, s13, $0xb8;
	[tilespmem:$0x1EC00] =	vst v63  }
0x265: {  	_ =	swait.ge [sflag:s15], $0x4000  }
0x266: {  	[sflag:s15] =	ssyncset.done $0x0  }
0x267: {  	s28 =	simm.s32 $0x2600;
	[sflag:s15] =	ssyncadd.s32 $0xFFFFC000  }
0x268: {  	[spmem:s3] =	stream.indirect.scatter.add.f32 [tilespmem:s14], [sflag:$0x6], $0x80, s28, s13, $0xb8;
	[tilespmem:$0x1EC00] =	vst v63  }
0x269: {  	_ =	swait.ge [sflag:s10], $0x4000  }
0x26a: {  	[sflag:s10] =	ssyncset.done $0x0  }
0x26b: {  	s7 =	simm.s32 $0x1B00;
	[sflag:s10] =	ssyncadd.s32 $0xFFFFC000  }
0x26c: {  	[tilespmem:s14], [sflag:$0x1] =	stream.indirect.gather [hbm4b:s2+s13], $0x80, s7, s13, $0xb8;
	[tilespmem:$0x1EC00] =	vst v63  }
0x26d: {  	_ =	swait.ge [sflag:s17], $0x4000  }
0x26e: {  	[sflag:s17] =	ssyncset.done $0x0  }
0x26f: {  	s28 =	simm.s32 $0x2680;
	[sflag:s17] =	ssyncadd.s32 $0xFFFFC000  }
0x270: {  	[spmem:s3] =	stream.indirect.scatter.add.f32 [tilespmem:s9], [sflag:$0x6], $0x80, s28, s13, $0xb8;
	[tilespmem:$0x1EC00] =	vst v63  }
0x271: {  	_ =	swait.ge [sflag:s10], $0x4000  }
0x272: {  	[sflag:s10] =	ssyncset.done $0x0  }
0x273: {  	s7 =	simm.s32 $0x1B80;
	[sflag:s10] =	ssyncadd.s32 $0xFFFFC000  }
0x274: {  	[tilespmem:s9], [sflag:$0x2] =	stream.indirect.gather [hbm4b:s2+s13], $0x80, s7, s13, $0xb8;
	[tilespmem:$0x1EC00] =	vst v63  }
0x275: {  	_ =	swait.ge [sflag:s15], $0x4000  }
0x276: {  	[sflag:s15] =	ssyncset.done $0x0  }
0x277: {  	s28 =	simm.s32 $0x2700;
	[sflag:s15] =	ssyncadd.s32 $0xFFFFC000  }
0x278: {  	[spmem:s3] =	stream.indirect.scatter.add.f32 [tilespmem:s14], [sflag:$0x6], $0x80, s28, s13, $0xb8;
	[tilespmem:$0x1EC00] =	vst v63  }
0x279: {  	_ =	swait.ge [sflag:s10], $0x4000  }
0x27a: {  	[sflag:s10] =	ssyncset.done $0x0  }
0x27b: {  	s7 =	simm.s32 $0x1C00;
	[sflag:s10] =	ssyncadd.s32 $0xFFFFC000  }
0x27c: {  	[tilespmem:s14], [sflag:$0x1] =	stream.indirect.gather [hbm4b:s2+s13], $0x80, s7, s13, $0xb8;
	[tilespmem:$0x1EC00] =	vst v63  }
0x27d: {  	_ =	swait.ge [sflag:s17], $0x4000  }
0x27e: {  	[sflag:s17] =	ssyncset.done $0x0  }
0x27f: {  	s28 =	simm.s32 $0x2780;
	[sflag:s17] =	ssyncadd.s32 $0xFFFFC000  }
0x280: {  	[spmem:s3] =	stream.indirect.scatter.add.f32 [tilespmem:s9], [sflag:$0x6], $0x80, s28, s13, $0xb8;
	[tilespmem:$0x1EC00] =	vst v63  }
0x281: {  	_ =	swait.ge [sflag:s10], $0x4000  }
0x282: {  	[sflag:s10] =	ssyncset.done $0x0  }
0x283: {  	s7 =	simm.s32 $0x1C80;
	[sflag:s10] =	ssyncadd.s32 $0xFFFFC000  }
0x284: {  	[tilespmem:s9], [sflag:$0x2] =	stream.indirect.gather [hbm4b:s2+s13], $0x80, s7, s13, $0xb8;
	[tilespmem:$0x1EC00] =	vst v63  }
0x285: {  	_ =	swait.ge [sflag:s15], $0x4000  }
0x286: {  	[sflag:s15] =	ssyncset.done $0x0  }
0x287: {  	s28 =	simm.s32 $0x2800;
	[sflag:s15] =	ssyncadd.s32 $0xFFFFC000  }
0x288: {  	[spmem:s3] =	stream.indirect.scatter.add.f32 [tilespmem:s14], [sflag:$0x6], $0x80, s28, s13, $0xb8;
	[tilespmem:$0x1EC00] =	vst v63  }
0x289: {  	_ =	swait.ge [sflag:s10], $0x4000  }
0x28a: {  	[sflag:s10] =	ssyncset.done $0x0  }
0x28b: {  	s7 =	simm.s32 $0x1D00;
	[sflag:s10] =	ssyncadd.s32 $0xFFFFC000  }
0x28c: {  	[tilespmem:s14], [sflag:$0x1] =	stream.indirect.gather [hbm4b:s2+s13], $0x80, s7, s13, $0xb8;
	[tilespmem:$0x1EC00] =	vst v63  }
0x28d: {  	_ =	swait.ge [sflag:s17], $0x4000  }
0x28e: {  	[sflag:s17] =	ssyncset.done $0x0  }
0x28f: {  	s28 =	simm.s32 $0x2880;
	[sflag:s17] =	ssyncadd.s32 $0xFFFFC000  }
0x290: {  	[spmem:s3] =	stream.indirect.scatter.add.f32 [tilespmem:s9], [sflag:$0x6], $0x80, s28, s13, $0xb8;
	[tilespmem:$0x1EC00] =	vst v63  }
0x291: {  	_ =	swait.ge [sflag:s10], $0x4000  }
0x292: {  	[sflag:s10] =	ssyncset.done $0x0  }
0x293: {  	s7 =	simm.s32 $0x1D80;
	[sflag:s10] =	ssyncadd.s32 $0xFFFFC000  }
0x294: {  	[tilespmem:s9], [sflag:$0x2] =	stream.indirect.gather [hbm4b:s2+s13], $0x80, s7, s13, $0xb8;
	[tilespmem:$0x1EC00] =	vst v63  }
0x295: {  	_ =	swait.ge [sflag:s15], $0x4000  }
0x296: {  	[sflag:s15] =	ssyncset.done $0x0  }
0x297: {  	s28 =	simm.s32 $0x2900;
	[sflag:s15] =	ssyncadd.s32 $0xFFFFC000  }
0x298: {  	[spmem:s3] =	stream.indirect.scatter.add.f32 [tilespmem:s14], [sflag:$0x6], $0x80, s28, s13, $0xb8;
	[tilespmem:$0x1EC00] =	vst v63  }
0x299: {  	_ =	swait.ge [sflag:s10], $0x4000  }
0x29a: {  	[sflag:s10] =	ssyncset.done $0x0  }
0x29b: {  	s7 =	simm.s32 $0x1E00;
	[sflag:s10] =	ssyncadd.s32 $0xFFFFC000  }
0x29c: {  	[tilespmem:s14], [sflag:$0x1] =	stream.indirect.gather [hbm4b:s2+s13], $0x80, s7, s13, $0xb8;
	[tilespmem:$0x1EC00] =	vst v63  }
0x29d: {  	_ =	swait.ge [sflag:s17], $0x4000  }
0x29e: {  	[sflag:s17] =	ssyncset.done $0x0  }
0x29f: {  	s28 =	simm.s32 $0x2980;
	[sflag:s17] =	ssyncadd.s32 $0xFFFFC000  }
0x2a0: {  	[spmem:s3] =	stream.indirect.scatter.add.f32 [tilespmem:s9], [sflag:$0x6], $0x80, s28, s13, $0xb8;
	[tilespmem:$0x1EC00] =	vst v63  }
0x2a1: {  	_ =	swait.ge [sflag:s10], $0x4000  }
0x2a2: {  	[sflag:s10] =	ssyncset.done $0x0  }
0x2a3: {  	s7 =	simm.s32 $0x1E80;
	[sflag:s10] =	ssyncadd.s32 $0xFFFFC000  }
0x2a4: {  	[tilespmem:s9], [sflag:$0x2] =	stream.indirect.gather [hbm4b:s2+s13], $0x80, s7, s13, $0xb8;
	[tilespmem:$0x1EC00] =	vst v63  }
0x2a5: {  	_ =	swait.ge [sflag:s15], $0x4000  }
0x2a6: {  	[sflag:s15] =	ssyncset.done $0x0  }
0x2a7: {  	[sflag:s15] =	ssyncadd.s32 $0xFFFFC000  }
0x2a8: {  	[spmem:s3] =	stream.indirect.scatter.add.f32 [tilespmem:s14], [sflag:$0x6], $0x80, s29, s13, $0xb8;
	[tilespmem:$0x1EC00] =	vst v63  }
0x2a9: {  	_ =	swait.ge [sflag:s10], $0x4000  }
0x2aa: {  	[sflag:s10] =	ssyncset.done $0x0  }
0x2ab: {  	[sflag:s10] =	ssyncadd.s32 $0xFFFFC000  }
0x2ac: {  	[tilespmem:s14], [sflag:$0x1] =	stream.indirect.gather [hbm4b:s2+s13], $0x80, s26, s13, $0xb8;
	[tilespmem:$0x1EC00] =	vst v63  }
0x2ad: {  	_ =	swait.ge [sflag:s17], $0x4000  }
0x2ae: {  	[sflag:s17] =	ssyncset.done $0x0  }
0x2af: {  	[sflag:s17] =	ssyncadd.s32 $0xFFFFC000  }
0x2b0: {  	[spmem:s3] =	stream.indirect.scatter.add.f32 [tilespmem:s9], [sflag:$0x6], $0x80, s25, s13, $0xb8;
	[tilespmem:$0x1EC00] =	vst v63  }
0x2b1: {  	_ =	swait.ge [sflag:s10], $0x4000  }
0x2b2: {  	[sflag:s10] =	ssyncset.done $0x0  }
0x2b3: {  	[sflag:s10] =	ssyncadd.s32 $0xFFFFC000  }
0x2b4: {  	[tilespmem:s9], [sflag:$0x2] =	stream.indirect.gather [hbm4b:s2+s13], $0x80, s24, s13, $0xb8;
	[tilespmem:$0x1EC00] =	vst v63  }
0x2b5: {  	_ =	swait.ge [sflag:s15], $0x4000  }
0x2b6: {  	[sflag:s15] =	ssyncset.done $0x0  }
0x2b7: {  	[sflag:s15] =	ssyncadd.s32 $0xFFFFC000  }
0x2b8: {  	[spmem:s3] =	stream.indirect.scatter.add.f32 [tilespmem:s14], [sflag:$0x6], $0x80, s23, s13, $0xb8;
	[tilespmem:$0x1EC00] =	vst v63  }
0x2b9: {  	_ =	swait.ge [sflag:s10], $0x4000  }
0x2ba: {  	[sflag:s10] =	ssyncset.done $0x0  }
0x2bb: {  	[sflag:s10] =	ssyncadd.s32 $0xFFFFC000  }
0x2bc: {  	[tilespmem:s14], [sflag:$0x1] =	stream.indirect.gather [hbm4b:s2+s13], $0x80, s22, s13, $0xb8;
	[tilespmem:$0x1EC00] =	vst v63  }
0x2bd: {  	_ =	swait.ge [sflag:s17], $0x4000  }
0x2be: {  	[sflag:s17] =	ssyncset.done $0x0  }
0x2bf: {  	[sflag:s17] =	ssyncadd.s32 $0xFFFFC000  }
0x2c0: {  	[spmem:s3] =	stream.indirect.scatter.add.f32 [tilespmem:s9], [sflag:$0x6], $0x80, s21, s13, $0xb8;
	[tilespmem:$0x1EC00] =	vst v63  }
0x2c1: {  	_ =	swait.ge [sflag:s10], $0x4000  }
0x2c2: {  	[sflag:s10] =	ssyncset.done $0x0  }
0x2c3: {  	[sflag:s10] =	ssyncadd.s32 $0xFFFFC000  }
0x2c4: {  	[tilespmem:s9], [sflag:$0x2] =	stream.indirect.gather [hbm4b:s2+s13], $0x80, s19, s13, $0xb8;
	[tilespmem:$0x1EC00] =	vst v63  }
0x2c5: {  	_ =	swait.ge [sflag:s15], $0x4000  }
0x2c6: {  	[sflag:s15] =	ssyncset.done $0x0  }
0x2c7: {  	[sflag:s15] =	ssyncadd.s32 $0xFFFFC000  }
0x2c8: {  	[spmem:s3] =	stream.indirect.scatter.add.f32 [tilespmem:s14], [sflag:$0x6], $0x80, s18, s13, $0xb8;
	[tilespmem:$0x1EC00] =	vst v63  }
0x2c9: {  	_ =	swait.ge [sflag:s10], $0x4000  }
0x2ca: {  	[sflag:s10] =	ssyncset.done $0x0  }
0x2cb: {  	[sflag:s10] =	ssyncadd.s32 $0xFFFFC000  }
0x2cc: {  	[tilespmem:s14], [sflag:$0x1] =	stream.indirect.gather [hbm4b:s2+s13], $0x80, s16, s13, $0xb8;
	[tilespmem:$0x1EC00] =	vst v63  }
0x2cd: {  	_ =	swait.ge [sflag:s17], $0x4000  }
0x2ce: {  	[sflag:s17] =	ssyncset.done $0x0  }
0x2cf: {  	[sflag:s17] =	ssyncadd.s32 $0xFFFFC000  }
0x2d0: {  	[spmem:s3] =	stream.indirect.scatter.add.f32 [tilespmem:s9], [sflag:$0x6], $0x80, s8, s13, $0xb8;
	[tilespmem:$0x1EC00] =	vst v63  }
0x2d1: {  	_ =	swait.ge [sflag:s10], $0x4000  }
0x2d2: {  	[sflag:s10] =	ssyncset.done $0x0  }
0x2d3: {  	[sflag:s10] =	ssyncadd.s32 $0xFFFFC000  }
0x2d4: {  	[tilespmem:s9], [sflag:$0x2] =	stream.indirect.gather [hbm4b:s2+s13], $0x80, s6, s13, $0xb8;
	[tilespmem:$0x1EC00] =	vst v63  }
0x2d5: {  	_ =	swait.ge [sflag:s15], $0x4000  }
0x2d6: {  	[sflag:s15] =	ssyncset.done $0x0  }
0x2d7: {  	[sflag:s15] =	ssyncadd.s32 $0xFFFFC000  }
0x2d8: {  	[spmem:s3] =	stream.indirect.scatter.add.f32 [tilespmem:s14], [sflag:$0x6], $0x80, s1, s13, $0xb8;
	[tilespmem:$0x1EC00] =	vst v63  }
0x2d9: {  	_ =	swait.ge [sflag:s10], $0x4000  }
0x2da: {  	[sflag:s10] =	ssyncset.done $0x0  }
0x2db: {  	[sflag:s10] =	ssyncadd.s32 $0xFFFFC000  }
0x2dc: {  	_ =	swait.ge [sflag:s17], $0x4000  }
0x2dd: {  	[sflag:s17] =	ssyncset.done $0x0  }
0x2de: {  	[sflag:s17] =	ssyncadd.s32 $0xFFFFC000  }
0x2df: {  	[spmem:s3] =	stream.indirect.scatter.add.f32 [tilespmem:s9], [sflag:$0x6], $0x80, s0, s13, $0xb8;
	[tilespmem:$0x1EC00] =	vst v63  }
0x2e0: {  	_ =	swait.ge [sflag:s10], $0x4000  }
0x2e1: {  	[sflag:s10] =	ssyncset.done $0x0  }
0x2e2: {  	[sflag:s10] =	ssyncadd.s32 $0xFFFFC000  }
0x2e3: {  	[bflag:$0x0] =	sbarrier.arrive $0xFFFF  }
0x2e4: {  	s26 =	sshll.u32 s31, $0x6;
	s30 =	rddreg [dreg:$0x14]  }
0x2e5: {  	s0 =	sor.u32 $0x1C06, s26;
	s25 =	rddreg [dreg:$0x12]  }
0x2e6: {  	[hbm:s25], [sflag:s0] =	dma.local [spmem:s30], $0x2700  }
0x2e7: {  	_ =	swait.ge [sflag:s10], $0x2700;
	[dreg:$0x17] =	wrdreg s0  }
0x2e8: {  	s29 =	rddreg [dreg:$0x13];
	[sflag:s10] =	ssyncset.done $0x0  }
0x2e9: {  	s30 =	rddreg [dreg:$0x15];
	[sflag:s10] =	ssyncadd.s32 $0xFFFFD900  }
0x2ea: {  	[hbm:s29], [sflag:s0] =	dma.local @!p0 [spmem:s30], $0x100  }
0x2eb: {  	s0 =	rddreg [dreg:$0x18]  }
0x2ec: {  	s31 =	ssub.s32 $0x2, s0  }
0x2ed: {  	s30 =	sshrl.u32 s31, $0x1  }
0x2ee: {  	s29 =	ssub.s32 s31, s30  }
0x2ef: {  	s29 =	smax.u32 s29, $0x1  }
0x2f0: {  	s30 =	sadd.s32 $0xFFFFFFFF, s29  }
0x2f1: {  	p1 =	sne.s32 s30, $0x0  }
.Ltmp0:
0x2f2: {  	_ = 	snop;
	(pc) =	sbr.rel @!p1 .LBB2_3-.Ltmp0, $3  }
0x2f3: {  	_ =	sdelay $0x1  }
0x2f4: {  	s0 =	simm.s32 @!p0 $0x6  }
0x2f5: {  	_ =	swait.ge @!p0 [sflag:s0], $0x100  }
0x2f6: {  	s7 =	simm.s32 $0xC00;
	s8 =	simm.s32 $0x1800;
	s29 =	simm.s32 $0x2400  }
0x2f7: {  	s5 =	simm.s32 $0x1900;
	s6 =	simm.s32 $0x2480;
	s16 =	simm.s32 $0x1980  }
0x2f8: {  	s18 =	simm.s32 $0x2500;
	s19 =	simm.s32 $0x1A00;
	s21 =	simm.s32 $0x2580  }
0x2f9: {  	s22 =	simm.s32 $0x1A80;
	s23 =	simm.s32 $0x2600;
	s24 =	simm.s32 $0x1B00  }
0x2fa: {  	s25 =	simm.s32 $0x2680;
	s26 =	simm.s32 $0x1B80;
	s28 =	simm.s32 $0x2700  }
.LBB2_2:
0x2fb: {  	[sflag:s0] =	ssyncset.done @!p0 $0x0  }
0x2fc: {  	s31 =	rddreg [dreg:$0x5];
	[sflag:s0] =	ssyncadd.s32 @!p0 $0xFFFFFF00  }
0x2fd: {  	[tilespmem:s4], [sflag:$0x3] =	stream.linear.gather [hbm4b:s31+s4], $0xA00, $0x38;
	[tilespmem:$0x1EC00] =	vst v63  }
0x2fe: {  	s1 =	rddreg [dreg:$0x6]  }
0x2ff: {  	[tilespmem:s7], [sflag:$0x3] =	stream.linear.gather [hbm4b:s1+s4], $0xA00, $0x38;
	[tilespmem:$0x1EC00] =	vst v63  }
0x300: {  	s0 =	rddreg [dreg:$0x7]  }
0x301: {  	[tilespmem:s8], [sflag:$0x4] =	stream.linear.gather [hbm4b:s0+s4], $0xA00, $0x38;
	[tilespmem:$0x1EC00] =	vst v63  }
0x302: {  	s1 =	rddreg [dreg:$0x8]  }
0x303: {  	[tilespmem:s29], [sflag:$0x4] =	stream.linear.gather [hbm4b:s1+s4], $0xA00, $0x38;
	[tilespmem:$0x1EC00] =	vst v63  }
0x304: {  	s0 =	rddreg [dreg:$0x9]  }
0x305: {  	[tilespmem:s9], [sflag:$0x6] =	stream.linear.gather [hbm4b:s0+s4], $0x4000, $0x38;
	[tilespmem:$0x1EC00] =	vst v63  }
0x306: {  	_ =	swait.ge [sflag:s10], $0x4000  }
0x307: {  	[sflag:s10] =	ssyncset.done $0x0  }
0x308: {  	s0 =	rddreg [dreg:$0x16];
	[sflag:s10] =	ssyncadd.s32 $0xFFFFC000  }
0x309: {  	[spmem:s0] =	stream.linear.scatter [tilespmem:s9], [sflag:$0x5], $0x4000, $0x38;
	[tilespmem:$0x1EC00] =	vst v63  }
0x30a: {  	s1 =	rddreg [dreg:$0xa]  }
0x30b: {  	[spmem:s1] =	stream.linear.scatter [tilespmem:s9], [sflag:$0x5], $0x4000, $0x38;
	[tilespmem:$0x1EC00] =	vst v63  }
0x30c: {  	s0 =	rddreg [dreg:$0xb]  }
0x30d: {  	[spmem:s0] =	stream.linear.scatter [tilespmem:s9], [sflag:$0x5], $0x4000, $0x38;
	[tilespmem:$0x1EC00] =	vst v63  }
0x30e: {  	s1 =	rddreg [dreg:$0xc]  }
0x30f: {  	[spmem:s1] =	stream.linear.scatter [tilespmem:s9], [sflag:$0x5], $0x4000, $0x38;
	[tilespmem:$0x1EC00] =	vst v63  }
0x310: {  	s0 =	rddreg [dreg:$0xd]  }
0x311: {  	[spmem:s0] =	stream.linear.scatter [tilespmem:s9], [sflag:$0x5], $0x3C00, $0x38;
	[tilespmem:$0x1EC00] =	vst v63  }
0x312: {  	_ =	swait.ge [sflag:s11], $0x4000  }
0x313: {  	[sflag:s11] =	ssyncset.done $0x0  }
0x314: {  	[sflag:s11] =	ssyncadd.s32 $0xFFFFC000  }
0x315: {  	_ =	swait.ge [sflag:s11], $0x4000  }
0x316: {  	[sflag:s11] =	ssyncset.done $0x0  }
0x317: {  	[sflag:s11] =	ssyncadd.s32 $0xFFFFC000  }
0x318: {  	_ =	swait.ge [sflag:s11], $0x4000  }
0x319: {  	[sflag:s11] =	ssyncset.done $0x0  }
0x31a: {  	[sflag:s11] =	ssyncadd.s32 $0xFFFFC000  }
0x31b: {  	_ =	swait.ge [sflag:s11], $0x4000  }
0x31c: {  	[sflag:s11] =	ssyncset.done $0x0  }
0x31d: {  	[sflag:s11] =	ssyncadd.s32 $0xFFFFC000  }
0x31e: {  	_ =	swait.ge [sflag:s11], $0x3C00  }
0x31f: {  	[sflag:s11] =	ssyncset.done $0x0  }
0x320: {  	[sflag:s11] =	ssyncadd.s32 $0xFFFFC400  }
0x321: {  	[bflag:$0x0] =	sbarrier.arrive $0xFFFF  }
0x322: {  	_ =	swait.ge [sflag:s12], $0xA00  }
0x323: {  	[sflag:s12] =	ssyncset.done $0x0  }
0x324: {  	[sflag:s12] =	ssyncadd.s32 $0xFFFFF600  }
0x325: {  	_ =	swait.ge [sflag:s12], $0xA00  }
0x326: {  	[sflag:s12] =	ssyncset.done $0x0  }
0x327: {  	[sflag:s12] =	ssyncadd.s32 $0xFFFFF600  }
0x328: {  	[tilespmem:s14], [sflag:$0x1] =	stream.indirect.gather [hbm4b:s2+s13], $0x80, s4, s13, $0xb8;
	[tilespmem:$0x1EC00] =	vst v63  }
0x329: {  	_ = 	snop  }
0x32a: {  	[tilespmem:s9], [sflag:$0x2] =	stream.indirect.gather [hbm4b:s2+s13], $0x80, s13, s13, $0xb8;
	[tilespmem:$0x1EC00] =	vst v63  }
0x32b: {  	_ =	swait.ge [sflag:s15], $0x4000  }
0x32c: {  	[sflag:s15] =	ssyncset.done $0x0  }
0x32d: {  	[sflag:s15] =	ssyncadd.s32 $0xFFFFC000  }
0x32e: {  	[spmem:s3] =	stream.indirect.scatter.add.f32 [tilespmem:s14], [sflag:$0x6], $0x80, s7, s13, $0xb8;
	[tilespmem:$0x1EC00] =	vst v63  }
0x32f: {  	_ =	swait.ge [sflag:s10], $0x4000  }
0x330: {  	[sflag:s10] =	ssyncset.done $0x0  }
0x331: {  	s31 =	simm.s32 $0x100;
	[sflag:s10] =	ssyncadd.s32 $0xFFFFC000  }
0x332: {  	[tilespmem:s14], [sflag:$0x1] =	stream.indirect.gather [hbm4b:s2+s13], $0x80, s31, s13, $0xb8;
	[tilespmem:$0x1EC00] =	vst v63  }
0x333: {  	_ =	swait.ge [sflag:s17], $0x4000  }
0x334: {  	[sflag:s17] =	ssyncset.done $0x0  }
0x335: {  	s1 =	simm.s32 $0xC80;
	[sflag:s17] =	ssyncadd.s32 $0xFFFFC000  }
0x336: {  	[spmem:s3] =	stream.indirect.scatter.add.f32 [tilespmem:s9], [sflag:$0x6], $0x80, s1, s13, $0xb8;
	[tilespmem:$0x1EC00] =	vst v63  }
0x337: {  	_ =	swait.ge [sflag:s10], $0x4000  }
0x338: {  	[sflag:s10] =	ssyncset.done $0x0  }
0x339: {  	s31 =	simm.s32 $0x180;
	[sflag:s10] =	ssyncadd.s32 $0xFFFFC000  }
0x33a: {  	[tilespmem:s9], [sflag:$0x2] =	stream.indirect.gather [hbm4b:s2+s13], $0x80, s31, s13, $0xb8;
	[tilespmem:$0x1EC00] =	vst v63  }
0x33b: {  	_ =	swait.ge [sflag:s15], $0x4000  }
0x33c: {  	[sflag:s15] =	ssyncset.done $0x0  }
0x33d: {  	s1 =	simm.s32 $0xD00;
	[sflag:s15] =	ssyncadd.s32 $0xFFFFC000  }
0x33e: {  	[spmem:s3] =	stream.indirect.scatter.add.f32 [tilespmem:s14], [sflag:$0x6], $0x80, s1, s13, $0xb8;
	[tilespmem:$0x1EC00] =	vst v63  }
0x33f: {  	_ =	swait.ge [sflag:s10], $0x4000  }
0x340: {  	[sflag:s10] =	ssyncset.done $0x0  }
0x341: {  	s31 =	simm.s32 $0x200;
	[sflag:s10] =	ssyncadd.s32 $0xFFFFC000  }
0x342: {  	[tilespmem:s14], [sflag:$0x1] =	stream.indirect.gather [hbm4b:s2+s13], $0x80, s31, s13, $0xb8;
	[tilespmem:$0x1EC00] =	vst v63  }
0x343: {  	_ =	swait.ge [sflag:s17], $0x4000  }
0x344: {  	[sflag:s17] =	ssyncset.done $0x0  }
0x345: {  	s1 =	simm.s32 $0xD80;
	[sflag:s17] =	ssyncadd.s32 $0xFFFFC000  }
0x346: {  	[spmem:s3] =	stream.indirect.scatter.add.f32 [tilespmem:s9], [sflag:$0x6], $0x80, s1, s13, $0xb8;
	[tilespmem:$0x1EC00] =	vst v63  }
0x347: {  	_ =	swait.ge [sflag:s10], $0x4000  }
0x348: {  	[sflag:s10] =	ssyncset.done $0x0  }
0x349: {  	s31 =	simm.s32 $0x280;
	[sflag:s10] =	ssyncadd.s32 $0xFFFFC000  }
0x34a: {  	[tilespmem:s9], [sflag:$0x2] =	stream.indirect.gather [hbm4b:s2+s13], $0x80, s31, s13, $0xb8;
	[tilespmem:$0x1EC00] =	vst v63  }
0x34b: {  	_ =	swait.ge [sflag:s15], $0x4000  }
0x34c: {  	[sflag:s15] =	ssyncset.done $0x0  }
0x34d: {  	s1 =	simm.s32 $0xE00;
	[sflag:s15] =	ssyncadd.s32 $0xFFFFC000  }
0x34e: {  	[spmem:s3] =	stream.indirect.scatter.add.f32 [tilespmem:s14], [sflag:$0x6], $0x80, s1, s13, $0xb8;
	[tilespmem:$0x1EC00] =	vst v63  }
0x34f: {  	_ =	swait.ge [sflag:s10], $0x4000  }
0x350: {  	[sflag:s10] =	ssyncset.done $0x0  }
0x351: {  	s31 =	simm.s32 $0x300;
	[sflag:s10] =	ssyncadd.s32 $0xFFFFC000  }
0x352: {  	[tilespmem:s14], [sflag:$0x1] =	stream.indirect.gather [hbm4b:s2+s13], $0x80, s31, s13, $0xb8;
	[tilespmem:$0x1EC00] =	vst v63  }
0x353: {  	_ =	swait.ge [sflag:s17], $0x4000  }
0x354: {  	[sflag:s17] =	ssyncset.done $0x0  }
0x355: {  	s1 =	simm.s32 $0xE80;
	[sflag:s17] =	ssyncadd.s32 $0xFFFFC000  }
0x356: {  	[spmem:s3] =	stream.indirect.scatter.add.f32 [tilespmem:s9], [sflag:$0x6], $0x80, s1, s13, $0xb8;
	[tilespmem:$0x1EC00] =	vst v63  }
0x357: {  	_ =	swait.ge [sflag:s10], $0x4000  }
0x358: {  	[sflag:s10] =	ssyncset.done $0x0  }
0x359: {  	s31 =	simm.s32 $0x380;
	[sflag:s10] =	ssyncadd.s32 $0xFFFFC000  }
0x35a: {  	[tilespmem:s9], [sflag:$0x2] =	stream.indirect.gather [hbm4b:s2+s13], $0x80, s31, s13, $0xb8;
	[tilespmem:$0x1EC00] =	vst v63  }
0x35b: {  	_ =	swait.ge [sflag:s15], $0x4000  }
0x35c: {  	[sflag:s15] =	ssyncset.done $0x0  }
0x35d: {  	s1 =	simm.s32 $0xF00;
	[sflag:s15] =	ssyncadd.s32 $0xFFFFC000  }
0x35e: {  	[spmem:s3] =	stream.indirect.scatter.add.f32 [tilespmem:s14], [sflag:$0x6], $0x80, s1, s13, $0xb8;
	[tilespmem:$0x1EC00] =	vst v63  }
0x35f: {  	_ =	swait.ge [sflag:s10], $0x4000  }
0x360: {  	[sflag:s10] =	ssyncset.done $0x0  }
0x361: {  	s31 =	simm.s32 $0x400;
	[sflag:s10] =	ssyncadd.s32 $0xFFFFC000  }
0x362: {  	[tilespmem:s14], [sflag:$0x1] =	stream.indirect.gather [hbm4b:s2+s13], $0x80, s31, s13, $0xb8;
	[tilespmem:$0x1EC00] =	vst v63  }
0x363: {  	_ =	swait.ge [sflag:s17], $0x4000  }
0x364: {  	[sflag:s17] =	ssyncset.done $0x0  }
0x365: {  	s1 =	simm.s32 $0xF80;
	[sflag:s17] =	ssyncadd.s32 $0xFFFFC000  }
0x366: {  	[spmem:s3] =	stream.indirect.scatter.add.f32 [tilespmem:s9], [sflag:$0x6], $0x80, s1, s13, $0xb8;
	[tilespmem:$0x1EC00] =	vst v63  }
0x367: {  	_ =	swait.ge [sflag:s10], $0x4000  }
0x368: {  	[sflag:s10] =	ssyncset.done $0x0  }
0x369: {  	s31 =	simm.s32 $0x480;
	[sflag:s10] =	ssyncadd.s32 $0xFFFFC000  }
0x36a: {  	[tilespmem:s9], [sflag:$0x2] =	stream.indirect.gather [hbm4b:s2+s13], $0x80, s31, s13, $0xb8;
	[tilespmem:$0x1EC00] =	vst v63  }
0x36b: {  	_ =	swait.ge [sflag:s15], $0x4000  }
0x36c: {  	[sflag:s15] =	ssyncset.done $0x0  }
0x36d: {  	s1 =	simm.s32 $0x1000;
	[sflag:s15] =	ssyncadd.s32 $0xFFFFC000  }
0x36e: {  	[spmem:s3] =	stream.indirect.scatter.add.f32 [tilespmem:s14], [sflag:$0x6], $0x80, s1, s13, $0xb8;
	[tilespmem:$0x1EC00] =	vst v63  }
0x36f: {  	_ =	swait.ge [sflag:s10], $0x4000  }
0x370: {  	[sflag:s10] =	ssyncset.done $0x0  }
0x371: {  	s31 =	simm.s32 $0x500;
	[sflag:s10] =	ssyncadd.s32 $0xFFFFC000  }
0x372: {  	[tilespmem:s14], [sflag:$0x1] =	stream.indirect.gather [hbm4b:s2+s13], $0x80, s31, s13, $0xb8;
	[tilespmem:$0x1EC00] =	vst v63  }
0x373: {  	_ =	swait.ge [sflag:s17], $0x4000  }
0x374: {  	[sflag:s17] =	ssyncset.done $0x0  }
0x375: {  	s1 =	simm.s32 $0x1080;
	[sflag:s17] =	ssyncadd.s32 $0xFFFFC000  }
0x376: {  	[spmem:s3] =	stream.indirect.scatter.add.f32 [tilespmem:s9], [sflag:$0x6], $0x80, s1, s13, $0xb8;
	[tilespmem:$0x1EC00] =	vst v63  }
0x377: {  	_ =	swait.ge [sflag:s10], $0x4000  }
0x378: {  	[sflag:s10] =	ssyncset.done $0x0  }
0x379: {  	s31 =	simm.s32 $0x580;
	[sflag:s10] =	ssyncadd.s32 $0xFFFFC000  }
0x37a: {  	[tilespmem:s9], [sflag:$0x2] =	stream.indirect.gather [hbm4b:s2+s13], $0x80, s31, s13, $0xb8;
	[tilespmem:$0x1EC00] =	vst v63  }
0x37b: {  	_ =	swait.ge [sflag:s15], $0x4000  }
0x37c: {  	[sflag:s15] =	ssyncset.done $0x0  }
0x37d: {  	s1 =	simm.s32 $0x1100;
	[sflag:s15] =	ssyncadd.s32 $0xFFFFC000  }
0x37e: {  	[spmem:s3] =	stream.indirect.scatter.add.f32 [tilespmem:s14], [sflag:$0x6], $0x80, s1, s13, $0xb8;
	[tilespmem:$0x1EC00] =	vst v63  }
0x37f: {  	_ =	swait.ge [sflag:s10], $0x4000  }
0x380: {  	[sflag:s10] =	ssyncset.done $0x0  }
0x381: {  	s31 =	simm.s32 $0x600;
	[sflag:s10] =	ssyncadd.s32 $0xFFFFC000  }
0x382: {  	[tilespmem:s14], [sflag:$0x1] =	stream.indirect.gather [hbm4b:s2+s13], $0x80, s31, s13, $0xb8;
	[tilespmem:$0x1EC00] =	vst v63  }
0x383: {  	_ =	swait.ge [sflag:s17], $0x4000  }
0x384: {  	[sflag:s17] =	ssyncset.done $0x0  }
0x385: {  	s1 =	simm.s32 $0x1180;
	[sflag:s17] =	ssyncadd.s32 $0xFFFFC000  }
0x386: {  	[spmem:s3] =	stream.indirect.scatter.add.f32 [tilespmem:s9], [sflag:$0x6], $0x80, s1, s13, $0xb8;
	[tilespmem:$0x1EC00] =	vst v63  }
0x387: {  	_ =	swait.ge [sflag:s10], $0x4000  }
0x388: {  	[sflag:s10] =	ssyncset.done $0x0  }
0x389: {  	s31 =	simm.s32 $0x680;
	[sflag:s10] =	ssyncadd.s32 $0xFFFFC000  }
0x38a: {  	[tilespmem:s9], [sflag:$0x2] =	stream.indirect.gather [hbm4b:s2+s13], $0x80, s31, s13, $0xb8;
	[tilespmem:$0x1EC00] =	vst v63  }
0x38b: {  	_ =	swait.ge [sflag:s15], $0x4000  }
0x38c: {  	[sflag:s15] =	ssyncset.done $0x0  }
0x38d: {  	s1 =	simm.s32 $0x1200;
	[sflag:s15] =	ssyncadd.s32 $0xFFFFC000  }
0x38e: {  	[spmem:s3] =	stream.indirect.scatter.add.f32 [tilespmem:s14], [sflag:$0x6], $0x80, s1, s13, $0xb8;
	[tilespmem:$0x1EC00] =	vst v63  }
0x38f: {  	_ =	swait.ge [sflag:s10], $0x4000  }
0x390: {  	[sflag:s10] =	ssyncset.done $0x0  }
0x391: {  	s31 =	simm.s32 $0x700;
	[sflag:s10] =	ssyncadd.s32 $0xFFFFC000  }
0x392: {  	[tilespmem:s14], [sflag:$0x1] =	stream.indirect.gather [hbm4b:s2+s13], $0x80, s31, s13, $0xb8;
	[tilespmem:$0x1EC00] =	vst v63  }
0x393: {  	_ =	swait.ge [sflag:s17], $0x4000  }
0x394: {  	[sflag:s17] =	ssyncset.done $0x0  }
0x395: {  	s1 =	simm.s32 $0x1280;
	[sflag:s17] =	ssyncadd.s32 $0xFFFFC000  }
0x396: {  	[spmem:s3] =	stream.indirect.scatter.add.f32 [tilespmem:s9], [sflag:$0x6], $0x80, s1, s13, $0xb8;
	[tilespmem:$0x1EC00] =	vst v63  }
0x397: {  	_ =	swait.ge [sflag:s10], $0x4000  }
0x398: {  	[sflag:s10] =	ssyncset.done $0x0  }
0x399: {  	s31 =	simm.s32 $0x780;
	[sflag:s10] =	ssyncadd.s32 $0xFFFFC000  }
0x39a: {  	[tilespmem:s9], [sflag:$0x2] =	stream.indirect.gather [hbm4b:s2+s13], $0x80, s31, s13, $0xb8;
	[tilespmem:$0x1EC00] =	vst v63  }
0x39b: {  	_ =	swait.ge [sflag:s15], $0x4000  }
0x39c: {  	[sflag:s15] =	ssyncset.done $0x0  }
0x39d: {  	s1 =	simm.s32 $0x1300;
	[sflag:s15] =	ssyncadd.s32 $0xFFFFC000  }
0x39e: {  	[spmem:s3] =	stream.indirect.scatter.add.f32 [tilespmem:s14], [sflag:$0x6], $0x80, s1, s13, $0xb8;
	[tilespmem:$0x1EC00] =	vst v63  }
0x39f: {  	_ =	swait.ge [sflag:s10], $0x4000  }
0x3a0: {  	[sflag:s10] =	ssyncset.done $0x0  }
0x3a1: {  	s31 =	simm.s32 $0x800;
	[sflag:s10] =	ssyncadd.s32 $0xFFFFC000  }
0x3a2: {  	[tilespmem:s14], [sflag:$0x1] =	stream.indirect.gather [hbm4b:s2+s13], $0x80, s31, s13, $0xb8;
	[tilespmem:$0x1EC00] =	vst v63  }
0x3a3: {  	_ =	swait.ge [sflag:s17], $0x4000  }
0x3a4: {  	[sflag:s17] =	ssyncset.done $0x0  }
0x3a5: {  	s1 =	simm.s32 $0x1380;
	[sflag:s17] =	ssyncadd.s32 $0xFFFFC000  }
0x3a6: {  	[spmem:s3] =	stream.indirect.scatter.add.f32 [tilespmem:s9], [sflag:$0x6], $0x80, s1, s13, $0xb8;
	[tilespmem:$0x1EC00] =	vst v63  }
0x3a7: {  	_ =	swait.ge [sflag:s10], $0x4000  }
0x3a8: {  	[sflag:s10] =	ssyncset.done $0x0  }
0x3a9: {  	s31 =	simm.s32 $0x880;
	[sflag:s10] =	ssyncadd.s32 $0xFFFFC000  }
0x3aa: {  	[tilespmem:s9], [sflag:$0x2] =	stream.indirect.gather [hbm4b:s2+s13], $0x80, s31, s13, $0xb8;
	[tilespmem:$0x1EC00] =	vst v63  }
0x3ab: {  	_ =	swait.ge [sflag:s15], $0x4000  }
0x3ac: {  	[sflag:s15] =	ssyncset.done $0x0  }
0x3ad: {  	s1 =	simm.s32 $0x1400;
	[sflag:s15] =	ssyncadd.s32 $0xFFFFC000  }
0x3ae: {  	[spmem:s3] =	stream.indirect.scatter.add.f32 [tilespmem:s14], [sflag:$0x6], $0x80, s1, s13, $0xb8;
	[tilespmem:$0x1EC00] =	vst v63  }
0x3af: {  	_ =	swait.ge [sflag:s10], $0x4000  }
0x3b0: {  	[sflag:s10] =	ssyncset.done $0x0  }
0x3b1: {  	s31 =	simm.s32 $0x900;
	[sflag:s10] =	ssyncadd.s32 $0xFFFFC000  }
0x3b2: {  	[tilespmem:s14], [sflag:$0x1] =	stream.indirect.gather [hbm4b:s2+s13], $0x80, s31, s13, $0xb8;
	[tilespmem:$0x1EC00] =	vst v63  }
0x3b3: {  	_ =	swait.ge [sflag:s17], $0x4000  }
0x3b4: {  	[sflag:s17] =	ssyncset.done $0x0  }
0x3b5: {  	s1 =	simm.s32 $0x1480;
	[sflag:s17] =	ssyncadd.s32 $0xFFFFC000  }
0x3b6: {  	[spmem:s3] =	stream.indirect.scatter.add.f32 [tilespmem:s9], [sflag:$0x6], $0x80, s1, s13, $0xb8;
	[tilespmem:$0x1EC00] =	vst v63  }
0x3b7: {  	_ =	swait.ge [sflag:s10], $0x4000  }
0x3b8: {  	[sflag:s10] =	ssyncset.done $0x0  }
0x3b9: {  	s31 =	simm.s32 $0x980;
	[sflag:s10] =	ssyncadd.s32 $0xFFFFC000  }
0x3ba: {  	[tilespmem:s9], [sflag:$0x2] =	stream.indirect.gather [hbm4b:s2+s13], $0x80, s31, s13, $0xb8;
	[tilespmem:$0x1EC00] =	vst v63  }
0x3bb: {  	_ =	swait.ge [sflag:s15], $0x4000  }
0x3bc: {  	[sflag:s15] =	ssyncset.done $0x0  }
0x3bd: {  	s1 =	simm.s32 $0x1500;
	[sflag:s15] =	ssyncadd.s32 $0xFFFFC000  }
0x3be: {  	[spmem:s3] =	stream.indirect.scatter.add.f32 [tilespmem:s14], [sflag:$0x6], $0x80, s1, s13, $0xb8;
	[tilespmem:$0x1EC00] =	vst v63  }
0x3bf: {  	_ =	swait.ge [sflag:s10], $0x4000  }
0x3c0: {  	[sflag:s10] =	ssyncset.done $0x0  }
0x3c1: {  	[sflag:s10] =	ssyncadd.s32 $0xFFFFC000  }
0x3c2: {  	_ =	swait.ge [sflag:s17], $0x4000  }
0x3c3: {  	[sflag:s17] =	ssyncset.done $0x0  }
0x3c4: {  	s31 =	simm.s32 $0x1580;
	[sflag:s17] =	ssyncadd.s32 $0xFFFFC000  }
0x3c5: {  	[spmem:s3] =	stream.indirect.scatter.add.f32 [tilespmem:s9], [sflag:$0x6], $0x80, s31, s13, $0xb8;
	[tilespmem:$0x1EC00] =	vst v63  }
0x3c6: {  	_ =	swait.ge [sflag:s10], $0x4000  }
0x3c7: {  	[sflag:s10] =	ssyncset.done $0x0  }
0x3c8: {  	[sflag:s10] =	ssyncadd.s32 $0xFFFFC000  }
0x3c9: {  	_ =	swait.ge [sflag:s20], $0xA00  }
0x3ca: {  	[sflag:s20] =	ssyncset.done $0x0  }
0x3cb: {  	[sflag:s20] =	ssyncadd.s32 $0xFFFFF600  }
0x3cc: {  	_ =	swait.ge [sflag:s20], $0xA00  }
0x3cd: {  	[sflag:s20] =	ssyncset.done $0x0  }
0x3ce: {  	[sflag:s20] =	ssyncadd.s32 $0xFFFFF600  }
0x3cf: {  	[tilespmem:s14], [sflag:$0x1] =	stream.indirect.gather [hbm4b:s2+s13], $0x80, s8, s13, $0xb8;
	[tilespmem:$0x1EC00] =	vst v63  }
0x3d0: {  	s1 =	rddreg [dreg:$0xe]  }
0x3d1: {  	[tilespmem:s4], [sflag:$0x3] =	stream.linear.gather [hbm4b:s1+s4], $0xA00, $0x38;
	[tilespmem:$0x1EC00] =	vst v63  }
0x3d2: {  	s0 =	rddreg [dreg:$0xf]  }
0x3d3: {  	[tilespmem:s7], [sflag:$0x3] =	stream.linear.gather [hbm4b:s0+s4], $0xA00, $0x38;
	[tilespmem:$0x1EC00] =	vst v63  }
0x3d4: {  	s0 =	simm.s32 $0x1880  }
0x3d5: {  	[tilespmem:s9], [sflag:$0x2] =	stream.indirect.gather [hbm4b:s2+s13], $0x80, s0, s13, $0xb8;
	[tilespmem:$0x1EC00] =	vst v63  }
0x3d6: {  	_ =	swait.ge [sflag:s15], $0x4000  }
0x3d7: {  	[sflag:s15] =	ssyncset.done $0x0  }
0x3d8: {  	[sflag:s15] =	ssyncadd.s32 $0xFFFFC000  }
0x3d9: {  	[spmem:s3] =	stream.indirect.scatter.add.f32 [tilespmem:s14], [sflag:$0x6], $0x80, s29, s13, $0xb8;
	[tilespmem:$0x1EC00] =	vst v63  }
0x3da: {  	_ =	swait.ge [sflag:s10], $0x4000  }
0x3db: {  	[sflag:s10] =	ssyncset.done $0x0  }
0x3dc: {  	[sflag:s10] =	ssyncadd.s32 $0xFFFFC000  }
0x3dd: {  	[tilespmem:s14], [sflag:$0x1] =	stream.indirect.gather [hbm4b:s2+s13], $0x80, s5, s13, $0xb8;
	[tilespmem:$0x1EC00] =	vst v63  }
0x3de: {  	_ =	swait.ge [sflag:s17], $0x4000  }
0x3df: {  	[sflag:s17] =	ssyncset.done $0x0  }
0x3e0: {  	[sflag:s17] =	ssyncadd.s32 $0xFFFFC000  }
0x3e1: {  	[spmem:s3] =	stream.indirect.scatter.add.f32 [tilespmem:s9], [sflag:$0x6], $0x80, s6, s13, $0xb8;
	[tilespmem:$0x1EC00] =	vst v63  }
0x3e2: {  	_ =	swait.ge [sflag:s10], $0x4000  }
0x3e3: {  	[sflag:s10] =	ssyncset.done $0x0  }
0x3e4: {  	[sflag:s10] =	ssyncadd.s32 $0xFFFFC000  }
0x3e5: {  	[tilespmem:s9], [sflag:$0x2] =	stream.indirect.gather [hbm4b:s2+s13], $0x80, s16, s13, $0xb8;
	[tilespmem:$0x1EC00] =	vst v63  }
0x3e6: {  	_ =	swait.ge [sflag:s15], $0x4000  }
0x3e7: {  	[sflag:s15] =	ssyncset.done $0x0  }
0x3e8: {  	[sflag:s15] =	ssyncadd.s32 $0xFFFFC000  }
0x3e9: {  	[spmem:s3] =	stream.indirect.scatter.add.f32 [tilespmem:s14], [sflag:$0x6], $0x80, s18, s13, $0xb8;
	[tilespmem:$0x1EC00] =	vst v63  }
0x3ea: {  	_ =	swait.ge [sflag:s10], $0x4000  }
0x3eb: {  	[sflag:s10] =	ssyncset.done $0x0  }
0x3ec: {  	[sflag:s10] =	ssyncadd.s32 $0xFFFFC000  }
0x3ed: {  	[tilespmem:s14], [sflag:$0x1] =	stream.indirect.gather [hbm4b:s2+s13], $0x80, s19, s13, $0xb8;
	[tilespmem:$0x1EC00] =	vst v63  }
0x3ee: {  	_ =	swait.ge [sflag:s17], $0x4000  }
0x3ef: {  	[sflag:s17] =	ssyncset.done $0x0  }
0x3f0: {  	[sflag:s17] =	ssyncadd.s32 $0xFFFFC000  }
0x3f1: {  	[spmem:s3] =	stream.indirect.scatter.add.f32 [tilespmem:s9], [sflag:$0x6], $0x80, s21, s13, $0xb8;
	[tilespmem:$0x1EC00] =	vst v63  }
0x3f2: {  	_ =	swait.ge [sflag:s10], $0x4000  }
0x3f3: {  	[sflag:s10] =	ssyncset.done $0x0  }
0x3f4: {  	[sflag:s10] =	ssyncadd.s32 $0xFFFFC000  }
0x3f5: {  	[tilespmem:s9], [sflag:$0x2] =	stream.indirect.gather [hbm4b:s2+s13], $0x80, s22, s13, $0xb8;
	[tilespmem:$0x1EC00] =	vst v63  }
0x3f6: {  	_ =	swait.ge [sflag:s15], $0x4000  }
0x3f7: {  	[sflag:s15] =	ssyncset.done $0x0  }
0x3f8: {  	[sflag:s15] =	ssyncadd.s32 $0xFFFFC000  }
0x3f9: {  	[spmem:s3] =	stream.indirect.scatter.add.f32 [tilespmem:s14], [sflag:$0x6], $0x80, s23, s13, $0xb8;
	[tilespmem:$0x1EC00] =	vst v63  }
0x3fa: {  	_ =	swait.ge [sflag:s10], $0x4000  }
0x3fb: {  	[sflag:s10] =	ssyncset.done $0x0  }
0x3fc: {  	[sflag:s10] =	ssyncadd.s32 $0xFFFFC000  }
0x3fd: {  	[tilespmem:s14], [sflag:$0x1] =	stream.indirect.gather [hbm4b:s2+s13], $0x80, s24, s13, $0xb8;
	[tilespmem:$0x1EC00] =	vst v63  }
0x3fe: {  	_ =	swait.ge [sflag:s17], $0x4000  }
0x3ff: {  	[sflag:s17] =	ssyncset.done $0x0  }
0x400: {  	[sflag:s17] =	ssyncadd.s32 $0xFFFFC000  }
0x401: {  	[spmem:s3] =	stream.indirect.scatter.add.f32 [tilespmem:s9], [sflag:$0x6], $0x80, s25, s13, $0xb8;
	[tilespmem:$0x1EC00] =	vst v63  }
0x402: {  	_ =	swait.ge [sflag:s10], $0x4000  }
0x403: {  	[sflag:s10] =	ssyncset.done $0x0  }
0x404: {  	[sflag:s10] =	ssyncadd.s32 $0xFFFFC000  }
0x405: {  	[tilespmem:s9], [sflag:$0x2] =	stream.indirect.gather [hbm4b:s2+s13], $0x80, s26, s13, $0xb8;
	[tilespmem:$0x1EC00] =	vst v63  }
0x406: {  	_ =	swait.ge [sflag:s15], $0x4000  }
0x407: {  	[sflag:s15] =	ssyncset.done $0x0  }
0x408: {  	[sflag:s15] =	ssyncadd.s32 $0xFFFFC000  }
0x409: {  	[spmem:s3] =	stream.indirect.scatter.add.f32 [tilespmem:s14], [sflag:$0x6], $0x80, s28, s13, $0xb8;
	[tilespmem:$0x1EC00] =	vst v63  }
0x40a: {  	_ =	swait.ge [sflag:s10], $0x4000  }
0x40b: {  	[sflag:s10] =	ssyncset.done $0x0  }
0x40c: {  	s31 =	simm.s32 $0x1C00;
	[sflag:s10] =	ssyncadd.s32 $0xFFFFC000  }
0x40d: {  	[tilespmem:s14], [sflag:$0x1] =	stream.indirect.gather [hbm4b:s2+s13], $0x80, s31, s13, $0xb8;
	[tilespmem:$0x1EC00] =	vst v63  }
0x40e: {  	_ =	swait.ge [sflag:s17], $0x4000  }
0x40f: {  	[sflag:s17] =	ssyncset.done $0x0  }
0x410: {  	s31 =	simm.s32 $0x2780;
	[sflag:s17] =	ssyncadd.s32 $0xFFFFC000  }
0x411: {  	[spmem:s3] =	stream.indirect.scatter.add.f32 [tilespmem:s9], [sflag:$0x6], $0x80, s31, s13, $0xb8;
	[tilespmem:$0x1EC00] =	vst v63  }
0x412: {  	_ =	swait.ge [sflag:s10], $0x4000  }
0x413: {  	[sflag:s10] =	ssyncset.done $0x0  }
0x414: {  	s31 =	simm.s32 $0x1C80;
	[sflag:s10] =	ssyncadd.s32 $0xFFFFC000  }
0x415: {  	[tilespmem:s9], [sflag:$0x2] =	stream.indirect.gather [hbm4b:s2+s13], $0x80, s31, s13, $0xb8;
	[tilespmem:$0x1EC00] =	vst v63  }
0x416: {  	_ =	swait.ge [sflag:s15], $0x4000  }
0x417: {  	[sflag:s15] =	ssyncset.done $0x0  }
0x418: {  	s31 =	simm.s32 $0x2800;
	[sflag:s15] =	ssyncadd.s32 $0xFFFFC000  }
0x419: {  	[spmem:s3] =	stream.indirect.scatter.add.f32 [tilespmem:s14], [sflag:$0x6], $0x80, s31, s13, $0xb8;
	[tilespmem:$0x1EC00] =	vst v63  }
0x41a: {  	_ =	swait.ge [sflag:s10], $0x4000  }
0x41b: {  	[sflag:s10] =	ssyncset.done $0x0  }
0x41c: {  	s31 =	simm.s32 $0x1D00;
	[sflag:s10] =	ssyncadd.s32 $0xFFFFC000  }
0x41d: {  	[tilespmem:s14], [sflag:$0x1] =	stream.indirect.gather [hbm4b:s2+s13], $0x80, s31, s13, $0xb8;
	[tilespmem:$0x1EC00] =	vst v63  }
0x41e: {  	_ =	swait.ge [sflag:s17], $0x4000  }
0x41f: {  	[sflag:s17] =	ssyncset.done $0x0  }
0x420: {  	s31 =	simm.s32 $0x2880;
	[sflag:s17] =	ssyncadd.s32 $0xFFFFC000  }
0x421: {  	[spmem:s3] =	stream.indirect.scatter.add.f32 [tilespmem:s9], [sflag:$0x6], $0x80, s31, s13, $0xb8;
	[tilespmem:$0x1EC00] =	vst v63  }
0x422: {  	_ =	swait.ge [sflag:s10], $0x4000  }
0x423: {  	[sflag:s10] =	ssyncset.done $0x0  }
0x424: {  	s31 =	simm.s32 $0x1D80;
	[sflag:s10] =	ssyncadd.s32 $0xFFFFC000  }
0x425: {  	[tilespmem:s9], [sflag:$0x2] =	stream.indirect.gather [hbm4b:s2+s13], $0x80, s31, s13, $0xb8;
	[tilespmem:$0x1EC00] =	vst v63  }
0x426: {  	_ =	swait.ge [sflag:s15], $0x4000  }
0x427: {  	[sflag:s15] =	ssyncset.done $0x0  }
0x428: {  	s31 =	simm.s32 $0x2900;
	[sflag:s15] =	ssyncadd.s32 $0xFFFFC000  }
0x429: {  	[spmem:s3] =	stream.indirect.scatter.add.f32 [tilespmem:s14], [sflag:$0x6], $0x80, s31, s13, $0xb8;
	[tilespmem:$0x1EC00] =	vst v63  }
0x42a: {  	_ =	swait.ge [sflag:s10], $0x4000  }
0x42b: {  	[sflag:s10] =	ssyncset.done $0x0  }
0x42c: {  	s31 =	simm.s32 $0x1E00;
	[sflag:s10] =	ssyncadd.s32 $0xFFFFC000  }
0x42d: {  	[tilespmem:s14], [sflag:$0x1] =	stream.indirect.gather [hbm4b:s2+s13], $0x80, s31, s13, $0xb8;
	[tilespmem:$0x1EC00] =	vst v63  }
0x42e: {  	_ =	swait.ge [sflag:s17], $0x4000  }
0x42f: {  	[sflag:s17] =	ssyncset.done $0x0  }
0x430: {  	s31 =	simm.s32 $0x2980;
	[sflag:s17] =	ssyncadd.s32 $0xFFFFC000  }
0x431: {  	[spmem:s3] =	stream.indirect.scatter.add.f32 [tilespmem:s9], [sflag:$0x6], $0x80, s31, s13, $0xb8;
	[tilespmem:$0x1EC00] =	vst v63  }
0x432: {  	_ =	swait.ge [sflag:s10], $0x4000  }
0x433: {  	[sflag:s10] =	ssyncset.done $0x0  }
0x434: {  	s31 =	simm.s32 $0x1E80;
	[sflag:s10] =	ssyncadd.s32 $0xFFFFC000  }
0x435: {  	[tilespmem:s9], [sflag:$0x2] =	stream.indirect.gather [hbm4b:s2+s13], $0x80, s31, s13, $0xb8;
	[tilespmem:$0x1EC00] =	vst v63  }
0x436: {  	_ =	swait.ge [sflag:s15], $0x4000  }
0x437: {  	[sflag:s15] =	ssyncset.done $0x0  }
0x438: {  	s31 =	simm.s32 $0x2A00;
	[sflag:s15] =	ssyncadd.s32 $0xFFFFC000  }
0x439: {  	[spmem:s3] =	stream.indirect.scatter.add.f32 [tilespmem:s14], [sflag:$0x6], $0x80, s31, s13, $0xb8;
	[tilespmem:$0x1EC00] =	vst v63  }
0x43a: {  	_ =	swait.ge [sflag:s10], $0x4000  }
0x43b: {  	[sflag:s10] =	ssyncset.done $0x0  }
0x43c: {  	s31 =	simm.s32 $0x1F00;
	[sflag:s10] =	ssyncadd.s32 $0xFFFFC000  }
0x43d: {  	[tilespmem:s14], [sflag:$0x1] =	stream.indirect.gather [hbm4b:s2+s13], $0x80, s31, s13, $0xb8;
	[tilespmem:$0x1EC00] =	vst v63  }
0x43e: {  	_ =	swait.ge [sflag:s17], $0x4000  }
0x43f: {  	[sflag:s17] =	ssyncset.done $0x0  }
0x440: {  	s31 =	simm.s32 $0x2A80;
	[sflag:s17] =	ssyncadd.s32 $0xFFFFC000  }
0x441: {  	[spmem:s3] =	stream.indirect.scatter.add.f32 [tilespmem:s9], [sflag:$0x6], $0x80, s31, s13, $0xb8;
	[tilespmem:$0x1EC00] =	vst v63  }
0x442: {  	_ =	swait.ge [sflag:s10], $0x4000  }
0x443: {  	[sflag:s10] =	ssyncset.done $0x0  }
0x444: {  	s31 =	simm.s32 $0x1F80;
	[sflag:s10] =	ssyncadd.s32 $0xFFFFC000  }
0x445: {  	[tilespmem:s9], [sflag:$0x2] =	stream.indirect.gather [hbm4b:s2+s13], $0x80, s31, s13, $0xb8;
	[tilespmem:$0x1EC00] =	vst v63  }
0x446: {  	_ =	swait.ge [sflag:s15], $0x4000  }
0x447: {  	[sflag:s15] =	ssyncset.done $0x0  }
0x448: {  	s31 =	simm.s32 $0x2B00;
	[sflag:s15] =	ssyncadd.s32 $0xFFFFC000  }
0x449: {  	[spmem:s3] =	stream.indirect.scatter.add.f32 [tilespmem:s14], [sflag:$0x6], $0x80, s31, s13, $0xb8;
	[tilespmem:$0x1EC00] =	vst v63  }
0x44a: {  	_ =	swait.ge [sflag:s10], $0x4000  }
0x44b: {  	[sflag:s10] =	ssyncset.done $0x0  }
0x44c: {  	s31 =	simm.s32 $0x2000;
	[sflag:s10] =	ssyncadd.s32 $0xFFFFC000  }
0x44d: {  	[tilespmem:s14], [sflag:$0x1] =	stream.indirect.gather [hbm4b:s2+s13], $0x80, s31, s13, $0xb8;
	[tilespmem:$0x1EC00] =	vst v63  }
0x44e: {  	_ =	swait.ge [sflag:s17], $0x4000  }
0x44f: {  	[sflag:s17] =	ssyncset.done $0x0  }
0x450: {  	s31 =	simm.s32 $0x2B80;
	[sflag:s17] =	ssyncadd.s32 $0xFFFFC000  }
0x451: {  	[spmem:s3] =	stream.indirect.scatter.add.f32 [tilespmem:s9], [sflag:$0x6], $0x80, s31, s13, $0xb8;
	[tilespmem:$0x1EC00] =	vst v63  }
0x452: {  	_ =	swait.ge [sflag:s10], $0x4000  }
0x453: {  	[sflag:s10] =	ssyncset.done $0x0  }
0x454: {  	s31 =	simm.s32 $0x2080;
	[sflag:s10] =	ssyncadd.s32 $0xFFFFC000  }
0x455: {  	[tilespmem:s9], [sflag:$0x2] =	stream.indirect.gather [hbm4b:s2+s13], $0x80, s31, s13, $0xb8;
	[tilespmem:$0x1EC00] =	vst v63  }
0x456: {  	_ =	swait.ge [sflag:s15], $0x4000  }
0x457: {  	[sflag:s15] =	ssyncset.done $0x0  }
0x458: {  	s31 =	simm.s32 $0x2C00;
	[sflag:s15] =	ssyncadd.s32 $0xFFFFC000  }
0x459: {  	[spmem:s3] =	stream.indirect.scatter.add.f32 [tilespmem:s14], [sflag:$0x6], $0x80, s31, s13, $0xb8;
	[tilespmem:$0x1EC00] =	vst v63  }
0x45a: {  	_ =	swait.ge [sflag:s10], $0x4000  }
0x45b: {  	[sflag:s10] =	ssyncset.done $0x0  }
0x45c: {  	s31 =	simm.s32 $0x2100;
	[sflag:s10] =	ssyncadd.s32 $0xFFFFC000  }
0x45d: {  	[tilespmem:s14], [sflag:$0x1] =	stream.indirect.gather [hbm4b:s2+s13], $0x80, s31, s13, $0xb8;
	[tilespmem:$0x1EC00] =	vst v63  }
0x45e: {  	_ =	swait.ge [sflag:s17], $0x4000  }
0x45f: {  	[sflag:s17] =	ssyncset.done $0x0  }
0x460: {  	s31 =	simm.s32 $0x2C80;
	[sflag:s17] =	ssyncadd.s32 $0xFFFFC000  }
0x461: {  	[spmem:s3] =	stream.indirect.scatter.add.f32 [tilespmem:s9], [sflag:$0x6], $0x80, s31, s13, $0xb8;
	[tilespmem:$0x1EC00] =	vst v63  }
0x462: {  	_ =	swait.ge [sflag:s10], $0x4000  }
0x463: {  	[sflag:s10] =	ssyncset.done $0x0  }
0x464: {  	s31 =	simm.s32 $0x2180;
	[sflag:s10] =	ssyncadd.s32 $0xFFFFC000  }
0x465: {  	[tilespmem:s9], [sflag:$0x2] =	stream.indirect.gather [hbm4b:s2+s13], $0x80, s31, s13, $0xb8;
	[tilespmem:$0x1EC00] =	vst v63  }
0x466: {  	_ =	swait.ge [sflag:s15], $0x4000  }
0x467: {  	[sflag:s15] =	ssyncset.done $0x0  }
0x468: {  	s31 =	simm.s32 $0x2D00;
	[sflag:s15] =	ssyncadd.s32 $0xFFFFC000  }
0x469: {  	[spmem:s3] =	stream.indirect.scatter.add.f32 [tilespmem:s14], [sflag:$0x6], $0x80, s31, s13, $0xb8;
	[tilespmem:$0x1EC00] =	vst v63  }
0x46a: {  	_ =	swait.ge [sflag:s10], $0x4000  }
0x46b: {  	[sflag:s10] =	ssyncset.done $0x0  }
0x46c: {  	[sflag:s10] =	ssyncadd.s32 $0xFFFFC000  }
0x46d: {  	_ =	swait.ge [sflag:s17], $0x4000  }
0x46e: {  	[sflag:s17] =	ssyncset.done $0x0  }
0x46f: {  	s31 =	simm.s32 $0x2D80;
	[sflag:s17] =	ssyncadd.s32 $0xFFFFC000  }
0x470: {  	[spmem:s3] =	stream.indirect.scatter.add.f32 [tilespmem:s9], [sflag:$0x6], $0x80, s31, s13, $0xb8;
	[tilespmem:$0x1EC00] =	vst v63  }
0x471: {  	_ =	swait.ge [sflag:s10], $0x4000  }
0x472: {  	[sflag:s10] =	ssyncset.done $0x0  }
0x473: {  	[sflag:s10] =	ssyncadd.s32 $0xFFFFC000  }
0x474: {  	_ =	swait.ge [sflag:s12], $0xA00  }
0x475: {  	[sflag:s12] =	ssyncset.done $0x0  }
0x476: {  	[sflag:s12] =	ssyncadd.s32 $0xFFFFF600  }
0x477: {  	_ =	swait.ge [sflag:s12], $0xA00  }
0x478: {  	[sflag:s12] =	ssyncset.done $0x0  }
0x479: {  	[sflag:s12] =	ssyncadd.s32 $0xFFFFF600  }
0x47a: {  	[tilespmem:s14], [sflag:$0x1] =	stream.indirect.gather [hbm4b:s2+s13], $0x80, s4, s13, $0xb8;
	[tilespmem:$0x1EC00] =	vst v63  }
0x47b: {  	s1 =	rddreg [dreg:$0x10]  }
0x47c: {  	[tilespmem:s8], [sflag:$0x4] =	stream.linear.gather [hbm4b:s1+s4], $0xA00, $0x38;
	[tilespmem:$0x1EC00] =	vst v63  }
0x47d: {  	s31 =	rddreg [dreg:$0x11]  }
0x47e: {  	[tilespmem:s29], [sflag:$0x4] =	stream.linear.gather [hbm4b:s31+s4], $0xA00, $0x38;
	[tilespmem:$0x1EC00] =	vst v63  }
0x47f: {  	_ = 	snop  }
0x480: {  	[tilespmem:s9], [sflag:$0x2] =	stream.indirect.gather [hbm4b:s2+s13], $0x80, s13, s13, $0xb8;
	[tilespmem:$0x1EC00] =	vst v63  }
0x481: {  	_ =	swait.ge [sflag:s15], $0x4000  }
0x482: {  	[sflag:s15] =	ssyncset.done $0x0  }
0x483: {  	[sflag:s15] =	ssyncadd.s32 $0xFFFFC000  }
0x484: {  	[spmem:s3] =	stream.indirect.scatter.add.f32 [tilespmem:s14], [sflag:$0x6], $0x80, s7, s13, $0xb8;
	[tilespmem:$0x1EC00] =	vst v63  }
0x485: {  	_ =	swait.ge [sflag:s10], $0x4000  }
0x486: {  	[sflag:s10] =	ssyncset.done $0x0  }
0x487: {  	s31 =	simm.s32 $0x100;
	[sflag:s10] =	ssyncadd.s32 $0xFFFFC000  }
0x488: {  	[tilespmem:s14], [sflag:$0x1] =	stream.indirect.gather [hbm4b:s2+s13], $0x80, s31, s13, $0xb8;
	[tilespmem:$0x1EC00] =	vst v63  }
0x489: {  	_ =	swait.ge [sflag:s17], $0x4000  }
0x48a: {  	[sflag:s17] =	ssyncset.done $0x0  }
0x48b: {  	s31 =	simm.s32 $0xC80;
	[sflag:s17] =	ssyncadd.s32 $0xFFFFC000  }
0x48c: {  	[spmem:s3] =	stream.indirect.scatter.add.f32 [tilespmem:s9], [sflag:$0x6], $0x80, s31, s13, $0xb8;
	[tilespmem:$0x1EC00] =	vst v63  }
0x48d: {  	_ =	swait.ge [sflag:s10], $0x4000  }
0x48e: {  	[sflag:s10] =	ssyncset.done $0x0  }
0x48f: {  	s31 =	simm.s32 $0x180;
	[sflag:s10] =	ssyncadd.s32 $0xFFFFC000  }
0x490: {  	[tilespmem:s9], [sflag:$0x2] =	stream.indirect.gather [hbm4b:s2+s13], $0x80, s31, s13, $0xb8;
	[tilespmem:$0x1EC00] =	vst v63  }
0x491: {  	_ =	swait.ge [sflag:s15], $0x4000  }
0x492: {  	[sflag:s15] =	ssyncset.done $0x0  }
0x493: {  	s31 =	simm.s32 $0xD00;
	[sflag:s15] =	ssyncadd.s32 $0xFFFFC000  }
0x494: {  	[spmem:s3] =	stream.indirect.scatter.add.f32 [tilespmem:s14], [sflag:$0x6], $0x80, s31, s13, $0xb8;
	[tilespmem:$0x1EC00] =	vst v63  }
0x495: {  	_ =	swait.ge [sflag:s10], $0x4000  }
0x496: {  	[sflag:s10] =	ssyncset.done $0x0  }
0x497: {  	s31 =	simm.s32 $0x200;
	[sflag:s10] =	ssyncadd.s32 $0xFFFFC000  }
0x498: {  	[tilespmem:s14], [sflag:$0x1] =	stream.indirect.gather [hbm4b:s2+s13], $0x80, s31, s13, $0xb8;
	[tilespmem:$0x1EC00] =	vst v63  }
0x499: {  	_ =	swait.ge [sflag:s17], $0x4000  }
0x49a: {  	[sflag:s17] =	ssyncset.done $0x0  }
0x49b: {  	s31 =	simm.s32 $0xD80;
	[sflag:s17] =	ssyncadd.s32 $0xFFFFC000  }
0x49c: {  	[spmem:s3] =	stream.indirect.scatter.add.f32 [tilespmem:s9], [sflag:$0x6], $0x80, s31, s13, $0xb8;
	[tilespmem:$0x1EC00] =	vst v63  }
0x49d: {  	_ =	swait.ge [sflag:s10], $0x4000  }
0x49e: {  	[sflag:s10] =	ssyncset.done $0x0  }
0x49f: {  	s31 =	simm.s32 $0x280;
	[sflag:s10] =	ssyncadd.s32 $0xFFFFC000  }
0x4a0: {  	[tilespmem:s9], [sflag:$0x2] =	stream.indirect.gather [hbm4b:s2+s13], $0x80, s31, s13, $0xb8;
	[tilespmem:$0x1EC00] =	vst v63  }
0x4a1: {  	_ =	swait.ge [sflag:s15], $0x4000  }
0x4a2: {  	[sflag:s15] =	ssyncset.done $0x0  }
0x4a3: {  	s31 =	simm.s32 $0xE00;
	[sflag:s15] =	ssyncadd.s32 $0xFFFFC000  }
0x4a4: {  	[spmem:s3] =	stream.indirect.scatter.add.f32 [tilespmem:s14], [sflag:$0x6], $0x80, s31, s13, $0xb8;
	[tilespmem:$0x1EC00] =	vst v63  }
0x4a5: {  	_ =	swait.ge [sflag:s10], $0x4000  }
0x4a6: {  	[sflag:s10] =	ssyncset.done $0x0  }
0x4a7: {  	s31 =	simm.s32 $0x300;
	[sflag:s10] =	ssyncadd.s32 $0xFFFFC000  }
0x4a8: {  	[tilespmem:s14], [sflag:$0x1] =	stream.indirect.gather [hbm4b:s2+s13], $0x80, s31, s13, $0xb8;
	[tilespmem:$0x1EC00] =	vst v63  }
0x4a9: {  	_ =	swait.ge [sflag:s17], $0x4000  }
0x4aa: {  	[sflag:s17] =	ssyncset.done $0x0  }
0x4ab: {  	s31 =	simm.s32 $0xE80;
	[sflag:s17] =	ssyncadd.s32 $0xFFFFC000  }
0x4ac: {  	[spmem:s3] =	stream.indirect.scatter.add.f32 [tilespmem:s9], [sflag:$0x6], $0x80, s31, s13, $0xb8;
	[tilespmem:$0x1EC00] =	vst v63  }
0x4ad: {  	_ =	swait.ge [sflag:s10], $0x4000  }
0x4ae: {  	[sflag:s10] =	ssyncset.done $0x0  }
0x4af: {  	s31 =	simm.s32 $0x380;
	[sflag:s10] =	ssyncadd.s32 $0xFFFFC000  }
0x4b0: {  	[tilespmem:s9], [sflag:$0x2] =	stream.indirect.gather [hbm4b:s2+s13], $0x80, s31, s13, $0xb8;
	[tilespmem:$0x1EC00] =	vst v63  }
0x4b1: {  	_ =	swait.ge [sflag:s15], $0x4000  }
0x4b2: {  	[sflag:s15] =	ssyncset.done $0x0  }
0x4b3: {  	s31 =	simm.s32 $0xF00;
	[sflag:s15] =	ssyncadd.s32 $0xFFFFC000  }
0x4b4: {  	[spmem:s3] =	stream.indirect.scatter.add.f32 [tilespmem:s14], [sflag:$0x6], $0x80, s31, s13, $0xb8;
	[tilespmem:$0x1EC00] =	vst v63  }
0x4b5: {  	_ =	swait.ge [sflag:s10], $0x4000  }
0x4b6: {  	[sflag:s10] =	ssyncset.done $0x0  }
0x4b7: {  	s31 =	simm.s32 $0x400;
	[sflag:s10] =	ssyncadd.s32 $0xFFFFC000  }
0x4b8: {  	[tilespmem:s14], [sflag:$0x1] =	stream.indirect.gather [hbm4b:s2+s13], $0x80, s31, s13, $0xb8;
	[tilespmem:$0x1EC00] =	vst v63  }
0x4b9: {  	_ =	swait.ge [sflag:s17], $0x4000  }
0x4ba: {  	[sflag:s17] =	ssyncset.done $0x0  }
0x4bb: {  	s31 =	simm.s32 $0xF80;
	[sflag:s17] =	ssyncadd.s32 $0xFFFFC000  }
0x4bc: {  	[spmem:s3] =	stream.indirect.scatter.add.f32 [tilespmem:s9], [sflag:$0x6], $0x80, s31, s13, $0xb8;
	[tilespmem:$0x1EC00] =	vst v63  }
0x4bd: {  	_ =	swait.ge [sflag:s10], $0x4000  }
0x4be: {  	[sflag:s10] =	ssyncset.done $0x0  }
0x4bf: {  	s31 =	simm.s32 $0x480;
	[sflag:s10] =	ssyncadd.s32 $0xFFFFC000  }
0x4c0: {  	[tilespmem:s9], [sflag:$0x2] =	stream.indirect.gather [hbm4b:s2+s13], $0x80, s31, s13, $0xb8;
	[tilespmem:$0x1EC00] =	vst v63  }
0x4c1: {  	_ =	swait.ge [sflag:s15], $0x4000  }
0x4c2: {  	[sflag:s15] =	ssyncset.done $0x0  }
0x4c3: {  	s31 =	simm.s32 $0x1000;
	[sflag:s15] =	ssyncadd.s32 $0xFFFFC000  }
0x4c4: {  	[spmem:s3] =	stream.indirect.scatter.add.f32 [tilespmem:s14], [sflag:$0x6], $0x80, s31, s13, $0xb8;
	[tilespmem:$0x1EC00] =	vst v63  }
0x4c5: {  	_ =	swait.ge [sflag:s10], $0x4000  }
0x4c6: {  	[sflag:s10] =	ssyncset.done $0x0  }
0x4c7: {  	s31 =	simm.s32 $0x500;
	[sflag:s10] =	ssyncadd.s32 $0xFFFFC000  }
0x4c8: {  	[tilespmem:s14], [sflag:$0x1] =	stream.indirect.gather [hbm4b:s2+s13], $0x80, s31, s13, $0xb8;
	[tilespmem:$0x1EC00] =	vst v63  }
0x4c9: {  	_ =	swait.ge [sflag:s17], $0x4000  }
0x4ca: {  	[sflag:s17] =	ssyncset.done $0x0  }
0x4cb: {  	s31 =	simm.s32 $0x1080;
	[sflag:s17] =	ssyncadd.s32 $0xFFFFC000  }
0x4cc: {  	[spmem:s3] =	stream.indirect.scatter.add.f32 [tilespmem:s9], [sflag:$0x6], $0x80, s31, s13, $0xb8;
	[tilespmem:$0x1EC00] =	vst v63  }
0x4cd: {  	_ =	swait.ge [sflag:s10], $0x4000  }
0x4ce: {  	[sflag:s10] =	ssyncset.done $0x0  }
0x4cf: {  	s31 =	simm.s32 $0x580;
	[sflag:s10] =	ssyncadd.s32 $0xFFFFC000  }
0x4d0: {  	[tilespmem:s9], [sflag:$0x2] =	stream.indirect.gather [hbm4b:s2+s13], $0x80, s31, s13, $0xb8;
	[tilespmem:$0x1EC00] =	vst v63  }
0x4d1: {  	_ =	swait.ge [sflag:s15], $0x4000  }
0x4d2: {  	[sflag:s15] =	ssyncset.done $0x0  }
0x4d3: {  	s31 =	simm.s32 $0x1100;
	[sflag:s15] =	ssyncadd.s32 $0xFFFFC000  }
0x4d4: {  	[spmem:s3] =	stream.indirect.scatter.add.f32 [tilespmem:s14], [sflag:$0x6], $0x80, s31, s13, $0xb8;
	[tilespmem:$0x1EC00] =	vst v63  }
0x4d5: {  	_ =	swait.ge [sflag:s10], $0x4000  }
0x4d6: {  	[sflag:s10] =	ssyncset.done $0x0  }
0x4d7: {  	s31 =	simm.s32 $0x600;
	[sflag:s10] =	ssyncadd.s32 $0xFFFFC000  }
0x4d8: {  	[tilespmem:s14], [sflag:$0x1] =	stream.indirect.gather [hbm4b:s2+s13], $0x80, s31, s13, $0xb8;
	[tilespmem:$0x1EC00] =	vst v63  }
0x4d9: {  	_ =	swait.ge [sflag:s17], $0x4000  }
0x4da: {  	[sflag:s17] =	ssyncset.done $0x0  }
0x4db: {  	s31 =	simm.s32 $0x1180;
	[sflag:s17] =	ssyncadd.s32 $0xFFFFC000  }
0x4dc: {  	[spmem:s3] =	stream.indirect.scatter.add.f32 [tilespmem:s9], [sflag:$0x6], $0x80, s31, s13, $0xb8;
	[tilespmem:$0x1EC00] =	vst v63  }
0x4dd: {  	_ =	swait.ge [sflag:s10], $0x4000  }
0x4de: {  	[sflag:s10] =	ssyncset.done $0x0  }
0x4df: {  	s31 =	simm.s32 $0x680;
	[sflag:s10] =	ssyncadd.s32 $0xFFFFC000  }
0x4e0: {  	[tilespmem:s9], [sflag:$0x2] =	stream.indirect.gather [hbm4b:s2+s13], $0x80, s31, s13, $0xb8;
	[tilespmem:$0x1EC00] =	vst v63  }
0x4e1: {  	_ =	swait.ge [sflag:s15], $0x4000  }
0x4e2: {  	[sflag:s15] =	ssyncset.done $0x0  }
0x4e3: {  	s31 =	simm.s32 $0x1200;
	[sflag:s15] =	ssyncadd.s32 $0xFFFFC000  }
0x4e4: {  	[spmem:s3] =	stream.indirect.scatter.add.f32 [tilespmem:s14], [sflag:$0x6], $0x80, s31, s13, $0xb8;
	[tilespmem:$0x1EC00] =	vst v63  }
0x4e5: {  	_ =	swait.ge [sflag:s10], $0x4000  }
0x4e6: {  	[sflag:s10] =	ssyncset.done $0x0  }
0x4e7: {  	s31 =	simm.s32 $0x700;
	[sflag:s10] =	ssyncadd.s32 $0xFFFFC000  }
0x4e8: {  	[tilespmem:s14], [sflag:$0x1] =	stream.indirect.gather [hbm4b:s2+s13], $0x80, s31, s13, $0xb8;
	[tilespmem:$0x1EC00] =	vst v63  }
0x4e9: {  	_ =	swait.ge [sflag:s17], $0x4000  }
0x4ea: {  	[sflag:s17] =	ssyncset.done $0x0  }
0x4eb: {  	s31 =	simm.s32 $0x1280;
	[sflag:s17] =	ssyncadd.s32 $0xFFFFC000  }
0x4ec: {  	[spmem:s3] =	stream.indirect.scatter.add.f32 [tilespmem:s9], [sflag:$0x6], $0x80, s31, s13, $0xb8;
	[tilespmem:$0x1EC00] =	vst v63  }
0x4ed: {  	_ =	swait.ge [sflag:s10], $0x4000  }
0x4ee: {  	[sflag:s10] =	ssyncset.done $0x0  }
0x4ef: {  	s31 =	simm.s32 $0x780;
	[sflag:s10] =	ssyncadd.s32 $0xFFFFC000  }
0x4f0: {  	[tilespmem:s9], [sflag:$0x2] =	stream.indirect.gather [hbm4b:s2+s13], $0x80, s31, s13, $0xb8;
	[tilespmem:$0x1EC00] =	vst v63  }
0x4f1: {  	_ =	swait.ge [sflag:s15], $0x4000  }
0x4f2: {  	[sflag:s15] =	ssyncset.done $0x0  }
0x4f3: {  	s31 =	simm.s32 $0x1300;
	[sflag:s15] =	ssyncadd.s32 $0xFFFFC000  }
0x4f4: {  	[spmem:s3] =	stream.indirect.scatter.add.f32 [tilespmem:s14], [sflag:$0x6], $0x80, s31, s13, $0xb8;
	[tilespmem:$0x1EC00] =	vst v63  }
0x4f5: {  	_ =	swait.ge [sflag:s10], $0x4000  }
0x4f6: {  	[sflag:s10] =	ssyncset.done $0x0  }
0x4f7: {  	s31 =	simm.s32 $0x800;
	[sflag:s10] =	ssyncadd.s32 $0xFFFFC000  }
0x4f8: {  	[tilespmem:s14], [sflag:$0x1] =	stream.indirect.gather [hbm4b:s2+s13], $0x80, s31, s13, $0xb8;
	[tilespmem:$0x1EC00] =	vst v63  }
0x4f9: {  	_ =	swait.ge [sflag:s17], $0x4000  }
0x4fa: {  	[sflag:s17] =	ssyncset.done $0x0  }
0x4fb: {  	s31 =	simm.s32 $0x1380;
	[sflag:s17] =	ssyncadd.s32 $0xFFFFC000  }
0x4fc: {  	[spmem:s3] =	stream.indirect.scatter.add.f32 [tilespmem:s9], [sflag:$0x6], $0x80, s31, s13, $0xb8;
	[tilespmem:$0x1EC00] =	vst v63  }
0x4fd: {  	_ =	swait.ge [sflag:s10], $0x4000  }
0x4fe: {  	[sflag:s10] =	ssyncset.done $0x0  }
0x4ff: {  	s31 =	simm.s32 $0x880;
	[sflag:s10] =	ssyncadd.s32 $0xFFFFC000  }
0x500: {  	[tilespmem:s9], [sflag:$0x2] =	stream.indirect.gather [hbm4b:s2+s13], $0x80, s31, s13, $0xb8;
	[tilespmem:$0x1EC00] =	vst v63  }
0x501: {  	_ =	swait.ge [sflag:s15], $0x4000  }
0x502: {  	[sflag:s15] =	ssyncset.done $0x0  }
0x503: {  	s31 =	simm.s32 $0x1400;
	[sflag:s15] =	ssyncadd.s32 $0xFFFFC000  }
0x504: {  	[spmem:s3] =	stream.indirect.scatter.add.f32 [tilespmem:s14], [sflag:$0x6], $0x80, s31, s13, $0xb8;
	[tilespmem:$0x1EC00] =	vst v63  }
0x505: {  	_ =	swait.ge [sflag:s10], $0x4000  }
0x506: {  	[sflag:s10] =	ssyncset.done $0x0  }
0x507: {  	s31 =	simm.s32 $0x900;
	[sflag:s10] =	ssyncadd.s32 $0xFFFFC000  }
0x508: {  	[tilespmem:s14], [sflag:$0x1] =	stream.indirect.gather [hbm4b:s2+s13], $0x80, s31, s13, $0xb8;
	[tilespmem:$0x1EC00] =	vst v63  }
0x509: {  	_ =	swait.ge [sflag:s17], $0x4000  }
0x50a: {  	[sflag:s17] =	ssyncset.done $0x0  }
0x50b: {  	s31 =	simm.s32 $0x1480;
	[sflag:s17] =	ssyncadd.s32 $0xFFFFC000  }
0x50c: {  	[spmem:s3] =	stream.indirect.scatter.add.f32 [tilespmem:s9], [sflag:$0x6], $0x80, s31, s13, $0xb8;
	[tilespmem:$0x1EC00] =	vst v63  }
0x50d: {  	_ =	swait.ge [sflag:s10], $0x4000  }
0x50e: {  	[sflag:s10] =	ssyncset.done $0x0  }
0x50f: {  	s31 =	simm.s32 $0x980;
	[sflag:s10] =	ssyncadd.s32 $0xFFFFC000  }
0x510: {  	[tilespmem:s9], [sflag:$0x2] =	stream.indirect.gather [hbm4b:s2+s13], $0x80, s31, s13, $0xb8;
	[tilespmem:$0x1EC00] =	vst v63  }
0x511: {  	_ =	swait.ge [sflag:s15], $0x4000  }
0x512: {  	[sflag:s15] =	ssyncset.done $0x0  }
0x513: {  	s31 =	simm.s32 $0x1500;
	[sflag:s15] =	ssyncadd.s32 $0xFFFFC000  }
0x514: {  	[spmem:s3] =	stream.indirect.scatter.add.f32 [tilespmem:s14], [sflag:$0x6], $0x80, s31, s13, $0xb8;
	[tilespmem:$0x1EC00] =	vst v63  }
0x515: {  	_ =	swait.ge [sflag:s10], $0x4000  }
0x516: {  	[sflag:s10] =	ssyncset.done $0x0  }
0x517: {  	[sflag:s10] =	ssyncadd.s32 $0xFFFFC000  }
0x518: {  	_ =	swait.ge [sflag:s17], $0x4000  }
0x519: {  	[sflag:s17] =	ssyncset.done $0x0  }
0x51a: {  	s31 =	simm.s32 $0x1580;
	[sflag:s17] =	ssyncadd.s32 $0xFFFFC000  }
0x51b: {  	[spmem:s3] =	stream.indirect.scatter.add.f32 [tilespmem:s9], [sflag:$0x6], $0x80, s31, s13, $0xb8;
	[tilespmem:$0x1EC00] =	vst v63  }
0x51c: {  	_ =	swait.ge [sflag:s10], $0x4000  }
0x51d: {  	[sflag:s10] =	ssyncset.done $0x0  }
0x51e: {  	[sflag:s10] =	ssyncadd.s32 $0xFFFFC000  }
0x51f: {  	_ =	swait.ge [sflag:s20], $0xA00  }
0x520: {  	[sflag:s20] =	ssyncset.done $0x0  }
0x521: {  	[sflag:s20] =	ssyncadd.s32 $0xFFFFF600  }
0x522: {  	_ =	swait.ge [sflag:s20], $0xA00  }
0x523: {  	[sflag:s20] =	ssyncset.done $0x0  }
0x524: {  	[sflag:s20] =	ssyncadd.s32 $0xFFFFF600  }
0x525: {  	[tilespmem:s14], [sflag:$0x1] =	stream.indirect.gather [hbm4b:s2+s13], $0x80, s8, s13, $0xb8;
	[tilespmem:$0x1EC00] =	vst v63  }
0x526: {  	_ = 	snop  }
0x527: {  	[tilespmem:s9], [sflag:$0x2] =	stream.indirect.gather [hbm4b:s2+s13], $0x80, s0, s13, $0xb8;
	[tilespmem:$0x1EC00] =	vst v63  }
0x528: {  	_ =	swait.ge [sflag:s15], $0x4000  }
0x529: {  	[sflag:s15] =	ssyncset.done $0x0  }
0x52a: {  	[sflag:s15] =	ssyncadd.s32 $0xFFFFC000  }
0x52b: {  	[spmem:s3] =	stream.indirect.scatter.add.f32 [tilespmem:s14], [sflag:$0x6], $0x80, s29, s13, $0xb8;
	[tilespmem:$0x1EC00] =	vst v63  }
0x52c: {  	_ =	swait.ge [sflag:s10], $0x4000  }
0x52d: {  	[sflag:s10] =	ssyncset.done $0x0  }
0x52e: {  	[sflag:s10] =	ssyncadd.s32 $0xFFFFC000  }
0x52f: {  	[tilespmem:s14], [sflag:$0x1] =	stream.indirect.gather [hbm4b:s2+s13], $0x80, s5, s13, $0xb8;
	[tilespmem:$0x1EC00] =	vst v63  }
0x530: {  	_ =	swait.ge [sflag:s17], $0x4000  }
0x531: {  	[sflag:s17] =	ssyncset.done $0x0  }
0x532: {  	[sflag:s17] =	ssyncadd.s32 $0xFFFFC000  }
0x533: {  	[spmem:s3] =	stream.indirect.scatter.add.f32 [tilespmem:s9], [sflag:$0x6], $0x80, s6, s13, $0xb8;
	[tilespmem:$0x1EC00] =	vst v63  }
0x534: {  	_ =	swait.ge [sflag:s10], $0x4000  }
0x535: {  	[sflag:s10] =	ssyncset.done $0x0  }
0x536: {  	[sflag:s10] =	ssyncadd.s32 $0xFFFFC000  }
0x537: {  	[tilespmem:s9], [sflag:$0x2] =	stream.indirect.gather [hbm4b:s2+s13], $0x80, s16, s13, $0xb8;
	[tilespmem:$0x1EC00] =	vst v63  }
0x538: {  	_ =	swait.ge [sflag:s15], $0x4000  }
0x539: {  	[sflag:s15] =	ssyncset.done $0x0  }
0x53a: {  	[sflag:s15] =	ssyncadd.s32 $0xFFFFC000  }
0x53b: {  	[spmem:s3] =	stream.indirect.scatter.add.f32 [tilespmem:s14], [sflag:$0x6], $0x80, s18, s13, $0xb8;
	[tilespmem:$0x1EC00] =	vst v63  }
0x53c: {  	_ =	swait.ge [sflag:s10], $0x4000  }
0x53d: {  	[sflag:s10] =	ssyncset.done $0x0  }
0x53e: {  	[sflag:s10] =	ssyncadd.s32 $0xFFFFC000  }
0x53f: {  	[tilespmem:s14], [sflag:$0x1] =	stream.indirect.gather [hbm4b:s2+s13], $0x80, s19, s13, $0xb8;
	[tilespmem:$0x1EC00] =	vst v63  }
0x540: {  	_ =	swait.ge [sflag:s17], $0x4000  }
0x541: {  	[sflag:s17] =	ssyncset.done $0x0  }
0x542: {  	[sflag:s17] =	ssyncadd.s32 $0xFFFFC000  }
0x543: {  	[spmem:s3] =	stream.indirect.scatter.add.f32 [tilespmem:s9], [sflag:$0x6], $0x80, s21, s13, $0xb8;
	[tilespmem:$0x1EC00] =	vst v63  }
0x544: {  	_ =	swait.ge [sflag:s10], $0x4000  }
0x545: {  	[sflag:s10] =	ssyncset.done $0x0  }
0x546: {  	[sflag:s10] =	ssyncadd.s32 $0xFFFFC000  }
0x547: {  	[tilespmem:s9], [sflag:$0x2] =	stream.indirect.gather [hbm4b:s2+s13], $0x80, s22, s13, $0xb8;
	[tilespmem:$0x1EC00] =	vst v63  }
0x548: {  	_ =	swait.ge [sflag:s15], $0x4000  }
0x549: {  	[sflag:s15] =	ssyncset.done $0x0  }
0x54a: {  	[sflag:s15] =	ssyncadd.s32 $0xFFFFC000  }
0x54b: {  	[spmem:s3] =	stream.indirect.scatter.add.f32 [tilespmem:s14], [sflag:$0x6], $0x80, s23, s13, $0xb8;
	[tilespmem:$0x1EC00] =	vst v63  }
0x54c: {  	_ =	swait.ge [sflag:s10], $0x4000  }
0x54d: {  	[sflag:s10] =	ssyncset.done $0x0  }
0x54e: {  	[sflag:s10] =	ssyncadd.s32 $0xFFFFC000  }
0x54f: {  	[tilespmem:s14], [sflag:$0x1] =	stream.indirect.gather [hbm4b:s2+s13], $0x80, s24, s13, $0xb8;
	[tilespmem:$0x1EC00] =	vst v63  }
0x550: {  	_ =	swait.ge [sflag:s17], $0x4000  }
0x551: {  	[sflag:s17] =	ssyncset.done $0x0  }
0x552: {  	[sflag:s17] =	ssyncadd.s32 $0xFFFFC000  }
0x553: {  	[spmem:s3] =	stream.indirect.scatter.add.f32 [tilespmem:s9], [sflag:$0x6], $0x80, s25, s13, $0xb8;
	[tilespmem:$0x1EC00] =	vst v63  }
0x554: {  	_ =	swait.ge [sflag:s10], $0x4000  }
0x555: {  	[sflag:s10] =	ssyncset.done $0x0  }
0x556: {  	[sflag:s10] =	ssyncadd.s32 $0xFFFFC000  }
0x557: {  	[tilespmem:s9], [sflag:$0x2] =	stream.indirect.gather [hbm4b:s2+s13], $0x80, s26, s13, $0xb8;
	[tilespmem:$0x1EC00] =	vst v63  }
0x558: {  	_ =	swait.ge [sflag:s15], $0x4000  }
0x559: {  	[sflag:s15] =	ssyncset.done $0x0  }
0x55a: {  	[sflag:s15] =	ssyncadd.s32 $0xFFFFC000  }
0x55b: {  	[spmem:s3] =	stream.indirect.scatter.add.f32 [tilespmem:s14], [sflag:$0x6], $0x80, s28, s13, $0xb8;
	[tilespmem:$0x1EC00] =	vst v63  }
0x55c: {  	_ =	swait.ge [sflag:s10], $0x4000  }
0x55d: {  	[sflag:s10] =	ssyncset.done $0x0  }
0x55e: {  	s31 =	simm.s32 $0x1C00;
	[sflag:s10] =	ssyncadd.s32 $0xFFFFC000  }
0x55f: {  	[tilespmem:s14], [sflag:$0x1] =	stream.indirect.gather [hbm4b:s2+s13], $0x80, s31, s13, $0xb8;
	[tilespmem:$0x1EC00] =	vst v63  }
0x560: {  	_ =	swait.ge [sflag:s17], $0x4000  }
0x561: {  	[sflag:s17] =	ssyncset.done $0x0  }
0x562: {  	s1 =	simm.s32 $0x2780;
	[sflag:s17] =	ssyncadd.s32 $0xFFFFC000  }
0x563: {  	[spmem:s3] =	stream.indirect.scatter.add.f32 [tilespmem:s9], [sflag:$0x6], $0x80, s1, s13, $0xb8;
	[tilespmem:$0x1EC00] =	vst v63  }
0x564: {  	_ =	swait.ge [sflag:s10], $0x4000  }
0x565: {  	[sflag:s10] =	ssyncset.done $0x0  }
0x566: {  	s31 =	simm.s32 $0x1C80;
	[sflag:s10] =	ssyncadd.s32 $0xFFFFC000  }
0x567: {  	[tilespmem:s9], [sflag:$0x2] =	stream.indirect.gather [hbm4b:s2+s13], $0x80, s31, s13, $0xb8;
	[tilespmem:$0x1EC00] =	vst v63  }
0x568: {  	_ =	swait.ge [sflag:s15], $0x4000  }
0x569: {  	[sflag:s15] =	ssyncset.done $0x0  }
0x56a: {  	s1 =	simm.s32 $0x2800;
	[sflag:s15] =	ssyncadd.s32 $0xFFFFC000  }
0x56b: {  	[spmem:s3] =	stream.indirect.scatter.add.f32 [tilespmem:s14], [sflag:$0x6], $0x80, s1, s13, $0xb8;
	[tilespmem:$0x1EC00] =	vst v63  }
0x56c: {  	_ =	swait.ge [sflag:s10], $0x4000  }
0x56d: {  	[sflag:s10] =	ssyncset.done $0x0  }
0x56e: {  	s31 =	simm.s32 $0x1D00;
	[sflag:s10] =	ssyncadd.s32 $0xFFFFC000  }
0x56f: {  	[tilespmem:s14], [sflag:$0x1] =	stream.indirect.gather [hbm4b:s2+s13], $0x80, s31, s13, $0xb8;
	[tilespmem:$0x1EC00] =	vst v63  }
0x570: {  	_ =	swait.ge [sflag:s17], $0x4000  }
0x571: {  	[sflag:s17] =	ssyncset.done $0x0  }
0x572: {  	s1 =	simm.s32 $0x2880;
	[sflag:s17] =	ssyncadd.s32 $0xFFFFC000  }
0x573: {  	[spmem:s3] =	stream.indirect.scatter.add.f32 [tilespmem:s9], [sflag:$0x6], $0x80, s1, s13, $0xb8;
	[tilespmem:$0x1EC00] =	vst v63  }
0x574: {  	_ =	swait.ge [sflag:s10], $0x4000  }
0x575: {  	[sflag:s10] =	ssyncset.done $0x0  }
0x576: {  	s31 =	simm.s32 $0x1D80;
	[sflag:s10] =	ssyncadd.s32 $0xFFFFC000  }
0x577: {  	[tilespmem:s9], [sflag:$0x2] =	stream.indirect.gather [hbm4b:s2+s13], $0x80, s31, s13, $0xb8;
	[tilespmem:$0x1EC00] =	vst v63  }
0x578: {  	_ =	swait.ge [sflag:s15], $0x4000  }
0x579: {  	[sflag:s15] =	ssyncset.done $0x0  }
0x57a: {  	s1 =	simm.s32 $0x2900;
	[sflag:s15] =	ssyncadd.s32 $0xFFFFC000  }
0x57b: {  	[spmem:s3] =	stream.indirect.scatter.add.f32 [tilespmem:s14], [sflag:$0x6], $0x80, s1, s13, $0xb8;
	[tilespmem:$0x1EC00] =	vst v63  }
0x57c: {  	_ =	swait.ge [sflag:s10], $0x4000  }
0x57d: {  	[sflag:s10] =	ssyncset.done $0x0  }
0x57e: {  	s31 =	simm.s32 $0x1E00;
	[sflag:s10] =	ssyncadd.s32 $0xFFFFC000  }
0x57f: {  	[tilespmem:s14], [sflag:$0x1] =	stream.indirect.gather [hbm4b:s2+s13], $0x80, s31, s13, $0xb8;
	[tilespmem:$0x1EC00] =	vst v63  }
0x580: {  	_ =	swait.ge [sflag:s17], $0x4000  }
0x581: {  	[sflag:s17] =	ssyncset.done $0x0  }
0x582: {  	s1 =	simm.s32 $0x2980;
	[sflag:s17] =	ssyncadd.s32 $0xFFFFC000  }
0x583: {  	[spmem:s3] =	stream.indirect.scatter.add.f32 [tilespmem:s9], [sflag:$0x6], $0x80, s1, s13, $0xb8;
	[tilespmem:$0x1EC00] =	vst v63  }
0x584: {  	_ =	swait.ge [sflag:s10], $0x4000  }
0x585: {  	[sflag:s10] =	ssyncset.done $0x0  }
0x586: {  	s31 =	simm.s32 $0x1E80;
	[sflag:s10] =	ssyncadd.s32 $0xFFFFC000  }
0x587: {  	[tilespmem:s9], [sflag:$0x2] =	stream.indirect.gather [hbm4b:s2+s13], $0x80, s31, s13, $0xb8;
	[tilespmem:$0x1EC00] =	vst v63  }
0x588: {  	_ =	swait.ge [sflag:s15], $0x4000  }
0x589: {  	[sflag:s15] =	ssyncset.done $0x0  }
0x58a: {  	s1 =	simm.s32 $0x2A00;
	[sflag:s15] =	ssyncadd.s32 $0xFFFFC000  }
0x58b: {  	[spmem:s3] =	stream.indirect.scatter.add.f32 [tilespmem:s14], [sflag:$0x6], $0x80, s1, s13, $0xb8;
	[tilespmem:$0x1EC00] =	vst v63  }
0x58c: {  	_ =	swait.ge [sflag:s10], $0x4000  }
0x58d: {  	[sflag:s10] =	ssyncset.done $0x0  }
0x58e: {  	s31 =	simm.s32 $0x1F00;
	[sflag:s10] =	ssyncadd.s32 $0xFFFFC000  }
0x58f: {  	[tilespmem:s14], [sflag:$0x1] =	stream.indirect.gather [hbm4b:s2+s13], $0x80, s31, s13, $0xb8;
	[tilespmem:$0x1EC00] =	vst v63  }
0x590: {  	_ =	swait.ge [sflag:s17], $0x4000  }
0x591: {  	[sflag:s17] =	ssyncset.done $0x0  }
0x592: {  	s1 =	simm.s32 $0x2A80;
	[sflag:s17] =	ssyncadd.s32 $0xFFFFC000  }
0x593: {  	[spmem:s3] =	stream.indirect.scatter.add.f32 [tilespmem:s9], [sflag:$0x6], $0x80, s1, s13, $0xb8;
	[tilespmem:$0x1EC00] =	vst v63  }
0x594: {  	_ =	swait.ge [sflag:s10], $0x4000  }
0x595: {  	[sflag:s10] =	ssyncset.done $0x0  }
0x596: {  	s31 =	simm.s32 $0x1F80;
	[sflag:s10] =	ssyncadd.s32 $0xFFFFC000  }
0x597: {  	[tilespmem:s9], [sflag:$0x2] =	stream.indirect.gather [hbm4b:s2+s13], $0x80, s31, s13, $0xb8;
	[tilespmem:$0x1EC00] =	vst v63  }
0x598: {  	_ =	swait.ge [sflag:s15], $0x4000  }
0x599: {  	[sflag:s15] =	ssyncset.done $0x0  }
0x59a: {  	s1 =	simm.s32 $0x2B00;
	[sflag:s15] =	ssyncadd.s32 $0xFFFFC000  }
0x59b: {  	[spmem:s3] =	stream.indirect.scatter.add.f32 [tilespmem:s14], [sflag:$0x6], $0x80, s1, s13, $0xb8;
	[tilespmem:$0x1EC00] =	vst v63  }
0x59c: {  	_ =	swait.ge [sflag:s10], $0x4000  }
0x59d: {  	[sflag:s10] =	ssyncset.done $0x0  }
0x59e: {  	s31 =	simm.s32 $0x2000;
	[sflag:s10] =	ssyncadd.s32 $0xFFFFC000  }
0x59f: {  	[tilespmem:s14], [sflag:$0x1] =	stream.indirect.gather [hbm4b:s2+s13], $0x80, s31, s13, $0xb8;
	[tilespmem:$0x1EC00] =	vst v63  }
0x5a0: {  	_ =	swait.ge [sflag:s17], $0x4000  }
0x5a1: {  	[sflag:s17] =	ssyncset.done $0x0  }
0x5a2: {  	s1 =	simm.s32 $0x2B80;
	[sflag:s17] =	ssyncadd.s32 $0xFFFFC000  }
0x5a3: {  	[spmem:s3] =	stream.indirect.scatter.add.f32 [tilespmem:s9], [sflag:$0x6], $0x80, s1, s13, $0xb8;
	[tilespmem:$0x1EC00] =	vst v63  }
0x5a4: {  	_ =	swait.ge [sflag:s10], $0x4000  }
0x5a5: {  	[sflag:s10] =	ssyncset.done $0x0  }
0x5a6: {  	s31 =	simm.s32 $0x2080;
	[sflag:s10] =	ssyncadd.s32 $0xFFFFC000  }
0x5a7: {  	[tilespmem:s9], [sflag:$0x2] =	stream.indirect.gather [hbm4b:s2+s13], $0x80, s31, s13, $0xb8;
	[tilespmem:$0x1EC00] =	vst v63  }
0x5a8: {  	_ =	swait.ge [sflag:s15], $0x4000  }
0x5a9: {  	[sflag:s15] =	ssyncset.done $0x0  }
0x5aa: {  	s1 =	simm.s32 $0x2C00;
	[sflag:s15] =	ssyncadd.s32 $0xFFFFC000  }
0x5ab: {  	[spmem:s3] =	stream.indirect.scatter.add.f32 [tilespmem:s14], [sflag:$0x6], $0x80, s1, s13, $0xb8;
	[tilespmem:$0x1EC00] =	vst v63  }
0x5ac: {  	_ =	swait.ge [sflag:s10], $0x4000  }
0x5ad: {  	[sflag:s10] =	ssyncset.done $0x0  }
0x5ae: {  	s31 =	simm.s32 $0x2100;
	[sflag:s10] =	ssyncadd.s32 $0xFFFFC000  }
0x5af: {  	[tilespmem:s14], [sflag:$0x1] =	stream.indirect.gather [hbm4b:s2+s13], $0x80, s31, s13, $0xb8;
	[tilespmem:$0x1EC00] =	vst v63  }
0x5b0: {  	_ =	swait.ge [sflag:s17], $0x4000  }
0x5b1: {  	[sflag:s17] =	ssyncset.done $0x0  }
0x5b2: {  	s1 =	simm.s32 $0x2C80;
	[sflag:s17] =	ssyncadd.s32 $0xFFFFC000  }
0x5b3: {  	[spmem:s3] =	stream.indirect.scatter.add.f32 [tilespmem:s9], [sflag:$0x6], $0x80, s1, s13, $0xb8;
	[tilespmem:$0x1EC00] =	vst v63  }
0x5b4: {  	_ =	swait.ge [sflag:s10], $0x4000  }
0x5b5: {  	[sflag:s10] =	ssyncset.done $0x0  }
0x5b6: {  	s31 =	simm.s32 $0x2180;
	[sflag:s10] =	ssyncadd.s32 $0xFFFFC000  }
0x5b7: {  	[tilespmem:s9], [sflag:$0x2] =	stream.indirect.gather [hbm4b:s2+s13], $0x80, s31, s13, $0xb8;
	[tilespmem:$0x1EC00] =	vst v63  }
0x5b8: {  	_ =	swait.ge [sflag:s15], $0x4000  }
0x5b9: {  	[sflag:s15] =	ssyncset.done $0x0  }
0x5ba: {  	s1 =	simm.s32 $0x2D00;
	[sflag:s15] =	ssyncadd.s32 $0xFFFFC000  }
0x5bb: {  	[spmem:s3] =	stream.indirect.scatter.add.f32 [tilespmem:s14], [sflag:$0x6], $0x80, s1, s13, $0xb8;
	[tilespmem:$0x1EC00] =	vst v63  }
0x5bc: {  	_ =	swait.ge [sflag:s10], $0x4000  }
0x5bd: {  	[sflag:s10] =	ssyncset.done $0x0  }
0x5be: {  	[sflag:s10] =	ssyncadd.s32 $0xFFFFC000  }
0x5bf: {  	_ =	swait.ge [sflag:s17], $0x4000  }
0x5c0: {  	[sflag:s17] =	ssyncset.done $0x0  }
0x5c1: {  	s31 =	simm.s32 $0x2D80;
	[sflag:s17] =	ssyncadd.s32 $0xFFFFC000  }
0x5c2: {  	[spmem:s3] =	stream.indirect.scatter.add.f32 [tilespmem:s9], [sflag:$0x6], $0x80, s31, s13, $0xb8;
	[tilespmem:$0x1EC00] =	vst v63  }
0x5c3: {  	_ =	swait.ge [sflag:s10], $0x4000  }
0x5c4: {  	[sflag:s10] =	ssyncset.done $0x0  }
0x5c5: {  	[sflag:s10] =	ssyncadd.s32 $0xFFFFC000  }
0x5c6: {  	[bflag:$0x0] =	sbarrier.arrive $0xFFFF  }
0x5c7: {  	s1 =	rddreg [dreg:$0x14]  }
0x5c8: {  	s31 =	rddreg [dreg:$0x12]  }
0x5c9: {  	s30 =	sadd.s32 $0xFFFFFFFF, s30;
	s0 =	rddreg [dreg:$0x17]  }
0x5ca: {  	[hbm:s31], [sflag:s0] =	dma.local [spmem:s1], $0x2700  }
0x5cb: {  	p1 =	sne.s32 s30, $0x0;
	_ =	swait.ge [sflag:s10], $0x2700  }
.Ltmp1:
0x5cc: {  	[sflag:s10] =	ssyncset.done $0x0;
	s1 =	rddreg [dreg:$0x13];
	(pc) =	sbr.rel @p1 .LBB2_2-.Ltmp1, $4  }
0x5cd: {  	s31 =	rddreg [dreg:$0x15];
	[sflag:s10] =	ssyncadd.s32 $0xFFFFD900  }
0x5ce: {  	[hbm:s1], [sflag:s0] =	dma.local @!p0 [spmem:s31], $0x100  }
0x5cf: {  	s0 =	simm.s32 @!p0 $0x6  }
0x5d0: {  	_ =	swait.ge @!p0 [sflag:s0], $0x100  }
.LBB2_3:
0x5d1: {  	[sflag:s0] =	ssyncset.done @!p0 $0x0  }
0x5d2: {  	[sflag:s0] =	ssyncadd.s32 @!p0 $0xFFFFFF00  }
0x5d3: {  	_ =	sfence.sel $0x180000  }
0x5d4: {  	[bflag:$0x0] =	sbarrier.arrive $0xFFFF  }
0x5d5: {  	_ =	strace $0x90000047  }
0x5d6: {  	s31 =	stileid.u32;
	[bflag:$0x2] =	sbarrier.arrive $0xFFFF  }
0x5d7: {  	p0 =	sne.s32 s31, $0x0;
	s0 =	rddreg [dreg:$0x4]  }
0x5d8: {  	s0 =	sadd.s32 @!p0 $0x100000, s0  }
0x5d9: {  	[sflag:s0] =	ssyncadd.tile.s32 @!p0 $0x1;
	_ =	shalt  }
.Lfunc_end2:
_tile_overlayer_lowered:
.L_overlay_start_2:
0x5da: {  	(tag) =	ssettag $0x2  }
0x5db: {  	s0 =	rddreg [dreg:$0x0];
	s2 =	stileid.u32  }
0x5dc: {  	s1 =	rddreg [dreg:$0x1];
	p0 =	sne.s32 s2, $0x0  }
0x5dd: {  	s3 =	rddreg [dreg:$0x2];
	[bflag:$0x3] =	sbarrier.arrive $0xFFFF;
	s2 =	simm.s32 @!p0 $0x1C06  }
0x5de: {  	[timem:s3], [sflag:s2] =	dma.local @!p0 [hbm:s0], s1  }
0x5df: {  	s0 =	simm.s32 @!p0 $0x6  }
0x5e0: {  	_ =	swait.ge @!p0 [sflag:s0], s1  }
0x5e1: {  	s1 =	ssub.s32 @!p0 $0x0, s1;
	[sflag:s0] =	ssyncset.done @!p0 $0x0  }
0x5e2: {  	[sflag:s0] =	ssyncadd.s32 @!p0 s1  }
0x5e3: {  	[bflag:$0x3] =	sbarrier.arrive $0xFFFF  }
0x5e4: {  	_ =	shalt  }

</sc_bundles>
